<compile_context>
chip_gen: v7x
topology: tpu7x:2x2x1
jax: 0.10.2.dev20260603
libtpu: 0.0.44.dev20260713+nightly
codegen_flags: <defaults>
</compile_context>

<pallas_src>
import functools

import jax
import jax.numpy as jnp
from jax import lax
from jax.experimental import pallas as pl
from jax.experimental.pallas import tpu as pltpu
from jax.experimental.pallas import tpu_sc as plsc

B = 16384
D = 64
NC = 2
NS = 16
NW = NC * NS
BPW = B // NW
NG = BPW // 16
LAMDA = 0.001


def _sc_body(user_hbm, pos_hbm, neg_hbm, utab, itab,
             d_hbm, nu2_hbm, np2_hbm, nn2_hbm,
             idx_u, idx_p, idx_n, urows, prows, nrows,
             dv, nu2v, np2v, nn2v, sem):
    wid = lax.axis_index("s") * NC + lax.axis_index("c")
    base = wid * BPW
    pltpu.sync_copy(user_hbm.at[pl.ds(base, BPW)], idx_u)
    pltpu.sync_copy(pos_hbm.at[pl.ds(base, BPW)], idx_p)
    pltpu.sync_copy(neg_hbm.at[pl.ds(base, BPW)], idx_n)

    lane = lax.iota(jnp.int32, 16)

    def group_body(g, carry):
        sl = pl.ds(g * 16, 16)
        iu = idx_u[sl]
        ip = idx_p[sl]
        inn = idx_n[sl]
        cps = []
        for k in range(16):
            csl = pl.ds(0, D)
            cps.append(pltpu.async_copy(utab.at[iu[k]],
                                        urows.at[k, csl], sem))
            cps.append(pltpu.async_copy(itab.at[ip[k]],
                                        prows.at[k, csl], sem))
            cps.append(pltpu.async_copy(itab.at[inn[k]],
                                        nrows.at[k, csl], sem))
        for cp in cps:
            cp.wait()
        z = jnp.zeros((16,), jnp.float32)

        def col_body(j, accs):
            a_ui, a_uj, a_u2, a_p2, a_n2 = accs
            cols = jnp.full((16,), j, jnp.int32)
            uu = plsc.load_gather(urows, [lane, cols])
            pp = plsc.load_gather(prows, [lane, cols])
            nn = plsc.load_gather(nrows, [lane, cols])
            return (a_ui + uu * pp, a_uj + uu * nn,
                    a_u2 + uu * uu, a_p2 + pp * pp, a_n2 + nn * nn)

        a_ui, a_uj, a_u2, a_p2, a_n2 = lax.fori_loop(
            0, D, col_body, (z, z, z, z, z))
        dv[sl] = a_ui - a_uj
        nu2v[sl] = a_u2
        np2v[sl] = a_p2
        nn2v[sl] = a_n2
        return carry

    lax.fori_loop(0, NG, group_body, 0)
    pltpu.sync_copy(dv, d_hbm.at[pl.ds(base, BPW)])
    pltpu.sync_copy(nu2v, nu2_hbm.at[pl.ds(base, BPW)])
    pltpu.sync_copy(np2v, np2_hbm.at[pl.ds(base, BPW)])
    pltpu.sync_copy(nn2v, nn2_hbm.at[pl.ds(base, BPW)])


@functools.cache
def _make_sc_main():
  return pl.kernel(
    _sc_body,
    out_type=[jax.ShapeDtypeStruct((B,), jnp.float32)] * 4,
    mesh=plsc.VectorSubcoreMesh(core_axis_name="c", subcore_axis_name="s"),
    compiler_params=pltpu.CompilerParams(needs_layout_passes=False,
                                         use_tc_tiling_on_sc=True,
                                         skip_device_barrier=True),
    scratch_types=[
        pltpu.VMEM((BPW,), jnp.int32),
        pltpu.VMEM((BPW,), jnp.int32),
        pltpu.VMEM((BPW,), jnp.int32),
        pltpu.VMEM((16, 128), jnp.float32),
        pltpu.VMEM((16, 128), jnp.float32),
        pltpu.VMEM((16, 128), jnp.float32),
        pltpu.VMEM((BPW,), jnp.float32),
        pltpu.VMEM((BPW,), jnp.float32),
        pltpu.VMEM((BPW,), jnp.float32),
        pltpu.VMEM((BPW,), jnp.float32),
        pltpu.SemaphoreType.DMA,
    ],
  )


def _tc_body(d_ref, a_ref, b_ref, c_ref, loss_ref, reg_ref):
    d = d_ref[...]
    sp = jnp.maximum(-d, 0.0) + jnp.log1p(jnp.exp(-jnp.abs(d)))
    loss_ref[0, 0] = jnp.sum(sp)
    reg = (jnp.sum(jnp.sqrt(a_ref[...]))
           + jnp.sum(jnp.sqrt(b_ref[...]))
           + jnp.sum(jnp.sqrt(c_ref[...])))
    reg_ref[0, 0] = reg * LAMDA


_tc_call = pl.pallas_call(
    _tc_body,
    out_shape=(jax.ShapeDtypeStruct((1, 1), jnp.float32),
               jax.ShapeDtypeStruct((1, 1), jnp.float32)),
    out_specs=(pl.BlockSpec(memory_space=pltpu.SMEM),
               pl.BlockSpec(memory_space=pltpu.SMEM)),
)


def kernel(user, pos_item, neg_item, embed_user_weight, embed_item_weight):
    user = user.astype(jnp.int32)
    pos_item = pos_item.astype(jnp.int32)
    neg_item = neg_item.astype(jnp.int32)
    d, nu2, np2, nn2 = _make_sc_main()(user, pos_item, neg_item,
                                       embed_user_weight, embed_item_weight)
    loss, reg = _tc_call(d.reshape(128, 128), nu2.reshape(128, 128),
                         np2.reshape(128, 128), nn2.reshape(128, 128))
    return (loss[0, 0], reg[0, 0])

# --- scband reference (transcript-rebuilt; emitter-appended) ---
"""Pipeline reference for scband-multi-channel-bpr-52398601011934 (READ-ONLY COPY).

The authoritative reference and input builder live on the scoring server;
editing this copy changes nothing except your own understanding.
"""

import jax, jax.numpy as jnp
import numpy as np

USER_NUM = 1000000
ITEM_NUM = 1000000
FACTOR_NUM = 64
BATCH = 16384
LAMDA = 0.001  # stand-in for args.lamda in the original module


def setup_inputs(seed: int = 0) -> dict:
    key = jax.random.key(seed)
    k1, k2, k3, k4, k5 = jax.random.split(key, 5)
    user = jax.random.randint(k1, (BATCH,), 0, USER_NUM, dtype=jnp.int64 if jax.config.jax_enable_x64 else jnp.int32)
    pos_item = jax.random.randint(k2, (BATCH,), 0, ITEM_NUM, dtype=jnp.int64 if jax.config.jax_enable_x64 else jnp.int32)
    neg_item = jax.random.randint(k3, (BATCH,), 0, ITEM_NUM, dtype=jnp.int64 if jax.config.jax_enable_x64 else jnp.int32)
    embed_user_weight = jax.random.normal(k4, (USER_NUM, FACTOR_NUM), dtype=jnp.float32) * 0.01
    embed_item_weight = jax.random.normal(k5, (ITEM_NUM, FACTOR_NUM), dtype=jnp.float32) * 0.01
    return {
        "user": user,
        "pos_item": pos_item,
        "neg_item": neg_item,
        "embed_user_weight": embed_user_weight,
        "embed_item_weight": embed_item_weight,
    }


def reference(user, pos_item, neg_item, embed_user_weight, embed_item_weight):
    # embedding lookups (gather)
    u = jnp.take(embed_user_weight, user, axis=0)
    pi = jnp.take(embed_item_weight, pos_item, axis=0)
    ni = jnp.take(embed_item_weight, neg_item, axis=0)
    # BPR scores
    x_ui = jnp.sum(u * pi, axis=1)
    x_uj = jnp.sum(u * ni, axis=1)
    loss = -jnp.sum(jnp.log(jax.nn.sigmoid(x_ui - x_uj)))
    reg_loss = (
        jnp.sum(jnp.linalg.norm(u, ord=2, axis=1))
        + jnp.sum(jnp.linalg.norm(pi, ord=2, axis=1))
        + jnp.sum(jnp.linalg.norm(ni, ord=2, axis=1))
    )
    return (loss, reg_loss * LAMDA)

if __name__ == "__main__":
    import jax
    _d = setup_inputs()
    print(jax.jit(kernel)(*tuple(_d.values())))

</pallas_src>

<mosaic_0001>
#map = affine_map<(d0, d1) -> (0)>
#map1 = affine_map<(d0, d1) -> (0, 0)>
module attributes {stable_mosaic.version = 14 : i64} {
  func.func @_sc_body(%arg0: i32, %arg1: i32, %arg2: memref<16384xi32, #tpu.memory_space<hbm>>, %arg3: memref<16384xi32, #tpu.memory_space<hbm>>, %arg4: memref<16384xi32, #tpu.memory_space<hbm>>, %arg5: memref<1000000x64xf32, #tpu.memory_space<hbm>>, %arg6: memref<1000000x64xf32, #tpu.memory_space<hbm>>, %arg7: memref<16384xf32, #tpu.memory_space<hbm>>, %arg8: memref<16384xf32, #tpu.memory_space<hbm>>, %arg9: memref<16384xf32, #tpu.memory_space<hbm>>, %arg10: memref<16384xf32, #tpu.memory_space<hbm>>, %arg11: memref<512xi32, #tpu.memory_space<vmem>>, %arg12: memref<512xi32, #tpu.memory_space<vmem>>, %arg13: memref<512xi32, #tpu.memory_space<vmem>>, %arg14: memref<16x128xf32, #tpu.memory_space<vmem>>, %arg15: memref<16x128xf32, #tpu.memory_space<vmem>>, %arg16: memref<16x128xf32, #tpu.memory_space<vmem>>, %arg17: memref<512xf32, #tpu.memory_space<vmem>>, %arg18: memref<512xf32, #tpu.memory_space<vmem>>, %arg19: memref<512xf32, #tpu.memory_space<vmem>>, %arg20: memref<512xf32, #tpu.memory_space<vmem>>, %arg21: memref<!tpu.dma_semaphore, #tpu.memory_space<semaphore_mem>>) attributes {dimension_semantics = [#tpu.dimension_semantics<core_parallel>, #tpu.dimension_semantics<subcore_parallel>], iteration_bounds = array<i64: 2, 16>, scalar_prefetch = 0 : i64, scratch_operands = 11 : i64, tpu.core_type = #tpu.core_type<sc_vector_subcore>, window_params = [{transform_indices = #map}, {transform_indices = #map}, {transform_indices = #map}, {transform_indices = #map1}, {transform_indices = #map1}, {transform_indices = #map}, {transform_indices = #map}, {transform_indices = #map}, {transform_indices = #map}]} {
    %mul3A = arith.constant 2 : i32
    %mul3A_0 = arith.muli %arg1, %mul3A : i32
    %add3A = arith.addi %mul3A_0, %arg0 : i32
    %mul3A_1 = arith.constant 512 : i32
    %mul3A_2 = arith.muli %add3A, %mul3A_1 : i32
    "tpu.region"() ({
      %run_scoped3A = tpu.sem_alloc : memref<!tpu.dma_semaphore, #tpu.memory_space<semaphore_mem>>
      %dma_start3A = tpu.memref_slice %arg2[%mul3A_2] : memref<16384xi32, #tpu.memory_space<hbm>> -> memref<512xi32, #tpu.memory_space<hbm>>
      %dma_start3A_8 = tpu.memref_slice %arg2[%mul3A_2] : memref<16384xi32, #tpu.memory_space<hbm>> -> memref<512xi32, #tpu.memory_space<hbm>>
      tpu.enqueue_dma source(%dma_start3A_8 : memref<512xi32, #tpu.memory_space<hbm>>) target(%arg11 : memref<512xi32, #tpu.memory_space<vmem>>) target_semaphore(%run_scoped3A : memref<!tpu.dma_semaphore, #tpu.memory_space<semaphore_mem>>)
      %dma_wait3A = tpu.memref_slice %arg2[%mul3A_2] : memref<16384xi32, #tpu.memory_space<hbm>> -> memref<512xi32, #tpu.memory_space<hbm>>
      %dma_wait3A_9 = tpu.memref_slice %arg2[%mul3A_2] : memref<16384xi32, #tpu.memory_space<hbm>> -> memref<512xi32, #tpu.memory_space<hbm>>
      tpu.wait_dma2 semaphore(%run_scoped3A : memref<!tpu.dma_semaphore, #tpu.memory_space<semaphore_mem>>) src(%dma_wait3A_9 : memref<512xi32, #tpu.memory_space<hbm>>) dst(%arg11 : memref<512xi32, #tpu.memory_space<vmem>>)
      tpu.yield
    }) : () -> ()
    "tpu.region"() ({
      %run_scoped3A = tpu.sem_alloc : memref<!tpu.dma_semaphore, #tpu.memory_space<semaphore_mem>>
      %dma_start3A = tpu.memref_slice %arg3[%mul3A_2] : memref<16384xi32, #tpu.memory_space<hbm>> -> memref<512xi32, #tpu.memory_space<hbm>>
      %dma_start3A_8 = tpu.memref_slice %arg3[%mul3A_2] : memref<16384xi32, #tpu.memory_space<hbm>> -> memref<512xi32, #tpu.memory_space<hbm>>
      tpu.enqueue_dma source(%dma_start3A_8 : memref<512xi32, #tpu.memory_space<hbm>>) target(%arg12 : memref<512xi32, #tpu.memory_space<vmem>>) target_semaphore(%run_scoped3A : memref<!tpu.dma_semaphore, #tpu.memory_space<semaphore_mem>>)
      %dma_wait3A = tpu.memref_slice %arg3[%mul3A_2] : memref<16384xi32, #tpu.memory_space<hbm>> -> memref<512xi32, #tpu.memory_space<hbm>>
      %dma_wait3A_9 = tpu.memref_slice %arg3[%mul3A_2] : memref<16384xi32, #tpu.memory_space<hbm>> -> memref<512xi32, #tpu.memory_space<hbm>>
      tpu.wait_dma2 semaphore(%run_scoped3A : memref<!tpu.dma_semaphore, #tpu.memory_space<semaphore_mem>>) src(%dma_wait3A_9 : memref<512xi32, #tpu.memory_space<hbm>>) dst(%arg12 : memref<512xi32, #tpu.memory_space<vmem>>)
      tpu.yield
    }) : () -> ()
    "tpu.region"() ({
      %run_scoped3A = tpu.sem_alloc : memref<!tpu.dma_semaphore, #tpu.memory_space<semaphore_mem>>
      %dma_start3A = tpu.memref_slice %arg4[%mul3A_2] : memref<16384xi32, #tpu.memory_space<hbm>> -> memref<512xi32, #tpu.memory_space<hbm>>
      %dma_start3A_8 = tpu.memref_slice %arg4[%mul3A_2] : memref<16384xi32, #tpu.memory_space<hbm>> -> memref<512xi32, #tpu.memory_space<hbm>>
      tpu.enqueue_dma source(%dma_start3A_8 : memref<512xi32, #tpu.memory_space<hbm>>) target(%arg13 : memref<512xi32, #tpu.memory_space<vmem>>) target_semaphore(%run_scoped3A : memref<!tpu.dma_semaphore, #tpu.memory_space<semaphore_mem>>)
      %dma_wait3A = tpu.memref_slice %arg4[%mul3A_2] : memref<16384xi32, #tpu.memory_space<hbm>> -> memref<512xi32, #tpu.memory_space<hbm>>
      %dma_wait3A_9 = tpu.memref_slice %arg4[%mul3A_2] : memref<16384xi32, #tpu.memory_space<hbm>> -> memref<512xi32, #tpu.memory_space<hbm>>
      tpu.wait_dma2 semaphore(%run_scoped3A : memref<!tpu.dma_semaphore, #tpu.memory_space<semaphore_mem>>) src(%dma_wait3A_9 : memref<512xi32, #tpu.memory_space<hbm>>) dst(%arg13 : memref<512xi32, #tpu.memory_space<vmem>>)
      tpu.yield
    }) : () -> ()
    %iota3A = tpu.iota {dimensions = array<i32: 0>} : vector<16xi32>
    %scan3A = arith.constant 0 : i32
    %scan3A_3 = arith.constant 0 : i32
    %scan3A_4 = arith.constant 32 : i32
    %scan3A_5 = arith.addi %scan3A_3, %scan3A_4 : i32
    %scan3A_6 = arith.constant 1 : i32
    scf.for %scan3A_8 = %scan3A_3 to %scan3A_5 step %scan3A_6  : i32 {
      %mul3A_9 = arith.constant 16 : i32
      %mul3A_10 = arith.muli %scan3A_8, %mul3A_9 : i32
      %get3A = arith.index_cast %mul3A_10 : i32 to index
      %get3A_11 = tpu.vector_load %arg11[%get3A] {strides = array<i32>} : memref<512xi32, #tpu.memory_space<vmem>>, vector<16xi32>,
      %get3A_12 = arith.index_cast %mul3A_10 : i32 to index
      %get3A_13 = tpu.vector_load %arg12[%get3A_12] {strides = array<i32>} : memref<512xi32, #tpu.memory_space<vmem>>, vector<16xi32>,
      %get3A_14 = arith.index_cast %mul3A_10 : i32 to index
      %get3A_15 = tpu.vector_load %arg13[%get3A_14] {strides = array<i32>} : memref<512xi32, #tpu.memory_space<vmem>>, vector<16xi32>,
      %slice3A = vector.extract_strided_slice %get3A_11 {offsets = [0], sizes = [1], strides = [1]} : vector<16xi32> to vector<1xi32>
      %squeeze3A = vector.extract %slice3A[0] : i32 from vector<1xi32>
      %dma_start3A = arith.constant 0 : i32
      %dma_start3A_16 = arith.constant 0 : i32
      %dma_start3A_17 = tpu.memref_slice %arg14[%dma_start3A, %dma_start3A_16] : memref<16x128xf32, #tpu.memory_space<vmem>> -> memref<1x64xf32, #tpu.memory_space<vmem>>
      %dma_start3A_18 = tpu.memref_squeeze %dma_start3A_17 : memref<1x64xf32, #tpu.memory_space<vmem>> -> memref<64xf32, #tpu.memory_space<vmem>>
      %dma_start3A_19 = arith.constant 0 : i32
      %dma_start3A_20 = tpu.memref_slice %arg5[%squeeze3A, %dma_start3A_19] : memref<1000000x64xf32, #tpu.memory_space<hbm>> -> memref<1x64xf32, #tpu.memory_space<hbm>>
      %dma_start3A_21 = tpu.memref_squeeze %dma_start3A_20 : memref<1x64xf32, #tpu.memory_space<hbm>> -> memref<64xf32, #tpu.memory_space<hbm>>
      %dma_start3A_22 = arith.constant 0 : i32
      %dma_start3A_23 = tpu.memref_slice %arg14[%dma_start3A, %dma_start3A_22] : memref<16x128xf32, #tpu.memory_space<vmem>> -> memref<1x64xf32, #tpu.memory_space<vmem>>
      %dma_start3A_24 = tpu.memref_squeeze %dma_start3A_23 : memref<1x64xf32, #tpu.memory_space<vmem>> -> memref<64xf32, #tpu.memory_space<vmem>>
      %dma_start3A_25 = arith.constant 0 : i32
      %dma_start3A_26 = tpu.memref_slice %arg5[%squeeze3A, %dma_start3A_25] : memref<1000000x64xf32, #tpu.memory_space<hbm>> -> memref<1x64xf32, #tpu.memory_space<hbm>>
      %dma_start3A_27 = tpu.memref_squeeze %dma_start3A_26 : memref<1x64xf32, #tpu.memory_space<hbm>> -> memref<64xf32, #tpu.memory_space<hbm>>
      tpu.enqueue_dma source(%dma_start3A_27 : memref<64xf32, #tpu.memory_space<hbm>>) target(%dma_start3A_24 : memref<64xf32, #tpu.memory_space<vmem>>) target_semaphore(%arg21 : memref<!tpu.dma_semaphore, #tpu.memory_space<semaphore_mem>>)
      %slice3A_28 = vector.extract_strided_slice %get3A_13 {offsets = [0], sizes = [1], strides = [1]} : vector<16xi32> to vector<1xi32>
      %squeeze3A_29 = vector.extract %slice3A_28[0] : i32 from vector<1xi32>
      %dma_start3A_30 = arith.constant 0 : i32
      %dma_start3A_31 = arith.constant 0 : i32
      %dma_start3A_32 = tpu.memref_slice %arg15[%dma_start3A_30, %dma_start3A_31] : memref<16x128xf32, #tpu.memory_space<vmem>> -> memref<1x64xf32, #tpu.memory_space<vmem>>
      %dma_start3A_33 = tpu.memref_squeeze %dma_start3A_32 : memref<1x64xf32, #tpu.memory_space<vmem>> -> memref<64xf32, #tpu.memory_space<vmem>>
      %dma_start3A_34 = arith.constant 0 : i32
      %dma_start3A_35 = tpu.memref_slice %arg6[%squeeze3A_29, %dma_start3A_34] : memref<1000000x64xf32, #tpu.memory_space<hbm>> -> memref<1x64xf32, #tpu.memory_space<hbm>>
      %dma_start3A_36 = tpu.memref_squeeze %dma_start3A_35 : memref<1x64xf32, #tpu.memory_space<hbm>> -> memref<64xf32, #tpu.memory_space<hbm>>
      %dma_start3A_37 = arith.constant 0 : i32
      %dma_start3A_38 = tpu.memref_slice %arg15[%dma_start3A_30, %dma_start3A_37] : memref<16x128xf32, #tpu.memory_space<vmem>> -> memref<1x64xf32, #tpu.memory_space<vmem>>
      %dma_start3A_39 = tpu.memref_squeeze %dma_start3A_38 : memref<1x64xf32, #tpu.memory_space<vmem>> -> memref<64xf32, #tpu.memory_space<vmem>>
      %dma_start3A_40 = arith.constant 0 : i32
      %dma_start3A_41 = tpu.memref_slice %arg6[%squeeze3A_29, %dma_start3A_40] : memref<1000000x64xf32, #tpu.memory_space<hbm>> -> memref<1x64xf32, #tpu.memory_space<hbm>>
      %dma_start3A_42 = tpu.memref_squeeze %dma_start3A_41 : memref<1x64xf32, #tpu.memory_space<hbm>> -> memref<64xf32, #tpu.memory_space<hbm>>
      tpu.enqueue_dma source(%dma_start3A_42 : memref<64xf32, #tpu.memory_space<hbm>>) target(%dma_start3A_39 : memref<64xf32, #tpu.memory_space<vmem>>) target_semaphore(%arg21 : memref<!tpu.dma_semaphore, #tpu.memory_space<semaphore_mem>>)
      %slice3A_43 = vector.extract_strided_slice %get3A_15 {offsets = [0], sizes = [1], strides = [1]} : vector<16xi32> to vector<1xi32>
      %squeeze3A_44 = vector.extract %slice3A_43[0] : i32 from vector<1xi32>
      %dma_start3A_45 = arith.constant 0 : i32
      %dma_start3A_46 = arith.constant 0 : i32
      %dma_start3A_47 = tpu.memref_slice %arg16[%dma_start3A_45, %dma_start3A_46] : memref<16x128xf32, #tpu.memory_space<vmem>> -> memref<1x64xf32, #tpu.memory_space<vmem>>
      %dma_start3A_48 = tpu.memref_squeeze %dma_start3A_47 : memref<1x64xf32, #tpu.memory_space<vmem>> -> memref<64xf32, #tpu.memory_space<vmem>>
      %dma_start3A_49 = arith.constant 0 : i32
      %dma_start3A_50 = tpu.memref_slice %arg6[%squeeze3A_44, %dma_start3A_49] : memref<1000000x64xf32, #tpu.memory_space<hbm>> -> memref<1x64xf32, #tpu.memory_space<hbm>>
      %dma_start3A_51 = tpu.memref_squeeze %dma_start3A_50 : memref<1x64xf32, #tpu.memory_space<hbm>> -> memref<64xf32, #tpu.memory_space<hbm>>
      %dma_start3A_52 = arith.constant 0 : i32
      %dma_start3A_53 = tpu.memref_slice %arg16[%dma_start3A_45, %dma_start3A_52] : memref<16x128xf32, #tpu.memory_space<vmem>> -> memref<1x64xf32, #tpu.memory_space<vmem>>
      %dma_start3A_54 = tpu.memref_squeeze %dma_start3A_53 : memref<1x64xf32, #tpu.memory_space<vmem>> -> memref<64xf32, #tpu.memory_space<vmem>>
      %dma_start3A_55 = arith.constant 0 : i32
      %dma_start3A_56 = tpu.memref_slice %arg6[%squeeze3A_44, %dma_start3A_55] : memref<1000000x64xf32, #tpu.memory_space<hbm>> -> memref<1x64xf32, #tpu.memory_space<hbm>>
      %dma_start3A_57 = tpu.memref_squeeze %dma_start3A_56 : memref<1x64xf32, #tpu.memory_space<hbm>> -> memref<64xf32, #tpu.memory_space<hbm>>
      tpu.enqueue_dma source(%dma_start3A_57 : memref<64xf32, #tpu.memory_space<hbm>>) target(%dma_start3A_54 : memref<64xf32, #tpu.memory_space<vmem>>) target_semaphore(%arg21 : memref<!tpu.dma_semaphore, #tpu.memory_space<semaphore_mem>>)
      %slice3A_58 = vector.extract_strided_slice %get3A_11 {offsets = [1], sizes = [1], strides = [1]} : vector<16xi32> to vector<1xi32>
      %squeeze3A_59 = vector.extract %slice3A_58[0] : i32 from vector<1xi32>
      %dma_start3A_60 = arith.constant 1 : i32
      %dma_start3A_61 = arith.constant 0 : i32
      %dma_start3A_62 = tpu.memref_slice %arg14[%dma_start3A_60, %dma_start3A_61] : memref<16x128xf32, #tpu.memory_space<vmem>> -> memref<1x64xf32, #tpu.memory_space<vmem>>
      %dma_start3A_63 = tpu.memref_squeeze %dma_start3A_62 : memref<1x64xf32, #tpu.memory_space<vmem>> -> memref<64xf32, #tpu.memory_space<vmem>>
      %dma_start3A_64 = arith.constant 0 : i32
      %dma_start3A_65 = tpu.memref_slice %arg5[%squeeze3A_59, %dma_start3A_64] : memref<1000000x64xf32, #tpu.memory_space<hbm>> -> memref<1x64xf32, #tpu.memory_space<hbm>>
      %dma_start3A_66 = tpu.memref_squeeze %dma_start3A_65 : memref<1x64xf32, #tpu.memory_space<hbm>> -> memref<64xf32, #tpu.memory_space<hbm>>
      %dma_start3A_67 = arith.constant 0 : i32
      %dma_start3A_68 = tpu.memref_slice %arg14[%dma_start3A_60, %dma_start3A_67] : memref<16x128xf32, #tpu.memory_space<vmem>> -> memref<1x64xf32, #tpu.memory_space<vmem>>
      %dma_start3A_69 = tpu.memref_squeeze %dma_start3A_68 : memref<1x64xf32, #tpu.memory_space<vmem>> -> memref<64xf32, #tpu.memory_space<vmem>>
      %dma_start3A_70 = arith.constant 0 : i32
      %dma_start3A_71 = tpu.memref_slice %arg5[%squeeze3A_59, %dma_start3A_70] : memref<1000000x64xf32, #tpu.memory_space<hbm>> -> memref<1x64xf32, #tpu.memory_space<hbm>>
      %dma_start3A_72 = tpu.memref_squeeze %dma_start3A_71 : memref<1x64xf32, #tpu.memory_space<hbm>> -> memref<64xf32, #tpu.memory_space<hbm>>
      tpu.enqueue_dma source(%dma_start3A_72 : memref<64xf32, #tpu.memory_space<hbm>>) target(%dma_start3A_69 : memref<64xf32, #tpu.memory_space<vmem>>) target_semaphore(%arg21 : memref<!tpu.dma_semaphore, #tpu.memory_space<semaphore_mem>>)
      %slice3A_73 = vector.extract_strided_slice %get3A_13 {offsets = [1], sizes = [1], strides = [1]} : vector<16xi32> to vector<1xi32>
      %squeeze3A_74 = vector.extract %slice3A_73[0] : i32 from vector<1xi32>
      %dma_start3A_75 = arith.constant 1 : i32
      %dma_start3A_76 = arith.constant 0 : i32
      %dma_start3A_77 = tpu.memref_slice %arg15[%dma_start3A_75, %dma_start3A_76] : memref<16x128xf32, #tpu.memory_space<vmem>> -> memref<1x64xf32, #tpu.memory_space<vmem>>
      %dma_start3A_78 = tpu.memref_squeeze %dma_start3A_77 : memref<1x64xf32, #tpu.memory_space<vmem>> -> memref<64xf32, #tpu.memory_space<vmem>>
      %dma_start3A_79 = arith.constant 0 : i32
      %dma_start3A_80 = tpu.memref_slice %arg6[%squeeze3A_74, %dma_start3A_79] : memref<1000000x64xf32, #tpu.memory_space<hbm>> -> memref<1x64xf32, #tpu.memory_space<hbm>>
      %dma_start3A_81 = tpu.memref_squeeze %dma_start3A_80 : memref<1x64xf32, #tpu.memory_space<hbm>> -> memref<64xf32, #tpu.memory_space<hbm>>
      %dma_start3A_82 = arith.constant 0 : i32
      %dma_start3A_83 = tpu.memref_slice %arg15[%dma_start3A_75, %dma_start3A_82] : memref<16x128xf32, #tpu.memory_space<vmem>> -> memref<1x64xf32, #tpu.memory_space<vmem>>
      %dma_start3A_84 = tpu.memref_squeeze %dma_start3A_83 : memref<1x64xf32, #tpu.memory_space<vmem>> -> memref<64xf32, #tpu.memory_space<vmem>>
      %dma_start3A_85 = arith.constant 0 : i32
      %dma_start3A_86 = tpu.memref_slice %arg6[%squeeze3A_74, %dma_start3A_85] : memref<1000000x64xf32, #tpu.memory_space<hbm>> -> memref<1x64xf32, #tpu.memory_space<hbm>>
      %dma_start3A_87 = tpu.memref_squeeze %dma_start3A_86 : memref<1x64xf32, #tpu.memory_space<hbm>> -> memref<64xf32, #tpu.memory_space<hbm>>
      tpu.enqueue_dma source(%dma_start3A_87 : memref<64xf32, #tpu.memory_space<hbm>>) target(%dma_start3A_84 : memref<64xf32, #tpu.memory_space<vmem>>) target_semaphore(%arg21 : memref<!tpu.dma_semaphore, #tpu.memory_space<semaphore_mem>>)
      %slice3A_88 = vector.extract_strided_slice %get3A_15 {offsets = [1], sizes = [1], strides = [1]} : vector<16xi32> to vector<1xi32>
      %squeeze3A_89 = vector.extract %slice3A_88[0] : i32 from vector<1xi32>
      %dma_start3A_90 = arith.constant 1 : i32
      %dma_start3A_91 = arith.constant 0 : i32
      %dma_start3A_92 = tpu.memref_slice %arg16[%dma_start3A_90, %dma_start3A_91] : memref<16x128xf32, #tpu.memory_space<vmem>> -> memref<1x64xf32, #tpu.memory_space<vmem>>
      %dma_start3A_93 = tpu.memref_squeeze %dma_start3A_92 : memref<1x64xf32, #tpu.memory_space<vmem>> -> memref<64xf32, #tpu.memory_space<vmem>>
      %dma_start3A_94 = arith.constant 0 : i32
      %dma_start3A_95 = tpu.memref_slice %arg6[%squeeze3A_89, %dma_start3A_94] : memref<1000000x64xf32, #tpu.memory_space<hbm>> -> memref<1x64xf32, #tpu.memory_space<hbm>>
      %dma_start3A_96 = tpu.memref_squeeze %dma_start3A_95 : memref<1x64xf32, #tpu.memory_space<hbm>> -> memref<64xf32, #tpu.memory_space<hbm>>
      %dma_start3A_97 = arith.constant 0 : i32
      %dma_start3A_98 = tpu.memref_slice %arg16[%dma_start3A_90, %dma_start3A_97] : memref<16x128xf32, #tpu.memory_space<vmem>> -> memref<1x64xf32, #tpu.memory_space<vmem>>
      %dma_start3A_99 = tpu.memref_squeeze %dma_start3A_98 : memref<1x64xf32, #tpu.memory_space<vmem>> -> memref<64xf32, #tpu.memory_space<vmem>>
      %dma_start3A_100 = arith.constant 0 : i32
      %dma_start3A_101 = tpu.memref_slice %arg6[%squeeze3A_89, %dma_start3A_100] : memref<1000000x64xf32, #tpu.memory_space<hbm>> -> memref<1x64xf32, #tpu.memory_space<hbm>>
      %dma_start3A_102 = tpu.memref_squeeze %dma_start3A_101 : memref<1x64xf32, #tpu.memory_space<hbm>> -> memref<64xf32, #tpu.memory_space<hbm>>
      tpu.enqueue_dma source(%dma_start3A_102 : memref<64xf32, #tpu.memory_space<hbm>>) target(%dma_start3A_99 : memref<64xf32, #tpu.memory_space<vmem>>) target_semaphore(%arg21 : memref<!tpu.dma_semaphore, #tpu.memory_space<semaphore_mem>>)
      %slice3A_103 = vector.extract_strided_slice %get3A_11 {offsets = [2], sizes = [1], strides = [1]} : vector<16xi32> to vector<1xi32>
      %squeeze3A_104 = vector.extract %slice3A_103[0] : i32 from vector<1xi32>
      %dma_start3A_105 = arith.constant 2 : i32
      %dma_start3A_106 = arith.constant 0 : i32
      %dma_start3A_107 = tpu.memref_slice %arg14[%dma_start3A_105, %dma_start3A_106] : memref<16x128xf32, #tpu.memory_space<vmem>> -> memref<1x64xf32, #tpu.memory_space<vmem>>
      %dma_start3A_108 = tpu.memref_squeeze %dma_start3A_107 : memref<1x64xf32, #tpu.memory_space<vmem>> -> memref<64xf32, #tpu.memory_space<vmem>>
      %dma_start3A_109 = arith.constant 0 : i32
      %dma_start3A_110 = tpu.memref_slice %arg5[%squeeze3A_104, %dma_start3A_109] : memref<1000000x64xf32, #tpu.memory_space<hbm>> -> memref<1x64xf32, #tpu.memory_space<hbm>>
      %dma_start3A_111 = tpu.memref_squeeze %dma_start3A_110 : memref<1x64xf32, #tpu.memory_space<hbm>> -> memref<64xf32, #tpu.memory_space<hbm>>
      %dma_start3A_112 = arith.constant 0 : i32
      %dma_start3A_113 = tpu.memref_slice %arg14[%dma_start3A_105, %dma_start3A_112] : memref<16x128xf32, #tpu.memory_space<vmem>> -> memref<1x64xf32, #tpu.memory_space<vmem>>
      %dma_start3A_114 = tpu.memref_squeeze %dma_start3A_113 : memref<1x64xf32, #tpu.memory_space<vmem>> -> memref<64xf32, #tpu.memory_space<vmem>>
      %dma_start3A_115 = arith.constant 0 : i32
      %dma_start3A_116 = tpu.memref_slice %arg5[%squeeze3A_104, %dma_start3A_115] : memref<1000000x64xf32, #tpu.memory_space<hbm>> -> memref<1x64xf32, #tpu.memory_space<hbm>>
      %dma_start3A_117 = tpu.memref_squeeze %dma_start3A_116 : memref<1x64xf32, #tpu.memory_space<hbm>> -> memref<64xf32, #tpu.memory_space<hbm>>
      tpu.enqueue_dma source(%dma_start3A_117 : memref<64xf32, #tpu.memory_space<hbm>>) target(%dma_start3A_114 : memref<64xf32, #tpu.memory_space<vmem>>) target_semaphore(%arg21 : memref<!tpu.dma_semaphore, #tpu.memory_space<semaphore_mem>>)
      %slice3A_118 = vector.extract_strided_slice %get3A_13 {offsets = [2], sizes = [1], strides = [1]} : vector<16xi32> to vector<1xi32>
      %squeeze3A_119 = vector.extract %slice3A_118[0] : i32 from vector<1xi32>
      %dma_start3A_120 = arith.constant 2 : i32
      %dma_start3A_121 = arith.constant 0 : i32
      %dma_start3A_122 = tpu.memref_slice %arg15[%dma_start3A_120, %dma_start3A_121] : memref<16x128xf32, #tpu.memory_space<vmem>> -> memref<1x64xf32, #tpu.memory_space<vmem>>
      %dma_start3A_123 = tpu.memref_squeeze %dma_start3A_122 : memref<1x64xf32, #tpu.memory_space<vmem>> -> memref<64xf32, #tpu.memory_space<vmem>>
      %dma_start3A_124 = arith.constant 0 : i32
      %dma_start3A_125 = tpu.memref_slice %arg6[%squeeze3A_119, %dma_start3A_124] : memref<1000000x64xf32, #tpu.memory_space<hbm>> -> memref<1x64xf32, #tpu.memory_space<hbm>>
      %dma_start3A_126 = tpu.memref_squeeze %dma_start3A_125 : memref<1x64xf32, #tpu.memory_space<hbm>> -> memref<64xf32, #tpu.memory_space<hbm>>
      %dma_start3A_127 = arith.constant 0 : i32
      %dma_start3A_128 = tpu.memref_slice %arg15[%dma_start3A_120, %dma_start3A_127] : memref<16x128xf32, #tpu.memory_space<vmem>> -> memref<1x64xf32, #tpu.memory_space<vmem>>
      %dma_start3A_129 = tpu.memref_squeeze %dma_start3A_128 : memref<1x64xf32, #tpu.memory_space<vmem>> -> memref<64xf32, #tpu.memory_space<vmem>>
      %dma_start3A_130 = arith.constant 0 : i32
      %dma_start3A_131 = tpu.memref_slice %arg6[%squeeze3A_119, %dma_start3A_130] : memref<1000000x64xf32, #tpu.memory_space<hbm>> -> memref<1x64xf32, #tpu.memory_space<hbm>>
      %dma_start3A_132 = tpu.memref_squeeze %dma_start3A_131 : memref<1x64xf32, #tpu.memory_space<hbm>> -> memref<64xf32, #tpu.memory_space<hbm>>
      tpu.enqueue_dma source(%dma_start3A_132 : memref<64xf32, #tpu.memory_space<hbm>>) target(%dma_start3A_129 : memref<64xf32, #tpu.memory_space<vmem>>) target_semaphore(%arg21 : memref<!tpu.dma_semaphore, #tpu.memory_space<semaphore_mem>>)
      %slice3A_133 = vector.extract_strided_slice %get3A_15 {offsets = [2], sizes = [1], strides = [1]} : vector<16xi32> to vector<1xi32>
      %squeeze3A_134 = vector.extract %slice3A_133[0] : i32 from vector<1xi32>
      %dma_start3A_135 = arith.constant 2 : i32
      %dma_start3A_136 = arith.constant 0 : i32
      %dma_start3A_137 = tpu.memref_slice %arg16[%dma_start3A_135, %dma_start3A_136] : memref<16x128xf32, #tpu.memory_space<vmem>> -> memref<1x64xf32, #tpu.memory_space<vmem>>
      %dma_start3A_138 = tpu.memref_squeeze %dma_start3A_137 : memref<1x64xf32, #tpu.memory_space<vmem>> -> memref<64xf32, #tpu.memory_space<vmem>>
      %dma_start3A_139 = arith.constant 0 : i32
      %dma_start3A_140 = tpu.memref_slice %arg6[%squeeze3A_134, %dma_start3A_139] : memref<1000000x64xf32, #tpu.memory_space<hbm>> -> memref<1x64xf32, #tpu.memory_space<hbm>>
      %dma_start3A_141 = tpu.memref_squeeze %dma_start3A_140 : memref<1x64xf32, #tpu.memory_space<hbm>> -> memref<64xf32, #tpu.memory_space<hbm>>
      %dma_start3A_142 = arith.constant 0 : i32
      %dma_start3A_143 = tpu.memref_slice %arg16[%dma_start3A_135, %dma_start3A_142] : memref<16x128xf32, #tpu.memory_space<vmem>> -> memref<1x64xf32, #tpu.memory_space<vmem>>
      %dma_start3A_144 = tpu.memref_squeeze %dma_start3A_143 : memref<1x64xf32, #tpu.memory_space<vmem>> -> memref<64xf32, #tpu.memory_space<vmem>>
      %dma_start3A_145 = arith.constant 0 : i32
      %dma_start3A_146 = tpu.memref_slice %arg6[%squeeze3A_134, %dma_start3A_145] : memref<1000000x64xf32, #tpu.memory_space<hbm>> -> memref<1x64xf32, #tpu.memory_space<hbm>>
      %dma_start3A_147 = tpu.memref_squeeze %dma_start3A_146 : memref<1x64xf32, #tpu.memory_space<hbm>> -> memref<64xf32, #tpu.memory_space<hbm>>
      tpu.enqueue_dma source(%dma_start3A_147 : memref<64xf32, #tpu.memory_space<hbm>>) target(%dma_start3A_144 : memref<64xf32, #tpu.memory_space<vmem>>) target_semaphore(%arg21 : memref<!tpu.dma_semaphore, #tpu.memory_space<semaphore_mem>>)
      %slice3A_148 = vector.extract_strided_slice %get3A_11 {offsets = [3], sizes = [1], strides = [1]} : vector<16xi32> to vector<1xi32>
      %squeeze3A_149 = vector.extract %slice3A_148[0] : i32 from vector<1xi32>
      %dma_start3A_150 = arith.constant 3 : i32
      %dma_start3A_151 = arith.constant 0 : i32
      %dma_start3A_152 = tpu.memref_slice %arg14[%dma_start3A_150, %dma_start3A_151] : memref<16x128xf32, #tpu.memory_space<vmem>> -> memref<1x64xf32, #tpu.memory_space<vmem>>
      %dma_start3A_153 = tpu.memref_squeeze %dma_start3A_152 : memref<1x64xf32, #tpu.memory_space<vmem>> -> memref<64xf32, #tpu.memory_space<vmem>>
      %dma_start3A_154 = arith.constant 0 : i32
      %dma_start3A_155 = tpu.memref_slice %arg5[%squeeze3A_149, %dma_start3A_154] : memref<1000000x64xf32, #tpu.memory_space<hbm>> -> memref<1x64xf32, #tpu.memory_space<hbm>>
      %dma_start3A_156 = tpu.memref_squeeze %dma_start3A_155 : memref<1x64xf32, #tpu.memory_space<hbm>> -> memref<64xf32, #tpu.memory_space<hbm>>
      %dma_start3A_157 = arith.constant 0 : i32
      %dma_start3A_158 = tpu.memref_slice %arg14[%dma_start3A_150, %dma_start3A_157] : memref<16x128xf32, #tpu.memory_space<vmem>> -> memref<1x64xf32, #tpu.memory_space<vmem>>
      %dma_start3A_159 = tpu.memref_squeeze %dma_start3A_158 : memref<1x64xf32, #tpu.memory_space<vmem>> -> memref<64xf32, #tpu.memory_space<vmem>>
      %dma_start3A_160 = arith.constant 0 : i32
      %dma_start3A_161 = tpu.memref_slice %arg5[%squeeze3A_149, %dma_start3A_160] : memref<1000000x64xf32, #tpu.memory_space<hbm>> -> memref<1x64xf32, #tpu.memory_space<hbm>>
      %dma_start3A_162 = tpu.memref_squeeze %dma_start3A_161 : memref<1x64xf32, #tpu.memory_space<hbm>> -> memref<64xf32, #tpu.memory_space<hbm>>
      tpu.enqueue_dma source(%dma_start3A_162 : memref<64xf32, #tpu.memory_space<hbm>>) target(%dma_start3A_159 : memref<64xf32, #tpu.memory_space<vmem>>) target_semaphore(%arg21 : memref<!tpu.dma_semaphore, #tpu.memory_space<semaphore_mem>>)
      %slice3A_163 = vector.extract_strided_slice %get3A_13 {offsets = [3], sizes = [1], strides = [1]} : vector<16xi32> to vector<1xi32>
      %squeeze3A_164 = vector.extract %slice3A_163[0] : i32 from vector<1xi32>
      %dma_start3A_165 = arith.constant 3 : i32
      %dma_start3A_166 = arith.constant 0 : i32
      %dma_start3A_167 = tpu.memref_slice %arg15[%dma_start3A_165, %dma_start3A_166] : memref<16x128xf32, #tpu.memory_space<vmem>> -> memref<1x64xf32, #tpu.memory_space<vmem>>
      %dma_start3A_168 = tpu.memref_squeeze %dma_start3A_167 : memref<1x64xf32, #tpu.memory_space<vmem>> -> memref<64xf32, #tpu.memory_space<vmem>>
      %dma_start3A_169 = arith.constant 0 : i32
      %dma_start3A_170 = tpu.memref_slice %arg6[%squeeze3A_164, %dma_start3A_169] : memref<1000000x64xf32, #tpu.memory_space<hbm>> -> memref<1x64xf32, #tpu.memory_space<hbm>>
      %dma_start3A_171 = tpu.memref_squeeze %dma_start3A_170 : memref<1x64xf32, #tpu.memory_space<hbm>> -> memref<64xf32, #tpu.memory_space<hbm>>
      %dma_start3A_172 = arith.constant 0 : i32
      %dma_start3A_173 = tpu.memref_slice %arg15[%dma_start3A_165, %dma_start3A_172] : memref<16x128xf32, #tpu.memory_space<vmem>> -> memref<1x64xf32, #tpu.memory_space<vmem>>
      %dma_start3A_174 = tpu.memref_squeeze %dma_start3A_173 : memref<1x64xf32, #tpu.memory_space<vmem>> -> memref<64xf32, #tpu.memory_space<vmem>>
      %dma_start3A_175 = arith.constant 0 : i32
      %dma_start3A_176 = tpu.memref_slice %arg6[%squeeze3A_164, %dma_start3A_175] : memref<1000000x64xf32, #tpu.memory_space<hbm>> -> memref<1x64xf32, #tpu.memory_space<hbm>>
      %dma_start3A_177 = tpu.memref_squeeze %dma_start3A_176 : memref<1x64xf32, #tpu.memory_space<hbm>> -> memref<64xf32, #tpu.memory_space<hbm>>
      tpu.enqueue_dma source(%dma_start3A_177 : memref<64xf32, #tpu.memory_space<hbm>>) target(%dma_start3A_174 : memref<64xf32, #tpu.memory_space<vmem>>) target_semaphore(%arg21 : memref<!tpu.dma_semaphore, #tpu.memory_space<semaphore_mem>>)
      %slice3A_178 = vector.extract_strided_slice %get3A_15 {offsets = [3], sizes = [1], strides = [1]} : vector<16xi32> to vector<1xi32>
      %squeeze3A_179 = vector.extract %slice3A_178[0] : i32 from vector<1xi32>
      %dma_start3A_180 = arith.constant 3 : i32
      %dma_start3A_181 = arith.constant 0 : i32
      %dma_start3A_182 = tpu.memref_slice %arg16[%dma_start3A_180, %dma_start3A_181] : memref<16x128xf32, #tpu.memory_space<vmem>> -> memref<1x64xf32, #tpu.memory_space<vmem>>
      %dma_start3A_183 = tpu.memref_squeeze %dma_start3A_182 : memref<1x64xf32, #tpu.memory_space<vmem>> -> memref<64xf32, #tpu.memory_space<vmem>>
      %dma_start3A_184 = arith.constant 0 : i32
      %dma_start3A_185 = tpu.memref_slice %arg6[%squeeze3A_179, %dma_start3A_184] : memref<1000000x64xf32, #tpu.memory_space<hbm>> -> memref<1x64xf32, #tpu.memory_space<hbm>>
      %dma_start3A_186 = tpu.memref_squeeze %dma_start3A_185 : memref<1x64xf32, #tpu.memory_space<hbm>> -> memref<64xf32, #tpu.memory_space<hbm>>
      %dma_start3A_187 = arith.constant 0 : i32
      %dma_start3A_188 = tpu.memref_slice %arg16[%dma_start3A_180, %dma_start3A_187] : memref<16x128xf32, #tpu.memory_space<vmem>> -> memref<1x64xf32, #tpu.memory_space<vmem>>
      %dma_start3A_189 = tpu.memref_squeeze %dma_start3A_188 : memref<1x64xf32, #tpu.memory_space<vmem>> -> memref<64xf32, #tpu.memory_space<vmem>>
      %dma_start3A_190 = arith.constant 0 : i32
      %dma_start3A_191 = tpu.memref_slice %arg6[%squeeze3A_179, %dma_start3A_190] : memref<1000000x64xf32, #tpu.memory_space<hbm>> -> memref<1x64xf32, #tpu.memory_space<hbm>>
      %dma_start3A_192 = tpu.memref_squeeze %dma_start3A_191 : memref<1x64xf32, #tpu.memory_space<hbm>> -> memref<64xf32, #tpu.memory_space<hbm>>
      tpu.enqueue_dma source(%dma_start3A_192 : memref<64xf32, #tpu.memory_space<hbm>>) target(%dma_start3A_189 : memref<64xf32, #tpu.memory_space<vmem>>) target_semaphore(%arg21 : memref<!tpu.dma_semaphore, #tpu.memory_space<semaphore_mem>>)
      %slice3A_193 = vector.extract_strided_slice %get3A_11 {offsets = [4], sizes = [1], strides = [1]} : vector<16xi32> to vector<1xi32>
      %squeeze3A_194 = vector.extract %slice3A_193[0] : i32 from vector<1xi32>
      %dma_start3A_195 = arith.constant 4 : i32
      %dma_start3A_196 = arith.constant 0 : i32
      %dma_start3A_197 = tpu.memref_slice %arg14[%dma_start3A_195, %dma_start3A_196] : memref<16x128xf32, #tpu.memory_space<vmem>> -> memref<1x64xf32, #tpu.memory_space<vmem>>
      %dma_start3A_198 = tpu.memref_squeeze %dma_start3A_197 : memref<1x64xf32, #tpu.memory_space<vmem>> -> memref<64xf32, #tpu.memory_space<vmem>>
      %dma_start3A_199 = arith.constant 0 : i32
      %dma_start3A_200 = tpu.memref_slice %arg5[%squeeze3A_194, %dma_start3A_199] : memref<1000000x64xf32, #tpu.memory_space<hbm>> -> memref<1x64xf32, #tpu.memory_space<hbm>>
      %dma_start3A_201 = tpu.memref_squeeze %dma_start3A_200 : memref<1x64xf32, #tpu.memory_space<hbm>> -> memref<64xf32, #tpu.memory_space<hbm>>
      %dma_start3A_202 = arith.constant 0 : i32
      %dma_start3A_203 = tpu.memref_slice %arg14[%dma_start3A_195, %dma_start3A_202] : memref<16x128xf32, #tpu.memory_space<vmem>> -> memref<1x64xf32, #tpu.memory_space<vmem>>
      %dma_start3A_204 = tpu.memref_squeeze %dma_start3A_203 : memref<1x64xf32, #tpu.memory_space<vmem>> -> memref<64xf32, #tpu.memory_space<vmem>>
      %dma_start3A_205 = arith.constant 0 : i32
      %dma_start3A_206 = tpu.memref_slice %arg5[%squeeze3A_194, %dma_start3A_205] : memref<1000000x64xf32, #tpu.memory_space<hbm>> -> memref<1x64xf32, #tpu.memory_space<hbm>>
      %dma_start3A_207 = tpu.memref_squeeze %dma_start3A_206 : memref<1x64xf32, #tpu.memory_space<hbm>> -> memref<64xf32, #tpu.memory_space<hbm>>
      tpu.enqueue_dma source(%dma_start3A_207 : memref<64xf32, #tpu.memory_space<hbm>>) target(%dma_start3A_204 : memref<64xf32, #tpu.memory_space<vmem>>) target_semaphore(%arg21 : memref<!tpu.dma_semaphore, #tpu.memory_space<semaphore_mem>>)
      %slice3A_208 = vector.extract_strided_slice %get3A_13 {offsets = [4], sizes = [1], strides = [1]} : vector<16xi32> to vector<1xi32>
      %squeeze3A_209 = vector.extract %slice3A_208[0] : i32 from vector<1xi32>
      %dma_start3A_210 = arith.constant 4 : i32
      %dma_start3A_211 = arith.constant 0 : i32
      %dma_start3A_212 = tpu.memref_slice %arg15[%dma_start3A_210, %dma_start3A_211] : memref<16x128xf32, #tpu.memory_space<vmem>> -> memref<1x64xf32, #tpu.memory_space<vmem>>
      %dma_start3A_213 = tpu.memref_squeeze %dma_start3A_212 : memref<1x64xf32, #tpu.memory_space<vmem>> -> memref<64xf32, #tpu.memory_space<vmem>>
      %dma_start3A_214 = arith.constant 0 : i32
      %dma_start3A_215 = tpu.memref_slice %arg6[%squeeze3A_209, %dma_start3A_214] : memref<1000000x64xf32, #tpu.memory_space<hbm>> -> memref<1x64xf32, #tpu.memory_space<hbm>>
      %dma_start3A_216 = tpu.memref_squeeze %dma_start3A_215 : memref<1x64xf32, #tpu.memory_space<hbm>> -> memref<64xf32, #tpu.memory_space<hbm>>
      %dma_start3A_217 = arith.constant 0 : i32
      %dma_start3A_218 = tpu.memref_slice %arg15[%dma_start3A_210, %dma_start3A_217] : memref<16x128xf32, #tpu.memory_space<vmem>> -> memref<1x64xf32, #tpu.memory_space<vmem>>
      %dma_start3A_219 = tpu.memref_squeeze %dma_start3A_218 : memref<1x64xf32, #tpu.memory_space<vmem>> -> memref<64xf32, #tpu.memory_space<vmem>>
      %dma_start3A_220 = arith.constant 0 : i32
      %dma_start3A_221 = tpu.memref_slice %arg6[%squeeze3A_209, %dma_start3A_220] : memref<1000000x64xf32, #tpu.memory_space<hbm>> -> memref<1x64xf32, #tpu.memory_space<hbm>>
      %dma_start3A_222 = tpu.memref_squeeze %dma_start3A_221 : memref<1x64xf32, #tpu.memory_space<hbm>> -> memref<64xf32, #tpu.memory_space<hbm>>
      tpu.enqueue_dma source(%dma_start3A_222 : memref<64xf32, #tpu.memory_space<hbm>>) target(%dma_start3A_219 : memref<64xf32, #tpu.memory_space<vmem>>) target_semaphore(%arg21 : memref<!tpu.dma_semaphore, #tpu.memory_space<semaphore_mem>>)
      %slice3A_223 = vector.extract_strided_slice %get3A_15 {offsets = [4], sizes = [1], strides = [1]} : vector<16xi32> to vector<1xi32>
      %squeeze3A_224 = vector.extract %slice3A_223[0] : i32 from vector<1xi32>
      %dma_start3A_225 = arith.constant 4 : i32
      %dma_start3A_226 = arith.constant 0 : i32
      %dma_start3A_227 = tpu.memref_slice %arg16[%dma_start3A_225, %dma_start3A_226] : memref<16x128xf32, #tpu.memory_space<vmem>> -> memref<1x64xf32, #tpu.memory_space<vmem>>
      %dma_start3A_228 = tpu.memref_squeeze %dma_start3A_227 : memref<1x64xf32, #tpu.memory_space<vmem>> -> memref<64xf32, #tpu.memory_space<vmem>>
      %dma_start3A_229 = arith.constant 0 : i32
      %dma_start3A_230 = tpu.memref_slice %arg6[%squeeze3A_224, %dma_start3A_229] : memref<1000000x64xf32, #tpu.memory_space<hbm>> -> memref<1x64xf32, #tpu.memory_space<hbm>>
      %dma_start3A_231 = tpu.memref_squeeze %dma_start3A_230 : memref<1x64xf32, #tpu.memory_space<hbm>> -> memref<64xf32, #tpu.memory_space<hbm>>
      %dma_start3A_232 = arith.constant 0 : i32
      %dma_start3A_233 = tpu.memref_slice %arg16[%dma_start3A_225, %dma_start3A_232] : memref<16x128xf32, #tpu.memory_space<vmem>> -> memref<1x64xf32, #tpu.memory_space<vmem>>
      %dma_start3A_234 = tpu.memref_squeeze %dma_start3A_233 : memref<1x64xf32, #tpu.memory_space<vmem>> -> memref<64xf32, #tpu.memory_space<vmem>>
      %dma_start3A_235 = arith.constant 0 : i32
      %dma_start3A_236 = tpu.memref_slice %arg6[%squeeze3A_224, %dma_start3A_235] : memref<1000000x64xf32, #tpu.memory_space<hbm>> -> memref<1x64xf32, #tpu.memory_space<hbm>>
      %dma_start3A_237 = tpu.memref_squeeze %dma_start3A_236 : memref<1x64xf32, #tpu.memory_space<hbm>> -> memref<64xf32, #tpu.memory_space<hbm>>
      tpu.enqueue_dma source(%dma_start3A_237 : memref<64xf32, #tpu.memory_space<hbm>>) target(%dma_start3A_234 : memref<64xf32, #tpu.memory_space<vmem>>) target_semaphore(%arg21 : memref<!tpu.dma_semaphore, #tpu.memory_space<semaphore_mem>>)
      %slice3A_238 = vector.extract_strided_slice %get3A_11 {offsets = [5], sizes = [1], strides = [1]} : vector<16xi32> to vector<1xi32>
      %squeeze3A_239 = vector.extract %slice3A_238[0] : i32 from vector<1xi32>
      %dma_start3A_240 = arith.constant 5 : i32
      %dma_start3A_241 = arith.constant 0 : i32
      %dma_start3A_242 = tpu.memref_slice %arg14[%dma_start3A_240, %dma_start3A_241] : memref<16x128xf32, #tpu.memory_space<vmem>> -> memref<1x64xf32, #tpu.memory_space<vmem>>
      %dma_start3A_243 = tpu.memref_squeeze %dma_start3A_242 : memref<1x64xf32, #tpu.memory_space<vmem>> -> memref<64xf32, #tpu.memory_space<vmem>>
      %dma_start3A_244 = arith.constant 0 : i32
      %dma_start3A_245 = tpu.memref_slice %arg5[%squeeze3A_239, %dma_start3A_244] : memref<1000000x64xf32, #tpu.memory_space<hbm>> -> memref<1x64xf32, #tpu.memory_space<hbm>>
      %dma_start3A_246 = tpu.memref_squeeze %dma_start3A_245 : memref<1x64xf32, #tpu.memory_space<hbm>> -> memref<64xf32, #tpu.memory_space<hbm>>
      %dma_start3A_247 = arith.constant 0 : i32
      %dma_start3A_248 = tpu.memref_slice %arg14[%dma_start3A_240, %dma_start3A_247] : memref<16x128xf32, #tpu.memory_space<vmem>> -> memref<1x64xf32, #tpu.memory_space<vmem>>
      %dma_start3A_249 = tpu.memref_squeeze %dma_start3A_248 : memref<1x64xf32, #tpu.memory_space<vmem>> -> memref<64xf32, #tpu.memory_space<vmem>>
      %dma_start3A_250 = arith.constant 0 : i32
      %dma_start3A_251 = tpu.memref_slice %arg5[%squeeze3A_239, %dma_start3A_250] : memref<1000000x64xf32, #tpu.memory_space<hbm>> -> memref<1x64xf32, #tpu.memory_space<hbm>>
      %dma_start3A_252 = tpu.memref_squeeze %dma_start3A_251 : memref<1x64xf32, #tpu.memory_space<hbm>> -> memref<64xf32, #tpu.memory_space<hbm>>
      tpu.enqueue_dma source(%dma_start3A_252 : memref<64xf32, #tpu.memory_space<hbm>>) target(%dma_start3A_249 : memref<64xf32, #tpu.memory_space<vmem>>) target_semaphore(%arg21 : memref<!tpu.dma_semaphore, #tpu.memory_space<semaphore_mem>>)
      %slice3A_253 = vector.extract_strided_slice %get3A_13 {offsets = [5], sizes = [1], strides = [1]} : vector<16xi32> to vector<1xi32>
      %squeeze3A_254 = vector.extract %slice3A_253[0] : i32 from vector<1xi32>
      %dma_start3A_255 = arith.constant 5 : i32
      %dma_start3A_256 = arith.constant 0 : i32
      %dma_start3A_257 = tpu.memref_slice %arg15[%dma_start3A_255, %dma_start3A_256] : memref<16x128xf32, #tpu.memory_space<vmem>> -> memref<1x64xf32, #tpu.memory_space<vmem>>
      %dma_start3A_258 = tpu.memref_squeeze %dma_start3A_257 : memref<1x64xf32, #tpu.memory_space<vmem>> -> memref<64xf32, #tpu.memory_space<vmem>>
      %dma_start3A_259 = arith.constant 0 : i32
      %dma_start3A_260 = tpu.memref_slice %arg6[%squeeze3A_254, %dma_start3A_259] : memref<1000000x64xf32, #tpu.memory_space<hbm>> -> memref<1x64xf32, #tpu.memory_space<hbm>>
      %dma_start3A_261 = tpu.memref_squeeze %dma_start3A_260 : memref<1x64xf32, #tpu.memory_space<hbm>> -> memref<64xf32, #tpu.memory_space<hbm>>
      %dma_start3A_262 = arith.constant 0 : i32
      %dma_start3A_263 = tpu.memref_slice %arg15[%dma_start3A_255, %dma_start3A_262] : memref<16x128xf32, #tpu.memory_space<vmem>> -> memref<1x64xf32, #tpu.memory_space<vmem>>
      %dma_start3A_264 = tpu.memref_squeeze %dma_start3A_263 : memref<1x64xf32, #tpu.memory_space<vmem>> -> memref<64xf32, #tpu.memory_space<vmem>>
      %dma_start3A_265 = arith.constant 0 : i32
      %dma_start3A_266 = tpu.memref_slice %arg6[%squeeze3A_254, %dma_start3A_265] : memref<1000000x64xf32, #tpu.memory_space<hbm>> -> memref<1x64xf32, #tpu.memory_space<hbm>>
      %dma_start3A_267 = tpu.memref_squeeze %dma_start3A_266 : memref<1x64xf32, #tpu.memory_space<hbm>> -> memref<64xf32, #tpu.memory_space<hbm>>
      tpu.enqueue_dma source(%dma_start3A_267 : memref<64xf32, #tpu.memory_space<hbm>>) target(%dma_start3A_264 : memref<64xf32, #tpu.memory_space<vmem>>) target_semaphore(%arg21 : memref<!tpu.dma_semaphore, #tpu.memory_space<semaphore_mem>>)
      %slice3A_268 = vector.extract_strided_slice %get3A_15 {offsets = [5], sizes = [1], strides = [1]} : vector<16xi32> to vector<1xi32>
      %squeeze3A_269 = vector.extract %slice3A_268[0] : i32 from vector<1xi32>
      %dma_start3A_270 = arith.constant 5 : i32
      %dma_start3A_271 = arith.constant 0 : i32
      %dma_start3A_272 = tpu.memref_slice %arg16[%dma_start3A_270, %dma_start3A_271] : memref<16x128xf32, #tpu.memory_space<vmem>> -> memref<1x64xf32, #tpu.memory_space<vmem>>
      %dma_start3A_273 = tpu.memref_squeeze %dma_start3A_272 : memref<1x64xf32, #tpu.memory_space<vmem>> -> memref<64xf32, #tpu.memory_space<vmem>>
      %dma_start3A_274 = arith.constant 0 : i32
      %dma_start3A_275 = tpu.memref_slice %arg6[%squeeze3A_269, %dma_start3A_274] : memref<1000000x64xf32, #tpu.memory_space<hbm>> -> memref<1x64xf32, #tpu.memory_space<hbm>>
      %dma_start3A_276 = tpu.memref_squeeze %dma_start3A_275 : memref<1x64xf32, #tpu.memory_space<hbm>> -> memref<64xf32, #tpu.memory_space<hbm>>
      %dma_start3A_277 = arith.constant 0 : i32
      %dma_start3A_278 = tpu.memref_slice %arg16[%dma_start3A_270, %dma_start3A_277] : memref<16x128xf32, #tpu.memory_space<vmem>> -> memref<1x64xf32, #tpu.memory_space<vmem>>
      %dma_start3A_279 = tpu.memref_squeeze %dma_start3A_278 : memref<1x64xf32, #tpu.memory_space<vmem>> -> memref<64xf32, #tpu.memory_space<vmem>>
      %dma_start3A_280 = arith.constant 0 : i32
      %dma_start3A_281 = tpu.memref_slice %arg6[%squeeze3A_269, %dma_start3A_280] : memref<1000000x64xf32, #tpu.memory_space<hbm>> -> memref<1x64xf32, #tpu.memory_space<hbm>>
      %dma_start3A_282 = tpu.memref_squeeze %dma_start3A_281 : memref<1x64xf32, #tpu.memory_space<hbm>> -> memref<64xf32, #tpu.memory_space<hbm>>
      tpu.enqueue_dma source(%dma_start3A_282 : memref<64xf32, #tpu.memory_space<hbm>>) target(%dma_start3A_279 : memref<64xf32, #tpu.memory_space<vmem>>) target_semaphore(%arg21 : memref<!tpu.dma_semaphore, #tpu.memory_space<semaphore_mem>>)
      %slice3A_283 = vector.extract_strided_slice %get3A_11 {offsets = [6], sizes = [1], strides = [1]} : vector<16xi32> to vector<1xi32>
      %squeeze3A_284 = vector.extract %slice3A_283[0] : i32 from vector<1xi32>
      %dma_start3A_285 = arith.constant 6 : i32
      %dma_start3A_286 = arith.constant 0 : i32
      %dma_start3A_287 = tpu.memref_slice %arg14[%dma_start3A_285, %dma_start3A_286] : memref<16x128xf32, #tpu.memory_space<vmem>> -> memref<1x64xf32, #tpu.memory_space<vmem>>
      %dma_start3A_288 = tpu.memref_squeeze %dma_start3A_287 : memref<1x64xf32, #tpu.memory_space<vmem>> -> memref<64xf32, #tpu.memory_space<vmem>>
      %dma_start3A_289 = arith.constant 0 : i32
      %dma_start3A_290 = tpu.memref_slice %arg5[%squeeze3A_284, %dma_start3A_289] : memref<1000000x64xf32, #tpu.memory_space<hbm>> -> memref<1x64xf32, #tpu.memory_space<hbm>>
      %dma_start3A_291 = tpu.memref_squeeze %dma_start3A_290 : memref<1x64xf32, #tpu.memory_space<hbm>> -> memref<64xf32, #tpu.memory_space<hbm>>
      %dma_start3A_292 = arith.constant 0 : i32
      %dma_start3A_293 = tpu.memref_slice %arg14[%dma_start3A_285, %dma_start3A_292] : memref<16x128xf32, #tpu.memory_space<vmem>> -> memref<1x64xf32, #tpu.memory_space<vmem>>
      %dma_start3A_294 = tpu.memref_squeeze %dma_start3A_293 : memref<1x64xf32, #tpu.memory_space<vmem>> -> memref<64xf32, #tpu.memory_space<vmem>>
      %dma_start3A_295 = arith.constant 0 : i32
      %dma_start3A_296 = tpu.memref_slice %arg5[%squeeze3A_284, %dma_start3A_295] : memref<1000000x64xf32, #tpu.memory_space<hbm>> -> memref<1x64xf32, #tpu.memory_space<hbm>>
      %dma_start3A_297 = tpu.memref_squeeze %dma_start3A_296 : memref<1x64xf32, #tpu.memory_space<hbm>> -> memref<64xf32, #tpu.memory_space<hbm>>
      tpu.enqueue_dma source(%dma_start3A_297 : memref<64xf32, #tpu.memory_space<hbm>>) target(%dma_start3A_294 : memref<64xf32, #tpu.memory_space<vmem>>) target_semaphore(%arg21 : memref<!tpu.dma_semaphore, #tpu.memory_space<semaphore_mem>>)
      %slice3A_298 = vector.extract_strided_slice %get3A_13 {offsets = [6], sizes = [1], strides = [1]} : vector<16xi32> to vector<1xi32>
      %squeeze3A_299 = vector.extract %slice3A_298[0] : i32 from vector<1xi32>
      %dma_start3A_300 = arith.constant 6 : i32
      %dma_start3A_301 = arith.constant 0 : i32
      %dma_start3A_302 = tpu.memref_slice %arg15[%dma_start3A_300, %dma_start3A_301] : memref<16x128xf32, #tpu.memory_space<vmem>> -> memref<1x64xf32, #tpu.memory_space<vmem>>
      %dma_start3A_303 = tpu.memref_squeeze %dma_start3A_302 : memref<1x64xf32, #tpu.memory_space<vmem>> -> memref<64xf32, #tpu.memory_space<vmem>>
      %dma_start3A_304 = arith.constant 0 : i32
      %dma_start3A_305 = tpu.memref_slice %arg6[%squeeze3A_299, %dma_start3A_304] : memref<1000000x64xf32, #tpu.memory_space<hbm>> -> memref<1x64xf32, #tpu.memory_space<hbm>>
      %dma_start3A_306 = tpu.memref_squeeze %dma_start3A_305 : memref<1x64xf32, #tpu.memory_space<hbm>> -> memref<64xf32, #tpu.memory_space<hbm>>
      %dma_start3A_307 = arith.constant 0 : i32
      %dma_start3A_308 = tpu.memref_slice %arg15[%dma_start3A_300, %dma_start3A_307] : memref<16x128xf32, #tpu.memory_space<vmem>> -> memref<1x64xf32, #tpu.memory_space<vmem>>
      %dma_start3A_309 = tpu.memref_squeeze %dma_start3A_308 : memref<1x64xf32, #tpu.memory_space<vmem>> -> memref<64xf32, #tpu.memory_space<vmem>>
      %dma_start3A_310 = arith.constant 0 : i32
      %dma_start3A_311 = tpu.memref_slice %arg6[%squeeze3A_299, %dma_start3A_310] : memref<1000000x64xf32, #tpu.memory_space<hbm>> -> memref<1x64xf32, #tpu.memory_space<hbm>>
      %dma_start3A_312 = tpu.memref_squeeze %dma_start3A_311 : memref<1x64xf32, #tpu.memory_space<hbm>> -> memref<64xf32, #tpu.memory_space<hbm>>
      tpu.enqueue_dma source(%dma_start3A_312 : memref<64xf32, #tpu.memory_space<hbm>>) target(%dma_start3A_309 : memref<64xf32, #tpu.memory_space<vmem>>) target_semaphore(%arg21 : memref<!tpu.dma_semaphore, #tpu.memory_space<semaphore_mem>>)
      %slice3A_313 = vector.extract_strided_slice %get3A_15 {offsets = [6], sizes = [1], strides = [1]} : vector<16xi32> to vector<1xi32>
      %squeeze3A_314 = vector.extract %slice3A_313[0] : i32 from vector<1xi32>
      %dma_start3A_315 = arith.constant 6 : i32
      %dma_start3A_316 = arith.constant 0 : i32
      %dma_start3A_317 = tpu.memref_slice %arg16[%dma_start3A_315, %dma_start3A_316] : memref<16x128xf32, #tpu.memory_space<vmem>> -> memref<1x64xf32, #tpu.memory_space<vmem>>
      %dma_start3A_318 = tpu.memref_squeeze %dma_start3A_317 : memref<1x64xf32, #tpu.memory_space<vmem>> -> memref<64xf32, #tpu.memory_space<vmem>>
      %dma_start3A_319 = arith.constant 0 : i32
      %dma_start3A_320 = tpu.memref_slice %arg6[%squeeze3A_314, %dma_start3A_319] : memref<1000000x64xf32, #tpu.memory_space<hbm>> -> memref<1x64xf32, #tpu.memory_space<hbm>>
      %dma_start3A_321 = tpu.memref_squeeze %dma_start3A_320 : memref<1x64xf32, #tpu.memory_space<hbm>> -> memref<64xf32, #tpu.memory_space<hbm>>
      %dma_start3A_322 = arith.constant 0 : i32
      %dma_start3A_323 = tpu.memref_slice %arg16[%dma_start3A_315, %dma_start3A_322] : memref<16x128xf32, #tpu.memory_space<vmem>> -> memref<1x64xf32, #tpu.memory_space<vmem>>
      %dma_start3A_324 = tpu.memref_squeeze %dma_start3A_323 : memref<1x64xf32, #tpu.memory_space<vmem>> -> memref<64xf32, #tpu.memory_space<vmem>>
      %dma_start3A_325 = arith.constant 0 : i32
      %dma_start3A_326 = tpu.memref_slice %arg6[%squeeze3A_314, %dma_start3A_325] : memref<1000000x64xf32, #tpu.memory_space<hbm>> -> memref<1x64xf32, #tpu.memory_space<hbm>>
      %dma_start3A_327 = tpu.memref_squeeze %dma_start3A_326 : memref<1x64xf32, #tpu.memory_space<hbm>> -> memref<64xf32, #tpu.memory_space<hbm>>
      tpu.enqueue_dma source(%dma_start3A_327 : memref<64xf32, #tpu.memory_space<hbm>>) target(%dma_start3A_324 : memref<64xf32, #tpu.memory_space<vmem>>) target_semaphore(%arg21 : memref<!tpu.dma_semaphore, #tpu.memory_space<semaphore_mem>>)
      %slice3A_328 = vector.extract_strided_slice %get3A_11 {offsets = [7], sizes = [1], strides = [1]} : vector<16xi32> to vector<1xi32>
      %squeeze3A_329 = vector.extract %slice3A_328[0] : i32 from vector<1xi32>
      %dma_start3A_330 = arith.constant 7 : i32
      %dma_start3A_331 = arith.constant 0 : i32
      %dma_start3A_332 = tpu.memref_slice %arg14[%dma_start3A_330, %dma_start3A_331] : memref<16x128xf32, #tpu.memory_space<vmem>> -> memref<1x64xf32, #tpu.memory_space<vmem>>
      %dma_start3A_333 = tpu.memref_squeeze %dma_start3A_332 : memref<1x64xf32, #tpu.memory_space<vmem>> -> memref<64xf32, #tpu.memory_space<vmem>>
      %dma_start3A_334 = arith.constant 0 : i32
      %dma_start3A_335 = tpu.memref_slice %arg5[%squeeze3A_329, %dma_start3A_334] : memref<1000000x64xf32, #tpu.memory_space<hbm>> -> memref<1x64xf32, #tpu.memory_space<hbm>>
      %dma_start3A_336 = tpu.memref_squeeze %dma_start3A_335 : memref<1x64xf32, #tpu.memory_space<hbm>> -> memref<64xf32, #tpu.memory_space<hbm>>
      %dma_start3A_337 = arith.constant 0 : i32
      %dma_start3A_338 = tpu.memref_slice %arg14[%dma_start3A_330, %dma_start3A_337] : memref<16x128xf32, #tpu.memory_space<vmem>> -> memref<1x64xf32, #tpu.memory_space<vmem>>
      %dma_start3A_339 = tpu.memref_squeeze %dma_start3A_338 : memref<1x64xf32, #tpu.memory_space<vmem>> -> memref<64xf32, #tpu.memory_space<vmem>>
      %dma_start3A_340 = arith.constant 0 : i32
      %dma_start3A_341 = tpu.memref_slice %arg5[%squeeze3A_329, %dma_start3A_340] : memref<1000000x64xf32, #tpu.memory_space<hbm>> -> memref<1x64xf32, #tpu.memory_space<hbm>>
      %dma_start3A_342 = tpu.memref_squeeze %dma_start3A_341 : memref<1x64xf32, #tpu.memory_space<hbm>> -> memref<64xf32, #tpu.memory_space<hbm>>
      tpu.enqueue_dma source(%dma_start3A_342 : memref<64xf32, #tpu.memory_space<hbm>>) target(%dma_start3A_339 : memref<64xf32, #tpu.memory_space<vmem>>) target_semaphore(%arg21 : memref<!tpu.dma_semaphore, #tpu.memory_space<semaphore_mem>>)
      %slice3A_343 = vector.extract_strided_slice %get3A_13 {offsets = [7], sizes = [1], strides = [1]} : vector<16xi32> to vector<1xi32>
      %squeeze3A_344 = vector.extract %slice3A_343[0] : i32 from vector<1xi32>
      %dma_start3A_345 = arith.constant 7 : i32
      %dma_start3A_346 = arith.constant 0 : i32
      %dma_start3A_347 = tpu.memref_slice %arg15[%dma_start3A_345, %dma_start3A_346] : memref<16x128xf32, #tpu.memory_space<vmem>> -> memref<1x64xf32, #tpu.memory_space<vmem>>
      %dma_start3A_348 = tpu.memref_squeeze %dma_start3A_347 : memref<1x64xf32, #tpu.memory_space<vmem>> -> memref<64xf32, #tpu.memory_space<vmem>>
      %dma_start3A_349 = arith.constant 0 : i32
      %dma_start3A_350 = tpu.memref_slice %arg6[%squeeze3A_344, %dma_start3A_349] : memref<1000000x64xf32, #tpu.memory_space<hbm>> -> memref<1x64xf32, #tpu.memory_space<hbm>>
      %dma_start3A_351 = tpu.memref_squeeze %dma_start3A_350 : memref<1x64xf32, #tpu.memory_space<hbm>> -> memref<64xf32, #tpu.memory_space<hbm>>
      %dma_start3A_352 = arith.constant 0 : i32
      %dma_start3A_353 = tpu.memref_slice %arg15[%dma_start3A_345, %dma_start3A_352] : memref<16x128xf32, #tpu.memory_space<vmem>> -> memref<1x64xf32, #tpu.memory_space<vmem>>
      %dma_start3A_354 = tpu.memref_squeeze %dma_start3A_353 : memref<1x64xf32, #tpu.memory_space<vmem>> -> memref<64xf32, #tpu.memory_space<vmem>>
      %dma_start3A_355 = arith.constant 0 : i32
      %dma_start3A_356 = tpu.memref_slice %arg6[%squeeze3A_344, %dma_start3A_355] : memref<1000000x64xf32, #tpu.memory_space<hbm>> -> memref<1x64xf32, #tpu.memory_space<hbm>>
      %dma_start3A_357 = tpu.memref_squeeze %dma_start3A_356 : memref<1x64xf32, #tpu.memory_space<hbm>> -> memref<64xf32, #tpu.memory_space<hbm>>
      tpu.enqueue_dma source(%dma_start3A_357 : memref<64xf32, #tpu.memory_space<hbm>>) target(%dma_start3A_354 : memref<64xf32, #tpu.memory_space<vmem>>) target_semaphore(%arg21 : memref<!tpu.dma_semaphore, #tpu.memory_space<semaphore_mem>>)
      %slice3A_358 = vector.extract_strided_slice %get3A_15 {offsets = [7], sizes = [1], strides = [1]} : vector<16xi32> to vector<1xi32>
      %squeeze3A_359 = vector.extract %slice3A_358[0] : i32 from vector<1xi32>
      %dma_start3A_360 = arith.constant 7 : i32
      %dma_start3A_361 = arith.constant 0 : i32
      %dma_start3A_362 = tpu.memref_slice %arg16[%dma_start3A_360, %dma_start3A_361] : memref<16x128xf32, #tpu.memory_space<vmem>> -> memref<1x64xf32, #tpu.memory_space<vmem>>
      %dma_start3A_363 = tpu.memref_squeeze %dma_start3A_362 : memref<1x64xf32, #tpu.memory_space<vmem>> -> memref<64xf32, #tpu.memory_space<vmem>>
      %dma_start3A_364 = arith.constant 0 : i32
      %dma_start3A_365 = tpu.memref_slice %arg6[%squeeze3A_359, %dma_start3A_364] : memref<1000000x64xf32, #tpu.memory_space<hbm>> -> memref<1x64xf32, #tpu.memory_space<hbm>>
      %dma_start3A_366 = tpu.memref_squeeze %dma_start3A_365 : memref<1x64xf32, #tpu.memory_space<hbm>> -> memref<64xf32, #tpu.memory_space<hbm>>
      %dma_start3A_367 = arith.constant 0 : i32
      %dma_start3A_368 = tpu.memref_slice %arg16[%dma_start3A_360, %dma_start3A_367] : memref<16x128xf32, #tpu.memory_space<vmem>> -> memref<1x64xf32, #tpu.memory_space<vmem>>
      %dma_start3A_369 = tpu.memref_squeeze %dma_start3A_368 : memref<1x64xf32, #tpu.memory_space<vmem>> -> memref<64xf32, #tpu.memory_space<vmem>>
      %dma_start3A_370 = arith.constant 0 : i32
      %dma_start3A_371 = tpu.memref_slice %arg6[%squeeze3A_359, %dma_start3A_370] : memref<1000000x64xf32, #tpu.memory_space<hbm>> -> memref<1x64xf32, #tpu.memory_space<hbm>>
      %dma_start3A_372 = tpu.memref_squeeze %dma_start3A_371 : memref<1x64xf32, #tpu.memory_space<hbm>> -> memref<64xf32, #tpu.memory_space<hbm>>
      tpu.enqueue_dma source(%dma_start3A_372 : memref<64xf32, #tpu.memory_space<hbm>>) target(%dma_start3A_369 : memref<64xf32, #tpu.memory_space<vmem>>) target_semaphore(%arg21 : memref<!tpu.dma_semaphore, #tpu.memory_space<semaphore_mem>>)
      %slice3A_373 = vector.extract_strided_slice %get3A_11 {offsets = [8], sizes = [1], strides = [1]} : vector<16xi32> to vector<1xi32>
      %squeeze3A_374 = vector.extract %slice3A_373[0] : i32 from vector<1xi32>
      %dma_start3A_375 = arith.constant 8 : i32
      %dma_start3A_376 = arith.constant 0 : i32
      %dma_start3A_377 = tpu.memref_slice %arg14[%dma_start3A_375, %dma_start3A_376] : memref<16x128xf32, #tpu.memory_space<vmem>> -> memref<1x64xf32, #tpu.memory_space<vmem>>
      %dma_start3A_378 = tpu.memref_squeeze %dma_start3A_377 : memref<1x64xf32, #tpu.memory_space<vmem>> -> memref<64xf32, #tpu.memory_space<vmem>>
      %dma_start3A_379 = arith.constant 0 : i32
      %dma_start3A_380 = tpu.memref_slice %arg5[%squeeze3A_374, %dma_start3A_379] : memref<1000000x64xf32, #tpu.memory_space<hbm>> -> memref<1x64xf32, #tpu.memory_space<hbm>>
      %dma_start3A_381 = tpu.memref_squeeze %dma_start3A_380 : memref<1x64xf32, #tpu.memory_space<hbm>> -> memref<64xf32, #tpu.memory_space<hbm>>
      %dma_start3A_382 = arith.constant 0 : i32
      %dma_start3A_383 = tpu.memref_slice %arg14[%dma_start3A_375, %dma_start3A_382] : memref<16x128xf32, #tpu.memory_space<vmem>> -> memref<1x64xf32, #tpu.memory_space<vmem>>
      %dma_start3A_384 = tpu.memref_squeeze %dma_start3A_383 : memref<1x64xf32, #tpu.memory_space<vmem>> -> memref<64xf32, #tpu.memory_space<vmem>>
      %dma_start3A_385 = arith.constant 0 : i32
      %dma_start3A_386 = tpu.memref_slice %arg5[%squeeze3A_374, %dma_start3A_385] : memref<1000000x64xf32, #tpu.memory_space<hbm>> -> memref<1x64xf32, #tpu.memory_space<hbm>>
      %dma_start3A_387 = tpu.memref_squeeze %dma_start3A_386 : memref<1x64xf32, #tpu.memory_space<hbm>> -> memref<64xf32, #tpu.memory_space<hbm>>
      tpu.enqueue_dma source(%dma_start3A_387 : memref<64xf32, #tpu.memory_space<hbm>>) target(%dma_start3A_384 : memref<64xf32, #tpu.memory_space<vmem>>) target_semaphore(%arg21 : memref<!tpu.dma_semaphore, #tpu.memory_space<semaphore_mem>>)
      %slice3A_388 = vector.extract_strided_slice %get3A_13 {offsets = [8], sizes = [1], strides = [1]} : vector<16xi32> to vector<1xi32>
      %squeeze3A_389 = vector.extract %slice3A_388[0] : i32 from vector<1xi32>
      %dma_start3A_390 = arith.constant 8 : i32
      %dma_start3A_391 = arith.constant 0 : i32
      %dma_start3A_392 = tpu.memref_slice %arg15[%dma_start3A_390, %dma_start3A_391] : memref<16x128xf32, #tpu.memory_space<vmem>> -> memref<1x64xf32, #tpu.memory_space<vmem>>
      %dma_start3A_393 = tpu.memref_squeeze %dma_start3A_392 : memref<1x64xf32, #tpu.memory_space<vmem>> -> memref<64xf32, #tpu.memory_space<vmem>>
      %dma_start3A_394 = arith.constant 0 : i32
      %dma_start3A_395 = tpu.memref_slice %arg6[%squeeze3A_389, %dma_start3A_394] : memref<1000000x64xf32, #tpu.memory_space<hbm>> -> memref<1x64xf32, #tpu.memory_space<hbm>>
      %dma_start3A_396 = tpu.memref_squeeze %dma_start3A_395 : memref<1x64xf32, #tpu.memory_space<hbm>> -> memref<64xf32, #tpu.memory_space<hbm>>
      %dma_start3A_397 = arith.constant 0 : i32
      %dma_start3A_398 = tpu.memref_slice %arg15[%dma_start3A_390, %dma_start3A_397] : memref<16x128xf32, #tpu.memory_space<vmem>> -> memref<1x64xf32, #tpu.memory_space<vmem>>
      %dma_start3A_399 = tpu.memref_squeeze %dma_start3A_398 : memref<1x64xf32, #tpu.memory_space<vmem>> -> memref<64xf32, #tpu.memory_space<vmem>>
      %dma_start3A_400 = arith.constant 0 : i32
      %dma_start3A_401 = tpu.memref_slice %arg6[%squeeze3A_389, %dma_start3A_400] : memref<1000000x64xf32, #tpu.memory_space<hbm>> -> memref<1x64xf32, #tpu.memory_space<hbm>>
      %dma_start3A_402 = tpu.memref_squeeze %dma_start3A_401 : memref<1x64xf32, #tpu.memory_space<hbm>> -> memref<64xf32, #tpu.memory_space<hbm>>
      tpu.enqueue_dma source(%dma_start3A_402 : memref<64xf32, #tpu.memory_space<hbm>>) target(%dma_start3A_399 : memref<64xf32, #tpu.memory_space<vmem>>) target_semaphore(%arg21 : memref<!tpu.dma_semaphore, #tpu.memory_space<semaphore_mem>>)
      %slice3A_403 = vector.extract_strided_slice %get3A_15 {offsets = [8], sizes = [1], strides = [1]} : vector<16xi32> to vector<1xi32>
      %squeeze3A_404 = vector.extract %slice3A_403[0] : i32 from vector<1xi32>
      %dma_start3A_405 = arith.constant 8 : i32
      %dma_start3A_406 = arith.constant 0 : i32
      %dma_start3A_407 = tpu.memref_slice %arg16[%dma_start3A_405, %dma_start3A_406] : memref<16x128xf32, #tpu.memory_space<vmem>> -> memref<1x64xf32, #tpu.memory_space<vmem>>
      %dma_start3A_408 = tpu.memref_squeeze %dma_start3A_407 : memref<1x64xf32, #tpu.memory_space<vmem>> -> memref<64xf32, #tpu.memory_space<vmem>>
      %dma_start3A_409 = arith.constant 0 : i32
      %dma_start3A_410 = tpu.memref_slice %arg6[%squeeze3A_404, %dma_start3A_409] : memref<1000000x64xf32, #tpu.memory_space<hbm>> -> memref<1x64xf32, #tpu.memory_space<hbm>>
      %dma_start3A_411 = tpu.memref_squeeze %dma_start3A_410 : memref<1x64xf32, #tpu.memory_space<hbm>> -> memref<64xf32, #tpu.memory_space<hbm>>
      %dma_start3A_412 = arith.constant 0 : i32
      %dma_start3A_413 = tpu.memref_slice %arg16[%dma_start3A_405, %dma_start3A_412] : memref<16x128xf32, #tpu.memory_space<vmem>> -> memref<1x64xf32, #tpu.memory_space<vmem>>
      %dma_start3A_414 = tpu.memref_squeeze %dma_start3A_413 : memref<1x64xf32, #tpu.memory_space<vmem>> -> memref<64xf32, #tpu.memory_space<vmem>>
      %dma_start3A_415 = arith.constant 0 : i32
      %dma_start3A_416 = tpu.memref_slice %arg6[%squeeze3A_404, %dma_start3A_415] : memref<1000000x64xf32, #tpu.memory_space<hbm>> -> memref<1x64xf32, #tpu.memory_space<hbm>>
      %dma_start3A_417 = tpu.memref_squeeze %dma_start3A_416 : memref<1x64xf32, #tpu.memory_space<hbm>> -> memref<64xf32, #tpu.memory_space<hbm>>
      tpu.enqueue_dma source(%dma_start3A_417 : memref<64xf32, #tpu.memory_space<hbm>>) target(%dma_start3A_414 : memref<64xf32, #tpu.memory_space<vmem>>) target_semaphore(%arg21 : memref<!tpu.dma_semaphore, #tpu.memory_space<semaphore_mem>>)
      %slice3A_418 = vector.extract_strided_slice %get3A_11 {offsets = [9], sizes = [1], strides = [1]} : vector<16xi32> to vector<1xi32>
      %squeeze3A_419 = vector.extract %slice3A_418[0] : i32 from vector<1xi32>
      %dma_start3A_420 = arith.constant 9 : i32
      %dma_start3A_421 = arith.constant 0 : i32
      %dma_start3A_422 = tpu.memref_slice %arg14[%dma_start3A_420, %dma_start3A_421] : memref<16x128xf32, #tpu.memory_space<vmem>> -> memref<1x64xf32, #tpu.memory_space<vmem>>
      %dma_start3A_423 = tpu.memref_squeeze %dma_start3A_422 : memref<1x64xf32, #tpu.memory_space<vmem>> -> memref<64xf32, #tpu.memory_space<vmem>>
      %dma_start3A_424 = arith.constant 0 : i32
      %dma_start3A_425 = tpu.memref_slice %arg5[%squeeze3A_419, %dma_start3A_424] : memref<1000000x64xf32, #tpu.memory_space<hbm>> -> memref<1x64xf32, #tpu.memory_space<hbm>>
      %dma_start3A_426 = tpu.memref_squeeze %dma_start3A_425 : memref<1x64xf32, #tpu.memory_space<hbm>> -> memref<64xf32, #tpu.memory_space<hbm>>
      %dma_start3A_427 = arith.constant 0 : i32
      %dma_start3A_428 = tpu.memref_slice %arg14[%dma_start3A_420, %dma_start3A_427] : memref<16x128xf32, #tpu.memory_space<vmem>> -> memref<1x64xf32, #tpu.memory_space<vmem>>
      %dma_start3A_429 = tpu.memref_squeeze %dma_start3A_428 : memref<1x64xf32, #tpu.memory_space<vmem>> -> memref<64xf32, #tpu.memory_space<vmem>>
      %dma_start3A_430 = arith.constant 0 : i32
      %dma_start3A_431 = tpu.memref_slice %arg5[%squeeze3A_419, %dma_start3A_430] : memref<1000000x64xf32, #tpu.memory_space<hbm>> -> memref<1x64xf32, #tpu.memory_space<hbm>>
      %dma_start3A_432 = tpu.memref_squeeze %dma_start3A_431 : memref<1x64xf32, #tpu.memory_space<hbm>> -> memref<64xf32, #tpu.memory_space<hbm>>
      tpu.enqueue_dma source(%dma_start3A_432 : memref<64xf32, #tpu.memory_space<hbm>>) target(%dma_start3A_429 : memref<64xf32, #tpu.memory_space<vmem>>) target_semaphore(%arg21 : memref<!tpu.dma_semaphore, #tpu.memory_space<semaphore_mem>>)
      %slice3A_433 = vector.extract_strided_slice %get3A_13 {offsets = [9], sizes = [1], strides = [1]} : vector<16xi32> to vector<1xi32>
      %squeeze3A_434 = vector.extract %slice3A_433[0] : i32 from vector<1xi32>
      %dma_start3A_435 = arith.constant 9 : i32
      %dma_start3A_436 = arith.constant 0 : i32
      %dma_start3A_437 = tpu.memref_slice %arg15[%dma_start3A_435, %dma_start3A_436] : memref<16x128xf32, #tpu.memory_space<vmem>> -> memref<1x64xf32, #tpu.memory_space<vmem>>
      %dma_start3A_438 = tpu.memref_squeeze %dma_start3A_437 : memref<1x64xf32, #tpu.memory_space<vmem>> -> memref<64xf32, #tpu.memory_space<vmem>>
      %dma_start3A_439 = arith.constant 0 : i32
      %dma_start3A_440 = tpu.memref_slice %arg6[%squeeze3A_434, %dma_start3A_439] : memref<1000000x64xf32, #tpu.memory_space<hbm>> -> memref<1x64xf32, #tpu.memory_space<hbm>>
      %dma_start3A_441 = tpu.memref_squeeze %dma_start3A_440 : memref<1x64xf32, #tpu.memory_space<hbm>> -> memref<64xf32, #tpu.memory_space<hbm>>
      %dma_start3A_442 = arith.constant 0 : i32
      %dma_start3A_443 = tpu.memref_slice %arg15[%dma_start3A_435, %dma_start3A_442] : memref<16x128xf32, #tpu.memory_space<vmem>> -> memref<1x64xf32, #tpu.memory_space<vmem>>
      %dma_start3A_444 = tpu.memref_squeeze %dma_start3A_443 : memref<1x64xf32, #tpu.memory_space<vmem>> -> memref<64xf32, #tpu.memory_space<vmem>>
      %dma_start3A_445 = arith.constant 0 : i32
      %dma_start3A_446 = tpu.memref_slice %arg6[%squeeze3A_434, %dma_start3A_445] : memref<1000000x64xf32, #tpu.memory_space<hbm>> -> memref<1x64xf32, #tpu.memory_space<hbm>>
      %dma_start3A_447 = tpu.memref_squeeze %dma_start3A_446 : memref<1x64xf32, #tpu.memory_space<hbm>> -> memref<64xf32, #tpu.memory_space<hbm>>
      tpu.enqueue_dma source(%dma_start3A_447 : memref<64xf32, #tpu.memory_space<hbm>>) target(%dma_start3A_444 : memref<64xf32, #tpu.memory_space<vmem>>) target_semaphore(%arg21 : memref<!tpu.dma_semaphore, #tpu.memory_space<semaphore_mem>>)
      %slice3A_448 = vector.extract_strided_slice %get3A_15 {offsets = [9], sizes = [1], strides = [1]} : vector<16xi32> to vector<1xi32>
      %squeeze3A_449 = vector.extract %slice3A_448[0] : i32 from vector<1xi32>
      %dma_start3A_450 = arith.constant 9 : i32
      %dma_start3A_451 = arith.constant 0 : i32
      %dma_start3A_452 = tpu.memref_slice %arg16[%dma_start3A_450, %dma_start3A_451] : memref<16x128xf32, #tpu.memory_space<vmem>> -> memref<1x64xf32, #tpu.memory_space<vmem>>
      %dma_start3A_453 = tpu.memref_squeeze %dma_start3A_452 : memref<1x64xf32, #tpu.memory_space<vmem>> -> memref<64xf32, #tpu.memory_space<vmem>>
      %dma_start3A_454 = arith.constant 0 : i32
      %dma_start3A_455 = tpu.memref_slice %arg6[%squeeze3A_449, %dma_start3A_454] : memref<1000000x64xf32, #tpu.memory_space<hbm>> -> memref<1x64xf32, #tpu.memory_space<hbm>>
      %dma_start3A_456 = tpu.memref_squeeze %dma_start3A_455 : memref<1x64xf32, #tpu.memory_space<hbm>> -> memref<64xf32, #tpu.memory_space<hbm>>
      %dma_start3A_457 = arith.constant 0 : i32
      %dma_start3A_458 = tpu.memref_slice %arg16[%dma_start3A_450, %dma_start3A_457] : memref<16x128xf32, #tpu.memory_space<vmem>> -> memref<1x64xf32, #tpu.memory_space<vmem>>
      %dma_start3A_459 = tpu.memref_squeeze %dma_start3A_458 : memref<1x64xf32, #tpu.memory_space<vmem>> -> memref<64xf32, #tpu.memory_space<vmem>>
      %dma_start3A_460 = arith.constant 0 : i32
      %dma_start3A_461 = tpu.memref_slice %arg6[%squeeze3A_449, %dma_start3A_460] : memref<1000000x64xf32, #tpu.memory_space<hbm>> -> memref<1x64xf32, #tpu.memory_space<hbm>>
      %dma_start3A_462 = tpu.memref_squeeze %dma_start3A_461 : memref<1x64xf32, #tpu.memory_space<hbm>> -> memref<64xf32, #tpu.memory_space<hbm>>
      tpu.enqueue_dma source(%dma_start3A_462 : memref<64xf32, #tpu.memory_space<hbm>>) target(%dma_start3A_459 : memref<64xf32, #tpu.memory_space<vmem>>) target_semaphore(%arg21 : memref<!tpu.dma_semaphore, #tpu.memory_space<semaphore_mem>>)
      %slice3A_463 = vector.extract_strided_slice %get3A_11 {offsets = [10], sizes = [1], strides = [1]} : vector<16xi32> to vector<1xi32>
      %squeeze3A_464 = vector.extract %slice3A_463[0] : i32 from vector<1xi32>
      %dma_start3A_465 = arith.constant 10 : i32
      %dma_start3A_466 = arith.constant 0 : i32
      %dma_start3A_467 = tpu.memref_slice %arg14[%dma_start3A_465, %dma_start3A_466] : memref<16x128xf32, #tpu.memory_space<vmem>> -> memref<1x64xf32, #tpu.memory_space<vmem>>
      %dma_start3A_468 = tpu.memref_squeeze %dma_start3A_467 : memref<1x64xf32, #tpu.memory_space<vmem>> -> memref<64xf32, #tpu.memory_space<vmem>>
      %dma_start3A_469 = arith.constant 0 : i32
      %dma_start3A_470 = tpu.memref_slice %arg5[%squeeze3A_464, %dma_start3A_469] : memref<1000000x64xf32, #tpu.memory_space<hbm>> -> memref<1x64xf32, #tpu.memory_space<hbm>>
      %dma_start3A_471 = tpu.memref_squeeze %dma_start3A_470 : memref<1x64xf32, #tpu.memory_space<hbm>> -> memref<64xf32, #tpu.memory_space<hbm>>
      %dma_start3A_472 = arith.constant 0 : i32
      %dma_start3A_473 = tpu.memref_slice %arg14[%dma_start3A_465, %dma_start3A_472] : memref<16x128xf32, #tpu.memory_space<vmem>> -> memref<1x64xf32, #tpu.memory_space<vmem>>
      %dma_start3A_474 = tpu.memref_squeeze %dma_start3A_473 : memref<1x64xf32, #tpu.memory_space<vmem>> -> memref<64xf32, #tpu.memory_space<vmem>>
      %dma_start3A_475 = arith.constant 0 : i32
      %dma_start3A_476 = tpu.memref_slice %arg5[%squeeze3A_464, %dma_start3A_475] : memref<1000000x64xf32, #tpu.memory_space<hbm>> -> memref<1x64xf32, #tpu.memory_space<hbm>>
      %dma_start3A_477 = tpu.memref_squeeze %dma_start3A_476 : memref<1x64xf32, #tpu.memory_space<hbm>> -> memref<64xf32, #tpu.memory_space<hbm>>
      tpu.enqueue_dma source(%dma_start3A_477 : memref<64xf32, #tpu.memory_space<hbm>>) target(%dma_start3A_474 : memref<64xf32, #tpu.memory_space<vmem>>) target_semaphore(%arg21 : memref<!tpu.dma_semaphore, #tpu.memory_space<semaphore_mem>>)
      %slice3A_478 = vector.extract_strided_slice %get3A_13 {offsets = [10], sizes = [1], strides = [1]} : vector<16xi32> to vector<1xi32>
      %squeeze3A_479 = vector.extract %slice3A_478[0] : i32 from vector<1xi32>
      %dma_start3A_480 = arith.constant 10 : i32
      %dma_start3A_481 = arith.constant 0 : i32
      %dma_start3A_482 = tpu.memref_slice %arg15[%dma_start3A_480, %dma_start3A_481] : memref<16x128xf32, #tpu.memory_space<vmem>> -> memref<1x64xf32, #tpu.memory_space<vmem>>
      %dma_start3A_483 = tpu.memref_squeeze %dma_start3A_482 : memref<1x64xf32, #tpu.memory_space<vmem>> -> memref<64xf32, #tpu.memory_space<vmem>>
      %dma_start3A_484 = arith.constant 0 : i32
      %dma_start3A_485 = tpu.memref_slice %arg6[%squeeze3A_479, %dma_start3A_484] : memref<1000000x64xf32, #tpu.memory_space<hbm>> -> memref<1x64xf32, #tpu.memory_space<hbm>>
      %dma_start3A_486 = tpu.memref_squeeze %dma_start3A_485 : memref<1x64xf32, #tpu.memory_space<hbm>> -> memref<64xf32, #tpu.memory_space<hbm>>
      %dma_start3A_487 = arith.constant 0 : i32
      %dma_start3A_488 = tpu.memref_slice %arg15[%dma_start3A_480, %dma_start3A_487] : memref<16x128xf32, #tpu.memory_space<vmem>> -> memref<1x64xf32, #tpu.memory_space<vmem>>
      %dma_start3A_489 = tpu.memref_squeeze %dma_start3A_488 : memref<1x64xf32, #tpu.memory_space<vmem>> -> memref<64xf32, #tpu.memory_space<vmem>>
      %dma_start3A_490 = arith.constant 0 : i32
      %dma_start3A_491 = tpu.memref_slice %arg6[%squeeze3A_479, %dma_start3A_490] : memref<1000000x64xf32, #tpu.memory_space<hbm>> -> memref<1x64xf32, #tpu.memory_space<hbm>>
      %dma_start3A_492 = tpu.memref_squeeze %dma_start3A_491 : memref<1x64xf32, #tpu.memory_space<hbm>> -> memref<64xf32, #tpu.memory_space<hbm>>
      tpu.enqueue_dma source(%dma_start3A_492 : memref<64xf32, #tpu.memory_space<hbm>>) target(%dma_start3A_489 : memref<64xf32, #tpu.memory_space<vmem>>) target_semaphore(%arg21 : memref<!tpu.dma_semaphore, #tpu.memory_space<semaphore_mem>>)
      %slice3A_493 = vector.extract_strided_slice %get3A_15 {offsets = [10], sizes = [1], strides = [1]} : vector<16xi32> to vector<1xi32>
      %squeeze3A_494 = vector.extract %slice3A_493[0] : i32 from vector<1xi32>
      %dma_start3A_495 = arith.constant 10 : i32
      %dma_start3A_496 = arith.constant 0 : i32
      %dma_start3A_497 = tpu.memref_slice %arg16[%dma_start3A_495, %dma_start3A_496] : memref<16x128xf32, #tpu.memory_space<vmem>> -> memref<1x64xf32, #tpu.memory_space<vmem>>
      %dma_start3A_498 = tpu.memref_squeeze %dma_start3A_497 : memref<1x64xf32, #tpu.memory_space<vmem>> -> memref<64xf32, #tpu.memory_space<vmem>>
      %dma_start3A_499 = arith.constant 0 : i32
      %dma_start3A_500 = tpu.memref_slice %arg6[%squeeze3A_494, %dma_start3A_499] : memref<1000000x64xf32, #tpu.memory_space<hbm>> -> memref<1x64xf32, #tpu.memory_space<hbm>>
      %dma_start3A_501 = tpu.memref_squeeze %dma_start3A_500 : memref<1x64xf32, #tpu.memory_space<hbm>> -> memref<64xf32, #tpu.memory_space<hbm>>
      %dma_start3A_502 = arith.constant 0 : i32
      %dma_start3A_503 = tpu.memref_slice %arg16[%dma_start3A_495, %dma_start3A_502] : memref<16x128xf32, #tpu.memory_space<vmem>> -> memref<1x64xf32, #tpu.memory_space<vmem>>
      %dma_start3A_504 = tpu.memref_squeeze %dma_start3A_503 : memref<1x64xf32, #tpu.memory_space<vmem>> -> memref<64xf32, #tpu.memory_space<vmem>>
      %dma_start3A_505 = arith.constant 0 : i32
      %dma_start3A_506 = tpu.memref_slice %arg6[%squeeze3A_494, %dma_start3A_505] : memref<1000000x64xf32, #tpu.memory_space<hbm>> -> memref<1x64xf32, #tpu.memory_space<hbm>>
      %dma_start3A_507 = tpu.memref_squeeze %dma_start3A_506 : memref<1x64xf32, #tpu.memory_space<hbm>> -> memref<64xf32, #tpu.memory_space<hbm>>
      tpu.enqueue_dma source(%dma_start3A_507 : memref<64xf32, #tpu.memory_space<hbm>>) target(%dma_start3A_504 : memref<64xf32, #tpu.memory_space<vmem>>) target_semaphore(%arg21 : memref<!tpu.dma_semaphore, #tpu.memory_space<semaphore_mem>>)
      %slice3A_508 = vector.extract_strided_slice %get3A_11 {offsets = [11], sizes = [1], strides = [1]} : vector<16xi32> to vector<1xi32>
      %squeeze3A_509 = vector.extract %slice3A_508[0] : i32 from vector<1xi32>
      %dma_start3A_510 = arith.constant 11 : i32
      %dma_start3A_511 = arith.constant 0 : i32
      %dma_start3A_512 = tpu.memref_slice %arg14[%dma_start3A_510, %dma_start3A_511] : memref<16x128xf32, #tpu.memory_space<vmem>> -> memref<1x64xf32, #tpu.memory_space<vmem>>
      %dma_start3A_513 = tpu.memref_squeeze %dma_start3A_512 : memref<1x64xf32, #tpu.memory_space<vmem>> -> memref<64xf32, #tpu.memory_space<vmem>>
      %dma_start3A_514 = arith.constant 0 : i32
      %dma_start3A_515 = tpu.memref_slice %arg5[%squeeze3A_509, %dma_start3A_514] : memref<1000000x64xf32, #tpu.memory_space<hbm>> -> memref<1x64xf32, #tpu.memory_space<hbm>>
      %dma_start3A_516 = tpu.memref_squeeze %dma_start3A_515 : memref<1x64xf32, #tpu.memory_space<hbm>> -> memref<64xf32, #tpu.memory_space<hbm>>
      %dma_start3A_517 = arith.constant 0 : i32
      %dma_start3A_518 = tpu.memref_slice %arg14[%dma_start3A_510, %dma_start3A_517] : memref<16x128xf32, #tpu.memory_space<vmem>> -> memref<1x64xf32, #tpu.memory_space<vmem>>
      %dma_start3A_519 = tpu.memref_squeeze %dma_start3A_518 : memref<1x64xf32, #tpu.memory_space<vmem>> -> memref<64xf32, #tpu.memory_space<vmem>>
      %dma_start3A_520 = arith.constant 0 : i32
      %dma_start3A_521 = tpu.memref_slice %arg5[%squeeze3A_509, %dma_start3A_520] : memref<1000000x64xf32, #tpu.memory_space<hbm>> -> memref<1x64xf32, #tpu.memory_space<hbm>>
      %dma_start3A_522 = tpu.memref_squeeze %dma_start3A_521 : memref<1x64xf32, #tpu.memory_space<hbm>> -> memref<64xf32, #tpu.memory_space<hbm>>
      tpu.enqueue_dma source(%dma_start3A_522 : memref<64xf32, #tpu.memory_space<hbm>>) target(%dma_start3A_519 : memref<64xf32, #tpu.memory_space<vmem>>) target_semaphore(%arg21 : memref<!tpu.dma_semaphore, #tpu.memory_space<semaphore_mem>>)
      %slice3A_523 = vector.extract_strided_slice %get3A_13 {offsets = [11], sizes = [1], strides = [1]} : vector<16xi32> to vector<1xi32>
      %squeeze3A_524 = vector.extract %slice3A_523[0] : i32 from vector<1xi32>
      %dma_start3A_525 = arith.constant 11 : i32
      %dma_start3A_526 = arith.constant 0 : i32
      %dma_start3A_527 = tpu.memref_slice %arg15[%dma_start3A_525, %dma_start3A_526] : memref<16x128xf32, #tpu.memory_space<vmem>> -> memref<1x64xf32, #tpu.memory_space<vmem>>
      %dma_start3A_528 = tpu.memref_squeeze %dma_start3A_527 : memref<1x64xf32, #tpu.memory_space<vmem>> -> memref<64xf32, #tpu.memory_space<vmem>>
      %dma_start3A_529 = arith.constant 0 : i32
      %dma_start3A_530 = tpu.memref_slice %arg6[%squeeze3A_524, %dma_start3A_529] : memref<1000000x64xf32, #tpu.memory_space<hbm>> -> memref<1x64xf32, #tpu.memory_space<hbm>>
      %dma_start3A_531 = tpu.memref_squeeze %dma_start3A_530 : memref<1x64xf32, #tpu.memory_space<hbm>> -> memref<64xf32, #tpu.memory_space<hbm>>
      %dma_start3A_532 = arith.constant 0 : i32
      %dma_start3A_533 = tpu.memref_slice %arg15[%dma_start3A_525, %dma_start3A_532] : memref<16x128xf32, #tpu.memory_space<vmem>> -> memref<1x64xf32, #tpu.memory_space<vmem>>
      %dma_start3A_534 = tpu.memref_squeeze %dma_start3A_533 : memref<1x64xf32, #tpu.memory_space<vmem>> -> memref<64xf32, #tpu.memory_space<vmem>>
      %dma_start3A_535 = arith.constant 0 : i32
      %dma_start3A_536 = tpu.memref_slice %arg6[%squeeze3A_524, %dma_start3A_535] : memref<1000000x64xf32, #tpu.memory_space<hbm>> -> memref<1x64xf32, #tpu.memory_space<hbm>>
      %dma_start3A_537 = tpu.memref_squeeze %dma_start3A_536 : memref<1x64xf32, #tpu.memory_space<hbm>> -> memref<64xf32, #tpu.memory_space<hbm>>
      tpu.enqueue_dma source(%dma_start3A_537 : memref<64xf32, #tpu.memory_space<hbm>>) target(%dma_start3A_534 : memref<64xf32, #tpu.memory_space<vmem>>) target_semaphore(%arg21 : memref<!tpu.dma_semaphore, #tpu.memory_space<semaphore_mem>>)
      %slice3A_538 = vector.extract_strided_slice %get3A_15 {offsets = [11], sizes = [1], strides = [1]} : vector<16xi32> to vector<1xi32>
      %squeeze3A_539 = vector.extract %slice3A_538[0] : i32 from vector<1xi32>
      %dma_start3A_540 = arith.constant 11 : i32
      %dma_start3A_541 = arith.constant 0 : i32
      %dma_start3A_542 = tpu.memref_slice %arg16[%dma_start3A_540, %dma_start3A_541] : memref<16x128xf32, #tpu.memory_space<vmem>> -> memref<1x64xf32, #tpu.memory_space<vmem>>
      %dma_start3A_543 = tpu.memref_squeeze %dma_start3A_542 : memref<1x64xf32, #tpu.memory_space<vmem>> -> memref<64xf32, #tpu.memory_space<vmem>>
      %dma_start3A_544 = arith.constant 0 : i32
      %dma_start3A_545 = tpu.memref_slice %arg6[%squeeze3A_539, %dma_start3A_544] : memref<1000000x64xf32, #tpu.memory_space<hbm>> -> memref<1x64xf32, #tpu.memory_space<hbm>>
      %dma_start3A_546 = tpu.memref_squeeze %dma_start3A_545 : memref<1x64xf32, #tpu.memory_space<hbm>> -> memref<64xf32, #tpu.memory_space<hbm>>
      %dma_start3A_547 = arith.constant 0 : i32
      %dma_start3A_548 = tpu.memref_slice %arg16[%dma_start3A_540, %dma_start3A_547] : memref<16x128xf32, #tpu.memory_space<vmem>> -> memref<1x64xf32, #tpu.memory_space<vmem>>
      %dma_start3A_549 = tpu.memref_squeeze %dma_start3A_548 : memref<1x64xf32, #tpu.memory_space<vmem>> -> memref<64xf32, #tpu.memory_space<vmem>>
      %dma_start3A_550 = arith.constant 0 : i32
      %dma_start3A_551 = tpu.memref_slice %arg6[%squeeze3A_539, %dma_start3A_550] : memref<1000000x64xf32, #tpu.memory_space<hbm>> -> memref<1x64xf32, #tpu.memory_space<hbm>>
      %dma_start3A_552 = tpu.memref_squeeze %dma_start3A_551 : memref<1x64xf32, #tpu.memory_space<hbm>> -> memref<64xf32, #tpu.memory_space<hbm>>
      tpu.enqueue_dma source(%dma_start3A_552 : memref<64xf32, #tpu.memory_space<hbm>>) target(%dma_start3A_549 : memref<64xf32, #tpu.memory_space<vmem>>) target_semaphore(%arg21 : memref<!tpu.dma_semaphore, #tpu.memory_space<semaphore_mem>>)
      %slice3A_553 = vector.extract_strided_slice %get3A_11 {offsets = [12], sizes = [1], strides = [1]} : vector<16xi32> to vector<1xi32>
      %squeeze3A_554 = vector.extract %slice3A_553[0] : i32 from vector<1xi32>
      %dma_start3A_555 = arith.constant 12 : i32
      %dma_start3A_556 = arith.constant 0 : i32
      %dma_start3A_557 = tpu.memref_slice %arg14[%dma_start3A_555, %dma_start3A_556] : memref<16x128xf32, #tpu.memory_space<vmem>> -> memref<1x64xf32, #tpu.memory_space<vmem>>
      %dma_start3A_558 = tpu.memref_squeeze %dma_start3A_557 : memref<1x64xf32, #tpu.memory_space<vmem>> -> memref<64xf32, #tpu.memory_space<vmem>>
      %dma_start3A_559 = arith.constant 0 : i32
      %dma_start3A_560 = tpu.memref_slice %arg5[%squeeze3A_554, %dma_start3A_559] : memref<1000000x64xf32, #tpu.memory_space<hbm>> -> memref<1x64xf32, #tpu.memory_space<hbm>>
      %dma_start3A_561 = tpu.memref_squeeze %dma_start3A_560 : memref<1x64xf32, #tpu.memory_space<hbm>> -> memref<64xf32, #tpu.memory_space<hbm>>
      %dma_start3A_562 = arith.constant 0 : i32
      %dma_start3A_563 = tpu.memref_slice %arg14[%dma_start3A_555, %dma_start3A_562] : memref<16x128xf32, #tpu.memory_space<vmem>> -> memref<1x64xf32, #tpu.memory_space<vmem>>
      %dma_start3A_564 = tpu.memref_squeeze %dma_start3A_563 : memref<1x64xf32, #tpu.memory_space<vmem>> -> memref<64xf32, #tpu.memory_space<vmem>>
      %dma_start3A_565 = arith.constant 0 : i32
      %dma_start3A_566 = tpu.memref_slice %arg5[%squeeze3A_554, %dma_start3A_565] : memref<1000000x64xf32, #tpu.memory_space<hbm>> -> memref<1x64xf32, #tpu.memory_space<hbm>>
      %dma_start3A_567 = tpu.memref_squeeze %dma_start3A_566 : memref<1x64xf32, #tpu.memory_space<hbm>> -> memref<64xf32, #tpu.memory_space<hbm>>
      tpu.enqueue_dma source(%dma_start3A_567 : memref<64xf32, #tpu.memory_space<hbm>>) target(%dma_start3A_564 : memref<64xf32, #tpu.memory_space<vmem>>) target_semaphore(%arg21 : memref<!tpu.dma_semaphore, #tpu.memory_space<semaphore_mem>>)
      %slice3A_568 = vector.extract_strided_slice %get3A_13 {offsets = [12], sizes = [1], strides = [1]} : vector<16xi32> to vector<1xi32>
      %squeeze3A_569 = vector.extract %slice3A_568[0] : i32 from vector<1xi32>
      %dma_start3A_570 = arith.constant 12 : i32
      %dma_start3A_571 = arith.constant 0 : i32
      %dma_start3A_572 = tpu.memref_slice %arg15[%dma_start3A_570, %dma_start3A_571] : memref<16x128xf32, #tpu.memory_space<vmem>> -> memref<1x64xf32, #tpu.memory_space<vmem>>
      %dma_start3A_573 = tpu.memref_squeeze %dma_start3A_572 : memref<1x64xf32, #tpu.memory_space<vmem>> -> memref<64xf32, #tpu.memory_space<vmem>>
      %dma_start3A_574 = arith.constant 0 : i32
      %dma_start3A_575 = tpu.memref_slice %arg6[%squeeze3A_569, %dma_start3A_574] : memref<1000000x64xf32, #tpu.memory_space<hbm>> -> memref<1x64xf32, #tpu.memory_space<hbm>>
      %dma_start3A_576 = tpu.memref_squeeze %dma_start3A_575 : memref<1x64xf32, #tpu.memory_space<hbm>> -> memref<64xf32, #tpu.memory_space<hbm>>
      %dma_start3A_577 = arith.constant 0 : i32
      %dma_start3A_578 = tpu.memref_slice %arg15[%dma_start3A_570, %dma_start3A_577] : memref<16x128xf32, #tpu.memory_space<vmem>> -> memref<1x64xf32, #tpu.memory_space<vmem>>
      %dma_start3A_579 = tpu.memref_squeeze %dma_start3A_578 : memref<1x64xf32, #tpu.memory_space<vmem>> -> memref<64xf32, #tpu.memory_space<vmem>>
      %dma_start3A_580 = arith.constant 0 : i32
      %dma_start3A_581 = tpu.memref_slice %arg6[%squeeze3A_569, %dma_start3A_580] : memref<1000000x64xf32, #tpu.memory_space<hbm>> -> memref<1x64xf32, #tpu.memory_space<hbm>>
      %dma_start3A_582 = tpu.memref_squeeze %dma_start3A_581 : memref<1x64xf32, #tpu.memory_space<hbm>> -> memref<64xf32, #tpu.memory_space<hbm>>
      tpu.enqueue_dma source(%dma_start3A_582 : memref<64xf32, #tpu.memory_space<hbm>>) target(%dma_start3A_579 : memref<64xf32, #tpu.memory_space<vmem>>) target_semaphore(%arg21 : memref<!tpu.dma_semaphore, #tpu.memory_space<semaphore_mem>>)
      %slice3A_583 = vector.extract_strided_slice %get3A_15 {offsets = [12], sizes = [1], strides = [1]} : vector<16xi32> to vector<1xi32>
      %squeeze3A_584 = vector.extract %slice3A_583[0] : i32 from vector<1xi32>
      %dma_start3A_585 = arith.constant 12 : i32
      %dma_start3A_586 = arith.constant 0 : i32
      %dma_start3A_587 = tpu.memref_slice %arg16[%dma_start3A_585, %dma_start3A_586] : memref<16x128xf32, #tpu.memory_space<vmem>> -> memref<1x64xf32, #tpu.memory_space<vmem>>
      %dma_start3A_588 = tpu.memref_squeeze %dma_start3A_587 : memref<1x64xf32, #tpu.memory_space<vmem>> -> memref<64xf32, #tpu.memory_space<vmem>>
      %dma_start3A_589 = arith.constant 0 : i32
      %dma_start3A_590 = tpu.memref_slice %arg6[%squeeze3A_584, %dma_start3A_589] : memref<1000000x64xf32, #tpu.memory_space<hbm>> -> memref<1x64xf32, #tpu.memory_space<hbm>>
      %dma_start3A_591 = tpu.memref_squeeze %dma_start3A_590 : memref<1x64xf32, #tpu.memory_space<hbm>> -> memref<64xf32, #tpu.memory_space<hbm>>
      %dma_start3A_592 = arith.constant 0 : i32
      %dma_start3A_593 = tpu.memref_slice %arg16[%dma_start3A_585, %dma_start3A_592] : memref<16x128xf32, #tpu.memory_space<vmem>> -> memref<1x64xf32, #tpu.memory_space<vmem>>
      %dma_start3A_594 = tpu.memref_squeeze %dma_start3A_593 : memref<1x64xf32, #tpu.memory_space<vmem>> -> memref<64xf32, #tpu.memory_space<vmem>>
      %dma_start3A_595 = arith.constant 0 : i32
      %dma_start3A_596 = tpu.memref_slice %arg6[%squeeze3A_584, %dma_start3A_595] : memref<1000000x64xf32, #tpu.memory_space<hbm>> -> memref<1x64xf32, #tpu.memory_space<hbm>>
      %dma_start3A_597 = tpu.memref_squeeze %dma_start3A_596 : memref<1x64xf32, #tpu.memory_space<hbm>> -> memref<64xf32, #tpu.memory_space<hbm>>
      tpu.enqueue_dma source(%dma_start3A_597 : memref<64xf32, #tpu.memory_space<hbm>>) target(%dma_start3A_594 : memref<64xf32, #tpu.memory_space<vmem>>) target_semaphore(%arg21 : memref<!tpu.dma_semaphore, #tpu.memory_space<semaphore_mem>>)
      %slice3A_598 = vector.extract_strided_slice %get3A_11 {offsets = [13], sizes = [1], strides = [1]} : vector<16xi32> to vector<1xi32>
      %squeeze3A_599 = vector.extract %slice3A_598[0] : i32 from vector<1xi32>
      %dma_start3A_600 = arith.constant 13 : i32
      %dma_start3A_601 = arith.constant 0 : i32
      %dma_start3A_602 = tpu.memref_slice %arg14[%dma_start3A_600, %dma_start3A_601] : memref<16x128xf32, #tpu.memory_space<vmem>> -> memref<1x64xf32, #tpu.memory_space<vmem>>
      %dma_start3A_603 = tpu.memref_squeeze %dma_start3A_602 : memref<1x64xf32, #tpu.memory_space<vmem>> -> memref<64xf32, #tpu.memory_space<vmem>>
      %dma_start3A_604 = arith.constant 0 : i32
      %dma_start3A_605 = tpu.memref_slice %arg5[%squeeze3A_599, %dma_start3A_604] : memref<1000000x64xf32, #tpu.memory_space<hbm>> -> memref<1x64xf32, #tpu.memory_space<hbm>>
      %dma_start3A_606 = tpu.memref_squeeze %dma_start3A_605 : memref<1x64xf32, #tpu.memory_space<hbm>> -> memref<64xf32, #tpu.memory_space<hbm>>
      %dma_start3A_607 = arith.constant 0 : i32
      %dma_start3A_608 = tpu.memref_slice %arg14[%dma_start3A_600, %dma_start3A_607] : memref<16x128xf32, #tpu.memory_space<vmem>> -> memref<1x64xf32, #tpu.memory_space<vmem>>
      %dma_start3A_609 = tpu.memref_squeeze %dma_start3A_608 : memref<1x64xf32, #tpu.memory_space<vmem>> -> memref<64xf32, #tpu.memory_space<vmem>>
      %dma_start3A_610 = arith.constant 0 : i32
      %dma_start3A_611 = tpu.memref_slice %arg5[%squeeze3A_599, %dma_start3A_610] : memref<1000000x64xf32, #tpu.memory_space<hbm>> -> memref<1x64xf32, #tpu.memory_space<hbm>>
      %dma_start3A_612 = tpu.memref_squeeze %dma_start3A_611 : memref<1x64xf32, #tpu.memory_space<hbm>> -> memref<64xf32, #tpu.memory_space<hbm>>
      tpu.enqueue_dma source(%dma_start3A_612 : memref<64xf32, #tpu.memory_space<hbm>>) target(%dma_start3A_609 : memref<64xf32, #tpu.memory_space<vmem>>) target_semaphore(%arg21 : memref<!tpu.dma_semaphore, #tpu.memory_space<semaphore_mem>>)
      %slice3A_613 = vector.extract_strided_slice %get3A_13 {offsets = [13], sizes = [1], strides = [1]} : vector<16xi32> to vector<1xi32>
      %squeeze3A_614 = vector.extract %slice3A_613[0] : i32 from vector<1xi32>
      %dma_start3A_615 = arith.constant 13 : i32
      %dma_start3A_616 = arith.constant 0 : i32
      %dma_start3A_617 = tpu.memref_slice %arg15[%dma_start3A_615, %dma_start3A_616] : memref<16x128xf32, #tpu.memory_space<vmem>> -> memref<1x64xf32, #tpu.memory_space<vmem>>
      %dma_start3A_618 = tpu.memref_squeeze %dma_start3A_617 : memref<1x64xf32, #tpu.memory_space<vmem>> -> memref<64xf32, #tpu.memory_space<vmem>>
      %dma_start3A_619 = arith.constant 0 : i32
      %dma_start3A_620 = tpu.memref_slice %arg6[%squeeze3A_614, %dma_start3A_619] : memref<1000000x64xf32, #tpu.memory_space<hbm>> -> memref<1x64xf32, #tpu.memory_space<hbm>>
      %dma_start3A_621 = tpu.memref_squeeze %dma_start3A_620 : memref<1x64xf32, #tpu.memory_space<hbm>> -> memref<64xf32, #tpu.memory_space<hbm>>
      %dma_start3A_622 = arith.constant 0 : i32
      %dma_start3A_623 = tpu.memref_slice %arg15[%dma_start3A_615, %dma_start3A_622] : memref<16x128xf32, #tpu.memory_space<vmem>> -> memref<1x64xf32, #tpu.memory_space<vmem>>
      %dma_start3A_624 = tpu.memref_squeeze %dma_start3A_623 : memref<1x64xf32, #tpu.memory_space<vmem>> -> memref<64xf32, #tpu.memory_space<vmem>>
      %dma_start3A_625 = arith.constant 0 : i32
      %dma_start3A_626 = tpu.memref_slice %arg6[%squeeze3A_614, %dma_start3A_625] : memref<1000000x64xf32, #tpu.memory_space<hbm>> -> memref<1x64xf32, #tpu.memory_space<hbm>>
      %dma_start3A_627 = tpu.memref_squeeze %dma_start3A_626 : memref<1x64xf32, #tpu.memory_space<hbm>> -> memref<64xf32, #tpu.memory_space<hbm>>
      tpu.enqueue_dma source(%dma_start3A_627 : memref<64xf32, #tpu.memory_space<hbm>>) target(%dma_start3A_624 : memref<64xf32, #tpu.memory_space<vmem>>) target_semaphore(%arg21 : memref<!tpu.dma_semaphore, #tpu.memory_space<semaphore_mem>>)
      %slice3A_628 = vector.extract_strided_slice %get3A_15 {offsets = [13], sizes = [1], strides = [1]} : vector<16xi32> to vector<1xi32>
      %squeeze3A_629 = vector.extract %slice3A_628[0] : i32 from vector<1xi32>
      %dma_start3A_630 = arith.constant 13 : i32
      %dma_start3A_631 = arith.constant 0 : i32
      %dma_start3A_632 = tpu.memref_slice %arg16[%dma_start3A_630, %dma_start3A_631] : memref<16x128xf32, #tpu.memory_space<vmem>> -> memref<1x64xf32, #tpu.memory_space<vmem>>
      %dma_start3A_633 = tpu.memref_squeeze %dma_start3A_632 : memref<1x64xf32, #tpu.memory_space<vmem>> -> memref<64xf32, #tpu.memory_space<vmem>>
      %dma_start3A_634 = arith.constant 0 : i32
      %dma_start3A_635 = tpu.memref_slice %arg6[%squeeze3A_629, %dma_start3A_634] : memref<1000000x64xf32, #tpu.memory_space<hbm>> -> memref<1x64xf32, #tpu.memory_space<hbm>>
      %dma_start3A_636 = tpu.memref_squeeze %dma_start3A_635 : memref<1x64xf32, #tpu.memory_space<hbm>> -> memref<64xf32, #tpu.memory_space<hbm>>
      %dma_start3A_637 = arith.constant 0 : i32
      %dma_start3A_638 = tpu.memref_slice %arg16[%dma_start3A_630, %dma_start3A_637] : memref<16x128xf32, #tpu.memory_space<vmem>> -> memref<1x64xf32, #tpu.memory_space<vmem>>
      %dma_start3A_639 = tpu.memref_squeeze %dma_start3A_638 : memref<1x64xf32, #tpu.memory_space<vmem>> -> memref<64xf32, #tpu.memory_space<vmem>>
      %dma_start3A_640 = arith.constant 0 : i32
      %dma_start3A_641 = tpu.memref_slice %arg6[%squeeze3A_629, %dma_start3A_640] : memref<1000000x64xf32, #tpu.memory_space<hbm>> -> memref<1x64xf32, #tpu.memory_space<hbm>>
      %dma_start3A_642 = tpu.memref_squeeze %dma_start3A_641 : memref<1x64xf32, #tpu.memory_space<hbm>> -> memref<64xf32, #tpu.memory_space<hbm>>
      tpu.enqueue_dma source(%dma_start3A_642 : memref<64xf32, #tpu.memory_space<hbm>>) target(%dma_start3A_639 : memref<64xf32, #tpu.memory_space<vmem>>) target_semaphore(%arg21 : memref<!tpu.dma_semaphore, #tpu.memory_space<semaphore_mem>>)
      %slice3A_643 = vector.extract_strided_slice %get3A_11 {offsets = [14], sizes = [1], strides = [1]} : vector<16xi32> to vector<1xi32>
      %squeeze3A_644 = vector.extract %slice3A_643[0] : i32 from vector<1xi32>
      %dma_start3A_645 = arith.constant 14 : i32
      %dma_start3A_646 = arith.constant 0 : i32
      %dma_start3A_647 = tpu.memref_slice %arg14[%dma_start3A_645, %dma_start3A_646] : memref<16x128xf32, #tpu.memory_space<vmem>> -> memref<1x64xf32, #tpu.memory_space<vmem>>
      %dma_start3A_648 = tpu.memref_squeeze %dma_start3A_647 : memref<1x64xf32, #tpu.memory_space<vmem>> -> memref<64xf32, #tpu.memory_space<vmem>>
      %dma_start3A_649 = arith.constant 0 : i32
      %dma_start3A_650 = tpu.memref_slice %arg5[%squeeze3A_644, %dma_start3A_649] : memref<1000000x64xf32, #tpu.memory_space<hbm>> -> memref<1x64xf32, #tpu.memory_space<hbm>>
      %dma_start3A_651 = tpu.memref_squeeze %dma_start3A_650 : memref<1x64xf32, #tpu.memory_space<hbm>> -> memref<64xf32, #tpu.memory_space<hbm>>
      %dma_start3A_652 = arith.constant 0 : i32
      %dma_start3A_653 = tpu.memref_slice %arg14[%dma_start3A_645, %dma_start3A_652] : memref<16x128xf32, #tpu.memory_space<vmem>> -> memref<1x64xf32, #tpu.memory_space<vmem>>
      %dma_start3A_654 = tpu.memref_squeeze %dma_start3A_653 : memref<1x64xf32, #tpu.memory_space<vmem>> -> memref<64xf32, #tpu.memory_space<vmem>>
      %dma_start3A_655 = arith.constant 0 : i32
      %dma_start3A_656 = tpu.memref_slice %arg5[%squeeze3A_644, %dma_start3A_655] : memref<1000000x64xf32, #tpu.memory_space<hbm>> -> memref<1x64xf32, #tpu.memory_space<hbm>>
      %dma_start3A_657 = tpu.memref_squeeze %dma_start3A_656 : memref<1x64xf32, #tpu.memory_space<hbm>> -> memref<64xf32, #tpu.memory_space<hbm>>
      tpu.enqueue_dma source(%dma_start3A_657 : memref<64xf32, #tpu.memory_space<hbm>>) target(%dma_start3A_654 : memref<64xf32, #tpu.memory_space<vmem>>) target_semaphore(%arg21 : memref<!tpu.dma_semaphore, #tpu.memory_space<semaphore_mem>>)
      %slice3A_658 = vector.extract_strided_slice %get3A_13 {offsets = [14], sizes = [1], strides = [1]} : vector<16xi32> to vector<1xi32>
      %squeeze3A_659 = vector.extract %slice3A_658[0] : i32 from vector<1xi32>
      %dma_start3A_660 = arith.constant 14 : i32
      %dma_start3A_661 = arith.constant 0 : i32
      %dma_start3A_662 = tpu.memref_slice %arg15[%dma_start3A_660, %dma_start3A_661] : memref<16x128xf32, #tpu.memory_space<vmem>> -> memref<1x64xf32, #tpu.memory_space<vmem>>
      %dma_start3A_663 = tpu.memref_squeeze %dma_start3A_662 : memref<1x64xf32, #tpu.memory_space<vmem>> -> memref<64xf32, #tpu.memory_space<vmem>>
      %dma_start3A_664 = arith.constant 0 : i32
      %dma_start3A_665 = tpu.memref_slice %arg6[%squeeze3A_659, %dma_start3A_664] : memref<1000000x64xf32, #tpu.memory_space<hbm>> -> memref<1x64xf32, #tpu.memory_space<hbm>>
      %dma_start3A_666 = tpu.memref_squeeze %dma_start3A_665 : memref<1x64xf32, #tpu.memory_space<hbm>> -> memref<64xf32, #tpu.memory_space<hbm>>
      %dma_start3A_667 = arith.constant 0 : i32
      %dma_start3A_668 = tpu.memref_slice %arg15[%dma_start3A_660, %dma_start3A_667] : memref<16x128xf32, #tpu.memory_space<vmem>> -> memref<1x64xf32, #tpu.memory_space<vmem>>
      %dma_start3A_669 = tpu.memref_squeeze %dma_start3A_668 : memref<1x64xf32, #tpu.memory_space<vmem>> -> memref<64xf32, #tpu.memory_space<vmem>>
      %dma_start3A_670 = arith.constant 0 : i32
      %dma_start3A_671 = tpu.memref_slice %arg6[%squeeze3A_659, %dma_start3A_670] : memref<1000000x64xf32, #tpu.memory_space<hbm>> -> memref<1x64xf32, #tpu.memory_space<hbm>>
      %dma_start3A_672 = tpu.memref_squeeze %dma_start3A_671 : memref<1x64xf32, #tpu.memory_space<hbm>> -> memref<64xf32, #tpu.memory_space<hbm>>
      tpu.enqueue_dma source(%dma_start3A_672 : memref<64xf32, #tpu.memory_space<hbm>>) target(%dma_start3A_669 : memref<64xf32, #tpu.memory_space<vmem>>) target_semaphore(%arg21 : memref<!tpu.dma_semaphore, #tpu.memory_space<semaphore_mem>>)
      %slice3A_673 = vector.extract_strided_slice %get3A_15 {offsets = [14], sizes = [1], strides = [1]} : vector<16xi32> to vector<1xi32>
      %squeeze3A_674 = vector.extract %slice3A_673[0] : i32 from vector<1xi32>
      %dma_start3A_675 = arith.constant 14 : i32
      %dma_start3A_676 = arith.constant 0 : i32
      %dma_start3A_677 = tpu.memref_slice %arg16[%dma_start3A_675, %dma_start3A_676] : memref<16x128xf32, #tpu.memory_space<vmem>> -> memref<1x64xf32, #tpu.memory_space<vmem>>
      %dma_start3A_678 = tpu.memref_squeeze %dma_start3A_677 : memref<1x64xf32, #tpu.memory_space<vmem>> -> memref<64xf32, #tpu.memory_space<vmem>>
      %dma_start3A_679 = arith.constant 0 : i32
      %dma_start3A_680 = tpu.memref_slice %arg6[%squeeze3A_674, %dma_start3A_679] : memref<1000000x64xf32, #tpu.memory_space<hbm>> -> memref<1x64xf32, #tpu.memory_space<hbm>>
      %dma_start3A_681 = tpu.memref_squeeze %dma_start3A_680 : memref<1x64xf32, #tpu.memory_space<hbm>> -> memref<64xf32, #tpu.memory_space<hbm>>
      %dma_start3A_682 = arith.constant 0 : i32
      %dma_start3A_683 = tpu.memref_slice %arg16[%dma_start3A_675, %dma_start3A_682] : memref<16x128xf32, #tpu.memory_space<vmem>> -> memref<1x64xf32, #tpu.memory_space<vmem>>
      %dma_start3A_684 = tpu.memref_squeeze %dma_start3A_683 : memref<1x64xf32, #tpu.memory_space<vmem>> -> memref<64xf32, #tpu.memory_space<vmem>>
      %dma_start3A_685 = arith.constant 0 : i32
      %dma_start3A_686 = tpu.memref_slice %arg6[%squeeze3A_674, %dma_start3A_685] : memref<1000000x64xf32, #tpu.memory_space<hbm>> -> memref<1x64xf32, #tpu.memory_space<hbm>>
      %dma_start3A_687 = tpu.memref_squeeze %dma_start3A_686 : memref<1x64xf32, #tpu.memory_space<hbm>> -> memref<64xf32, #tpu.memory_space<hbm>>
      tpu.enqueue_dma source(%dma_start3A_687 : memref<64xf32, #tpu.memory_space<hbm>>) target(%dma_start3A_684 : memref<64xf32, #tpu.memory_space<vmem>>) target_semaphore(%arg21 : memref<!tpu.dma_semaphore, #tpu.memory_space<semaphore_mem>>)
      %slice3A_688 = vector.extract_strided_slice %get3A_11 {offsets = [15], sizes = [1], strides = [1]} : vector<16xi32> to vector<1xi32>
      %squeeze3A_689 = vector.extract %slice3A_688[0] : i32 from vector<1xi32>
      %dma_start3A_690 = arith.constant 15 : i32
      %dma_start3A_691 = arith.constant 0 : i32
      %dma_start3A_692 = tpu.memref_slice %arg14[%dma_start3A_690, %dma_start3A_691] : memref<16x128xf32, #tpu.memory_space<vmem>> -> memref<1x64xf32, #tpu.memory_space<vmem>>
      %dma_start3A_693 = tpu.memref_squeeze %dma_start3A_692 : memref<1x64xf32, #tpu.memory_space<vmem>> -> memref<64xf32, #tpu.memory_space<vmem>>
      %dma_start3A_694 = arith.constant 0 : i32
      %dma_start3A_695 = tpu.memref_slice %arg5[%squeeze3A_689, %dma_start3A_694] : memref<1000000x64xf32, #tpu.memory_space<hbm>> -> memref<1x64xf32, #tpu.memory_space<hbm>>
      %dma_start3A_696 = tpu.memref_squeeze %dma_start3A_695 : memref<1x64xf32, #tpu.memory_space<hbm>> -> memref<64xf32, #tpu.memory_space<hbm>>
      %dma_start3A_697 = arith.constant 0 : i32
      %dma_start3A_698 = tpu.memref_slice %arg14[%dma_start3A_690, %dma_start3A_697] : memref<16x128xf32, #tpu.memory_space<vmem>> -> memref<1x64xf32, #tpu.memory_space<vmem>>
      %dma_start3A_699 = tpu.memref_squeeze %dma_start3A_698 : memref<1x64xf32, #tpu.memory_space<vmem>> -> memref<64xf32, #tpu.memory_space<vmem>>
      %dma_start3A_700 = arith.constant 0 : i32
      %dma_start3A_701 = tpu.memref_slice %arg5[%squeeze3A_689, %dma_start3A_700] : memref<1000000x64xf32, #tpu.memory_space<hbm>> -> memref<1x64xf32, #tpu.memory_space<hbm>>
      %dma_start3A_702 = tpu.memref_squeeze %dma_start3A_701 : memref<1x64xf32, #tpu.memory_space<hbm>> -> memref<64xf32, #tpu.memory_space<hbm>>
      tpu.enqueue_dma source(%dma_start3A_702 : memref<64xf32, #tpu.memory_space<hbm>>) target(%dma_start3A_699 : memref<64xf32, #tpu.memory_space<vmem>>) target_semaphore(%arg21 : memref<!tpu.dma_semaphore, #tpu.memory_space<semaphore_mem>>)
      %slice3A_703 = vector.extract_strided_slice %get3A_13 {offsets = [15], sizes = [1], strides = [1]} : vector<16xi32> to vector<1xi32>
      %squeeze3A_704 = vector.extract %slice3A_703[0] : i32 from vector<1xi32>
      %dma_start3A_705 = arith.constant 15 : i32
      %dma_start3A_706 = arith.constant 0 : i32
      %dma_start3A_707 = tpu.memref_slice %arg15[%dma_start3A_705, %dma_start3A_706] : memref<16x128xf32, #tpu.memory_space<vmem>> -> memref<1x64xf32, #tpu.memory_space<vmem>>
      %dma_start3A_708 = tpu.memref_squeeze %dma_start3A_707 : memref<1x64xf32, #tpu.memory_space<vmem>> -> memref<64xf32, #tpu.memory_space<vmem>>
      %dma_start3A_709 = arith.constant 0 : i32
      %dma_start3A_710 = tpu.memref_slice %arg6[%squeeze3A_704, %dma_start3A_709] : memref<1000000x64xf32, #tpu.memory_space<hbm>> -> memref<1x64xf32, #tpu.memory_space<hbm>>
      %dma_start3A_711 = tpu.memref_squeeze %dma_start3A_710 : memref<1x64xf32, #tpu.memory_space<hbm>> -> memref<64xf32, #tpu.memory_space<hbm>>
      %dma_start3A_712 = arith.constant 0 : i32
      %dma_start3A_713 = tpu.memref_slice %arg15[%dma_start3A_705, %dma_start3A_712] : memref<16x128xf32, #tpu.memory_space<vmem>> -> memref<1x64xf32, #tpu.memory_space<vmem>>
      %dma_start3A_714 = tpu.memref_squeeze %dma_start3A_713 : memref<1x64xf32, #tpu.memory_space<vmem>> -> memref<64xf32, #tpu.memory_space<vmem>>
      %dma_start3A_715 = arith.constant 0 : i32
      %dma_start3A_716 = tpu.memref_slice %arg6[%squeeze3A_704, %dma_start3A_715] : memref<1000000x64xf32, #tpu.memory_space<hbm>> -> memref<1x64xf32, #tpu.memory_space<hbm>>
      %dma_start3A_717 = tpu.memref_squeeze %dma_start3A_716 : memref<1x64xf32, #tpu.memory_space<hbm>> -> memref<64xf32, #tpu.memory_space<hbm>>
      tpu.enqueue_dma source(%dma_start3A_717 : memref<64xf32, #tpu.memory_space<hbm>>) target(%dma_start3A_714 : memref<64xf32, #tpu.memory_space<vmem>>) target_semaphore(%arg21 : memref<!tpu.dma_semaphore, #tpu.memory_space<semaphore_mem>>)
      %slice3A_718 = vector.extract_strided_slice %get3A_15 {offsets = [15], sizes = [1], strides = [1]} : vector<16xi32> to vector<1xi32>
      %squeeze3A_719 = vector.extract %slice3A_718[0] : i32 from vector<1xi32>
      %dma_start3A_720 = arith.constant 15 : i32
      %dma_start3A_721 = arith.constant 0 : i32
      %dma_start3A_722 = tpu.memref_slice %arg16[%dma_start3A_720, %dma_start3A_721] : memref<16x128xf32, #tpu.memory_space<vmem>> -> memref<1x64xf32, #tpu.memory_space<vmem>>
      %dma_start3A_723 = tpu.memref_squeeze %dma_start3A_722 : memref<1x64xf32, #tpu.memory_space<vmem>> -> memref<64xf32, #tpu.memory_space<vmem>>
      %dma_start3A_724 = arith.constant 0 : i32
      %dma_start3A_725 = tpu.memref_slice %arg6[%squeeze3A_719, %dma_start3A_724] : memref<1000000x64xf32, #tpu.memory_space<hbm>> -> memref<1x64xf32, #tpu.memory_space<hbm>>
      %dma_start3A_726 = tpu.memref_squeeze %dma_start3A_725 : memref<1x64xf32, #tpu.memory_space<hbm>> -> memref<64xf32, #tpu.memory_space<hbm>>
      %dma_start3A_727 = arith.constant 0 : i32
      %dma_start3A_728 = tpu.memref_slice %arg16[%dma_start3A_720, %dma_start3A_727] : memref<16x128xf32, #tpu.memory_space<vmem>> -> memref<1x64xf32, #tpu.memory_space<vmem>>
      %dma_start3A_729 = tpu.memref_squeeze %dma_start3A_728 : memref<1x64xf32, #tpu.memory_space<vmem>> -> memref<64xf32, #tpu.memory_space<vmem>>
      %dma_start3A_730 = arith.constant 0 : i32
      %dma_start3A_731 = tpu.memref_slice %arg6[%squeeze3A_719, %dma_start3A_730] : memref<1000000x64xf32, #tpu.memory_space<hbm>> -> memref<1x64xf32, #tpu.memory_space<hbm>>
      %dma_start3A_732 = tpu.memref_squeeze %dma_start3A_731 : memref<1x64xf32, #tpu.memory_space<hbm>> -> memref<64xf32, #tpu.memory_space<hbm>>
      tpu.enqueue_dma source(%dma_start3A_732 : memref<64xf32, #tpu.memory_space<hbm>>) target(%dma_start3A_729 : memref<64xf32, #tpu.memory_space<vmem>>) target_semaphore(%arg21 : memref<!tpu.dma_semaphore, #tpu.memory_space<semaphore_mem>>)
      %dma_wait3A = arith.constant 0 : i32
      %dma_wait3A_733 = arith.constant 0 : i32
      %dma_wait3A_734 = tpu.memref_slice %arg14[%dma_wait3A, %dma_wait3A_733] : memref<16x128xf32, #tpu.memory_space<vmem>> -> memref<1x64xf32, #tpu.memory_space<vmem>>
      %dma_wait3A_735 = tpu.memref_squeeze %dma_wait3A_734 : memref<1x64xf32, #tpu.memory_space<vmem>> -> memref<64xf32, #tpu.memory_space<vmem>>
      %dma_wait3A_736 = arith.constant 0 : i32
      %dma_wait3A_737 = tpu.memref_slice %arg5[%squeeze3A, %dma_wait3A_736] : memref<1000000x64xf32, #tpu.memory_space<hbm>> -> memref<1x64xf32, #tpu.memory_space<hbm>>
      %dma_wait3A_738 = tpu.memref_squeeze %dma_wait3A_737 : memref<1x64xf32, #tpu.memory_space<hbm>> -> memref<64xf32, #tpu.memory_space<hbm>>
      %dma_wait3A_739 = arith.constant 0 : i32
      %dma_wait3A_740 = tpu.memref_slice %arg14[%dma_wait3A, %dma_wait3A_739] : memref<16x128xf32, #tpu.memory_space<vmem>> -> memref<1x64xf32, #tpu.memory_space<vmem>>
      %dma_wait3A_741 = tpu.memref_squeeze %dma_wait3A_740 : memref<1x64xf32, #tpu.memory_space<vmem>> -> memref<64xf32, #tpu.memory_space<vmem>>
      %dma_wait3A_742 = arith.constant 0 : i32
      %dma_wait3A_743 = tpu.memref_slice %arg5[%squeeze3A, %dma_wait3A_742] : memref<1000000x64xf32, #tpu.memory_space<hbm>> -> memref<1x64xf32, #tpu.memory_space<hbm>>
      %dma_wait3A_744 = tpu.memref_squeeze %dma_wait3A_743 : memref<1x64xf32, #tpu.memory_space<hbm>> -> memref<64xf32, #tpu.memory_space<hbm>>
      tpu.wait_dma2 semaphore(%arg21 : memref<!tpu.dma_semaphore, #tpu.memory_space<semaphore_mem>>) src(%dma_wait3A_744 : memref<64xf32, #tpu.memory_space<hbm>>) dst(%dma_wait3A_741 : memref<64xf32, #tpu.memory_space<vmem>>)
      %dma_wait3A_745 = arith.constant 0 : i32
      %dma_wait3A_746 = arith.constant 0 : i32
      %dma_wait3A_747 = tpu.memref_slice %arg15[%dma_wait3A_745, %dma_wait3A_746] : memref<16x128xf32, #tpu.memory_space<vmem>> -> memref<1x64xf32, #tpu.memory_space<vmem>>
      %dma_wait3A_748 = tpu.memref_squeeze %dma_wait3A_747 : memref<1x64xf32, #tpu.memory_space<vmem>> -> memref<64xf32, #tpu.memory_space<vmem>>
      %dma_wait3A_749 = arith.constant 0 : i32
      %dma_wait3A_750 = tpu.memref_slice %arg6[%squeeze3A_29, %dma_wait3A_749] : memref<1000000x64xf32, #tpu.memory_space<hbm>> -> memref<1x64xf32, #tpu.memory_space<hbm>>
      %dma_wait3A_751 = tpu.memref_squeeze %dma_wait3A_750 : memref<1x64xf32, #tpu.memory_space<hbm>> -> memref<64xf32, #tpu.memory_space<hbm>>
      %dma_wait3A_752 = arith.constant 0 : i32
      %dma_wait3A_753 = tpu.memref_slice %arg15[%dma_wait3A_745, %dma_wait3A_752] : memref<16x128xf32, #tpu.memory_space<vmem>> -> memref<1x64xf32, #tpu.memory_space<vmem>>
      %dma_wait3A_754 = tpu.memref_squeeze %dma_wait3A_753 : memref<1x64xf32, #tpu.memory_space<vmem>> -> memref<64xf32, #tpu.memory_space<vmem>>
      %dma_wait3A_755 = arith.constant 0 : i32
      %dma_wait3A_756 = tpu.memref_slice %arg6[%squeeze3A_29, %dma_wait3A_755] : memref<1000000x64xf32, #tpu.memory_space<hbm>> -> memref<1x64xf32, #tpu.memory_space<hbm>>
      %dma_wait3A_757 = tpu.memref_squeeze %dma_wait3A_756 : memref<1x64xf32, #tpu.memory_space<hbm>> -> memref<64xf32, #tpu.memory_space<hbm>>
      tpu.wait_dma2 semaphore(%arg21 : memref<!tpu.dma_semaphore, #tpu.memory_space<semaphore_mem>>) src(%dma_wait3A_757 : memref<64xf32, #tpu.memory_space<hbm>>) dst(%dma_wait3A_754 : memref<64xf32, #tpu.memory_space<vmem>>)
      %dma_wait3A_758 = arith.constant 0 : i32
      %dma_wait3A_759 = arith.constant 0 : i32
      %dma_wait3A_760 = tpu.memref_slice %arg16[%dma_wait3A_758, %dma_wait3A_759] : memref<16x128xf32, #tpu.memory_space<vmem>> -> memref<1x64xf32, #tpu.memory_space<vmem>>
      %dma_wait3A_761 = tpu.memref_squeeze %dma_wait3A_760 : memref<1x64xf32, #tpu.memory_space<vmem>> -> memref<64xf32, #tpu.memory_space<vmem>>
      %dma_wait3A_762 = arith.constant 0 : i32
      %dma_wait3A_763 = tpu.memref_slice %arg6[%squeeze3A_44, %dma_wait3A_762] : memref<1000000x64xf32, #tpu.memory_space<hbm>> -> memref<1x64xf32, #tpu.memory_space<hbm>>
      %dma_wait3A_764 = tpu.memref_squeeze %dma_wait3A_763 : memref<1x64xf32, #tpu.memory_space<hbm>> -> memref<64xf32, #tpu.memory_space<hbm>>
      %dma_wait3A_765 = arith.constant 0 : i32
      %dma_wait3A_766 = tpu.memref_slice %arg16[%dma_wait3A_758, %dma_wait3A_765] : memref<16x128xf32, #tpu.memory_space<vmem>> -> memref<1x64xf32, #tpu.memory_space<vmem>>
      %dma_wait3A_767 = tpu.memref_squeeze %dma_wait3A_766 : memref<1x64xf32, #tpu.memory_space<vmem>> -> memref<64xf32, #tpu.memory_space<vmem>>
      %dma_wait3A_768 = arith.constant 0 : i32
      %dma_wait3A_769 = tpu.memref_slice %arg6[%squeeze3A_44, %dma_wait3A_768] : memref<1000000x64xf32, #tpu.memory_space<hbm>> -> memref<1x64xf32, #tpu.memory_space<hbm>>
      %dma_wait3A_770 = tpu.memref_squeeze %dma_wait3A_769 : memref<1x64xf32, #tpu.memory_space<hbm>> -> memref<64xf32, #tpu.memory_space<hbm>>
      tpu.wait_dma2 semaphore(%arg21 : memref<!tpu.dma_semaphore, #tpu.memory_space<semaphore_mem>>) src(%dma_wait3A_770 : memref<64xf32, #tpu.memory_space<hbm>>) dst(%dma_wait3A_767 : memref<64xf32, #tpu.memory_space<vmem>>)
      %dma_wait3A_771 = arith.constant 1 : i32
      %dma_wait3A_772 = arith.constant 0 : i32
      %dma_wait3A_773 = tpu.memref_slice %arg14[%dma_wait3A_771, %dma_wait3A_772] : memref<16x128xf32, #tpu.memory_space<vmem>> -> memref<1x64xf32, #tpu.memory_space<vmem>>
      %dma_wait3A_774 = tpu.memref_squeeze %dma_wait3A_773 : memref<1x64xf32, #tpu.memory_space<vmem>> -> memref<64xf32, #tpu.memory_space<vmem>>
      %dma_wait3A_775 = arith.constant 0 : i32
      %dma_wait3A_776 = tpu.memref_slice %arg5[%squeeze3A_59, %dma_wait3A_775] : memref<1000000x64xf32, #tpu.memory_space<hbm>> -> memref<1x64xf32, #tpu.memory_space<hbm>>
      %dma_wait3A_777 = tpu.memref_squeeze %dma_wait3A_776 : memref<1x64xf32, #tpu.memory_space<hbm>> -> memref<64xf32, #tpu.memory_space<hbm>>
      %dma_wait3A_778 = arith.constant 0 : i32
      %dma_wait3A_779 = tpu.memref_slice %arg14[%dma_wait3A_771, %dma_wait3A_778] : memref<16x128xf32, #tpu.memory_space<vmem>> -> memref<1x64xf32, #tpu.memory_space<vmem>>
      %dma_wait3A_780 = tpu.memref_squeeze %dma_wait3A_779 : memref<1x64xf32, #tpu.memory_space<vmem>> -> memref<64xf32, #tpu.memory_space<vmem>>
      %dma_wait3A_781 = arith.constant 0 : i32
      %dma_wait3A_782 = tpu.memref_slice %arg5[%squeeze3A_59, %dma_wait3A_781] : memref<1000000x64xf32, #tpu.memory_space<hbm>> -> memref<1x64xf32, #tpu.memory_space<hbm>>
      %dma_wait3A_783 = tpu.memref_squeeze %dma_wait3A_782 : memref<1x64xf32, #tpu.memory_space<hbm>> -> memref<64xf32, #tpu.memory_space<hbm>>
      tpu.wait_dma2 semaphore(%arg21 : memref<!tpu.dma_semaphore, #tpu.memory_space<semaphore_mem>>) src(%dma_wait3A_783 : memref<64xf32, #tpu.memory_space<hbm>>) dst(%dma_wait3A_780 : memref<64xf32, #tpu.memory_space<vmem>>)
      %dma_wait3A_784 = arith.constant 1 : i32
      %dma_wait3A_785 = arith.constant 0 : i32
      %dma_wait3A_786 = tpu.memref_slice %arg15[%dma_wait3A_784, %dma_wait3A_785] : memref<16x128xf32, #tpu.memory_space<vmem>> -> memref<1x64xf32, #tpu.memory_space<vmem>>
      %dma_wait3A_787 = tpu.memref_squeeze %dma_wait3A_786 : memref<1x64xf32, #tpu.memory_space<vmem>> -> memref<64xf32, #tpu.memory_space<vmem>>
      %dma_wait3A_788 = arith.constant 0 : i32
      %dma_wait3A_789 = tpu.memref_slice %arg6[%squeeze3A_74, %dma_wait3A_788] : memref<1000000x64xf32, #tpu.memory_space<hbm>> -> memref<1x64xf32, #tpu.memory_space<hbm>>
      %dma_wait3A_790 = tpu.memref_squeeze %dma_wait3A_789 : memref<1x64xf32, #tpu.memory_space<hbm>> -> memref<64xf32, #tpu.memory_space<hbm>>
      %dma_wait3A_791 = arith.constant 0 : i32
      %dma_wait3A_792 = tpu.memref_slice %arg15[%dma_wait3A_784, %dma_wait3A_791] : memref<16x128xf32, #tpu.memory_space<vmem>> -> memref<1x64xf32, #tpu.memory_space<vmem>>
      %dma_wait3A_793 = tpu.memref_squeeze %dma_wait3A_792 : memref<1x64xf32, #tpu.memory_space<vmem>> -> memref<64xf32, #tpu.memory_space<vmem>>
      %dma_wait3A_794 = arith.constant 0 : i32
      %dma_wait3A_795 = tpu.memref_slice %arg6[%squeeze3A_74, %dma_wait3A_794] : memref<1000000x64xf32, #tpu.memory_space<hbm>> -> memref<1x64xf32, #tpu.memory_space<hbm>>
      %dma_wait3A_796 = tpu.memref_squeeze %dma_wait3A_795 : memref<1x64xf32, #tpu.memory_space<hbm>> -> memref<64xf32, #tpu.memory_space<hbm>>
      tpu.wait_dma2 semaphore(%arg21 : memref<!tpu.dma_semaphore, #tpu.memory_space<semaphore_mem>>) src(%dma_wait3A_796 : memref<64xf32, #tpu.memory_space<hbm>>) dst(%dma_wait3A_793 : memref<64xf32, #tpu.memory_space<vmem>>)
      %dma_wait3A_797 = arith.constant 1 : i32
      %dma_wait3A_798 = arith.constant 0 : i32
      %dma_wait3A_799 = tpu.memref_slice %arg16[%dma_wait3A_797, %dma_wait3A_798] : memref<16x128xf32, #tpu.memory_space<vmem>> -> memref<1x64xf32, #tpu.memory_space<vmem>>
      %dma_wait3A_800 = tpu.memref_squeeze %dma_wait3A_799 : memref<1x64xf32, #tpu.memory_space<vmem>> -> memref<64xf32, #tpu.memory_space<vmem>>
      %dma_wait3A_801 = arith.constant 0 : i32
      %dma_wait3A_802 = tpu.memref_slice %arg6[%squeeze3A_89, %dma_wait3A_801] : memref<1000000x64xf32, #tpu.memory_space<hbm>> -> memref<1x64xf32, #tpu.memory_space<hbm>>
      %dma_wait3A_803 = tpu.memref_squeeze %dma_wait3A_802 : memref<1x64xf32, #tpu.memory_space<hbm>> -> memref<64xf32, #tpu.memory_space<hbm>>
      %dma_wait3A_804 = arith.constant 0 : i32
      %dma_wait3A_805 = tpu.memref_slice %arg16[%dma_wait3A_797, %dma_wait3A_804] : memref<16x128xf32, #tpu.memory_space<vmem>> -> memref<1x64xf32, #tpu.memory_space<vmem>>
      %dma_wait3A_806 = tpu.memref_squeeze %dma_wait3A_805 : memref<1x64xf32, #tpu.memory_space<vmem>> -> memref<64xf32, #tpu.memory_space<vmem>>
      %dma_wait3A_807 = arith.constant 0 : i32
      %dma_wait3A_808 = tpu.memref_slice %arg6[%squeeze3A_89, %dma_wait3A_807] : memref<1000000x64xf32, #tpu.memory_space<hbm>> -> memref<1x64xf32, #tpu.memory_space<hbm>>
      %dma_wait3A_809 = tpu.memref_squeeze %dma_wait3A_808 : memref<1x64xf32, #tpu.memory_space<hbm>> -> memref<64xf32, #tpu.memory_space<hbm>>
      tpu.wait_dma2 semaphore(%arg21 : memref<!tpu.dma_semaphore, #tpu.memory_space<semaphore_mem>>) src(%dma_wait3A_809 : memref<64xf32, #tpu.memory_space<hbm>>) dst(%dma_wait3A_806 : memref<64xf32, #tpu.memory_space<vmem>>)
      %dma_wait3A_810 = arith.constant 2 : i32
      %dma_wait3A_811 = arith.constant 0 : i32
      %dma_wait3A_812 = tpu.memref_slice %arg14[%dma_wait3A_810, %dma_wait3A_811] : memref<16x128xf32, #tpu.memory_space<vmem>> -> memref<1x64xf32, #tpu.memory_space<vmem>>
      %dma_wait3A_813 = tpu.memref_squeeze %dma_wait3A_812 : memref<1x64xf32, #tpu.memory_space<vmem>> -> memref<64xf32, #tpu.memory_space<vmem>>
      %dma_wait3A_814 = arith.constant 0 : i32
      %dma_wait3A_815 = tpu.memref_slice %arg5[%squeeze3A_104, %dma_wait3A_814] : memref<1000000x64xf32, #tpu.memory_space<hbm>> -> memref<1x64xf32, #tpu.memory_space<hbm>>
      %dma_wait3A_816 = tpu.memref_squeeze %dma_wait3A_815 : memref<1x64xf32, #tpu.memory_space<hbm>> -> memref<64xf32, #tpu.memory_space<hbm>>
      %dma_wait3A_817 = arith.constant 0 : i32
      %dma_wait3A_818 = tpu.memref_slice %arg14[%dma_wait3A_810, %dma_wait3A_817] : memref<16x128xf32, #tpu.memory_space<vmem>> -> memref<1x64xf32, #tpu.memory_space<vmem>>
      %dma_wait3A_819 = tpu.memref_squeeze %dma_wait3A_818 : memref<1x64xf32, #tpu.memory_space<vmem>> -> memref<64xf32, #tpu.memory_space<vmem>>
      %dma_wait3A_820 = arith.constant 0 : i32
      %dma_wait3A_821 = tpu.memref_slice %arg5[%squeeze3A_104, %dma_wait3A_820] : memref<1000000x64xf32, #tpu.memory_space<hbm>> -> memref<1x64xf32, #tpu.memory_space<hbm>>
      %dma_wait3A_822 = tpu.memref_squeeze %dma_wait3A_821 : memref<1x64xf32, #tpu.memory_space<hbm>> -> memref<64xf32, #tpu.memory_space<hbm>>
      tpu.wait_dma2 semaphore(%arg21 : memref<!tpu.dma_semaphore, #tpu.memory_space<semaphore_mem>>) src(%dma_wait3A_822 : memref<64xf32, #tpu.memory_space<hbm>>) dst(%dma_wait3A_819 : memref<64xf32, #tpu.memory_space<vmem>>)
      %dma_wait3A_823 = arith.constant 2 : i32
      %dma_wait3A_824 = arith.constant 0 : i32
      %dma_wait3A_825 = tpu.memref_slice %arg15[%dma_wait3A_823, %dma_wait3A_824] : memref<16x128xf32, #tpu.memory_space<vmem>> -> memref<1x64xf32, #tpu.memory_space<vmem>>
      %dma_wait3A_826 = tpu.memref_squeeze %dma_wait3A_825 : memref<1x64xf32, #tpu.memory_space<vmem>> -> memref<64xf32, #tpu.memory_space<vmem>>
      %dma_wait3A_827 = arith.constant 0 : i32
      %dma_wait3A_828 = tpu.memref_slice %arg6[%squeeze3A_119, %dma_wait3A_827] : memref<1000000x64xf32, #tpu.memory_space<hbm>> -> memref<1x64xf32, #tpu.memory_space<hbm>>
      %dma_wait3A_829 = tpu.memref_squeeze %dma_wait3A_828 : memref<1x64xf32, #tpu.memory_space<hbm>> -> memref<64xf32, #tpu.memory_space<hbm>>
      %dma_wait3A_830 = arith.constant 0 : i32
      %dma_wait3A_831 = tpu.memref_slice %arg15[%dma_wait3A_823, %dma_wait3A_830] : memref<16x128xf32, #tpu.memory_space<vmem>> -> memref<1x64xf32, #tpu.memory_space<vmem>>
      %dma_wait3A_832 = tpu.memref_squeeze %dma_wait3A_831 : memref<1x64xf32, #tpu.memory_space<vmem>> -> memref<64xf32, #tpu.memory_space<vmem>>
      %dma_wait3A_833 = arith.constant 0 : i32
      %dma_wait3A_834 = tpu.memref_slice %arg6[%squeeze3A_119, %dma_wait3A_833] : memref<1000000x64xf32, #tpu.memory_space<hbm>> -> memref<1x64xf32, #tpu.memory_space<hbm>>
      %dma_wait3A_835 = tpu.memref_squeeze %dma_wait3A_834 : memref<1x64xf32, #tpu.memory_space<hbm>> -> memref<64xf32, #tpu.memory_space<hbm>>
      tpu.wait_dma2 semaphore(%arg21 : memref<!tpu.dma_semaphore, #tpu.memory_space<semaphore_mem>>) src(%dma_wait3A_835 : memref<64xf32, #tpu.memory_space<hbm>>) dst(%dma_wait3A_832 : memref<64xf32, #tpu.memory_space<vmem>>)
      %dma_wait3A_836 = arith.constant 2 : i32
      %dma_wait3A_837 = arith.constant 0 : i32
      %dma_wait3A_838 = tpu.memref_slice %arg16[%dma_wait3A_836, %dma_wait3A_837] : memref<16x128xf32, #tpu.memory_space<vmem>> -> memref<1x64xf32, #tpu.memory_space<vmem>>
      %dma_wait3A_839 = tpu.memref_squeeze %dma_wait3A_838 : memref<1x64xf32, #tpu.memory_space<vmem>> -> memref<64xf32, #tpu.memory_space<vmem>>
      %dma_wait3A_840 = arith.constant 0 : i32
      %dma_wait3A_841 = tpu.memref_slice %arg6[%squeeze3A_134, %dma_wait3A_840] : memref<1000000x64xf32, #tpu.memory_space<hbm>> -> memref<1x64xf32, #tpu.memory_space<hbm>>
      %dma_wait3A_842 = tpu.memref_squeeze %dma_wait3A_841 : memref<1x64xf32, #tpu.memory_space<hbm>> -> memref<64xf32, #tpu.memory_space<hbm>>
      %dma_wait3A_843 = arith.constant 0 : i32
      %dma_wait3A_844 = tpu.memref_slice %arg16[%dma_wait3A_836, %dma_wait3A_843] : memref<16x128xf32, #tpu.memory_space<vmem>> -> memref<1x64xf32, #tpu.memory_space<vmem>>
      %dma_wait3A_845 = tpu.memref_squeeze %dma_wait3A_844 : memref<1x64xf32, #tpu.memory_space<vmem>> -> memref<64xf32, #tpu.memory_space<vmem>>
      %dma_wait3A_846 = arith.constant 0 : i32
      %dma_wait3A_847 = tpu.memref_slice %arg6[%squeeze3A_134, %dma_wait3A_846] : memref<1000000x64xf32, #tpu.memory_space<hbm>> -> memref<1x64xf32, #tpu.memory_space<hbm>>
      %dma_wait3A_848 = tpu.memref_squeeze %dma_wait3A_847 : memref<1x64xf32, #tpu.memory_space<hbm>> -> memref<64xf32, #tpu.memory_space<hbm>>
      tpu.wait_dma2 semaphore(%arg21 : memref<!tpu.dma_semaphore, #tpu.memory_space<semaphore_mem>>) src(%dma_wait3A_848 : memref<64xf32, #tpu.memory_space<hbm>>) dst(%dma_wait3A_845 : memref<64xf32, #tpu.memory_space<vmem>>)
      %dma_wait3A_849 = arith.constant 3 : i32
      %dma_wait3A_850 = arith.constant 0 : i32
      %dma_wait3A_851 = tpu.memref_slice %arg14[%dma_wait3A_849, %dma_wait3A_850] : memref<16x128xf32, #tpu.memory_space<vmem>> -> memref<1x64xf32, #tpu.memory_space<vmem>>
      %dma_wait3A_852 = tpu.memref_squeeze %dma_wait3A_851 : memref<1x64xf32, #tpu.memory_space<vmem>> -> memref<64xf32, #tpu.memory_space<vmem>>
      %dma_wait3A_853 = arith.constant 0 : i32
      %dma_wait3A_854 = tpu.memref_slice %arg5[%squeeze3A_149, %dma_wait3A_853] : memref<1000000x64xf32, #tpu.memory_space<hbm>> -> memref<1x64xf32, #tpu.memory_space<hbm>>
      %dma_wait3A_855 = tpu.memref_squeeze %dma_wait3A_854 : memref<1x64xf32, #tpu.memory_space<hbm>> -> memref<64xf32, #tpu.memory_space<hbm>>
      %dma_wait3A_856 = arith.constant 0 : i32
      %dma_wait3A_857 = tpu.memref_slice %arg14[%dma_wait3A_849, %dma_wait3A_856] : memref<16x128xf32, #tpu.memory_space<vmem>> -> memref<1x64xf32, #tpu.memory_space<vmem>>
      %dma_wait3A_858 = tpu.memref_squeeze %dma_wait3A_857 : memref<1x64xf32, #tpu.memory_space<vmem>> -> memref<64xf32, #tpu.memory_space<vmem>>
      %dma_wait3A_859 = arith.constant 0 : i32
      %dma_wait3A_860 = tpu.memref_slice %arg5[%squeeze3A_149, %dma_wait3A_859] : memref<1000000x64xf32, #tpu.memory_space<hbm>> -> memref<1x64xf32, #tpu.memory_space<hbm>>
      %dma_wait3A_861 = tpu.memref_squeeze %dma_wait3A_860 : memref<1x64xf32, #tpu.memory_space<hbm>> -> memref<64xf32, #tpu.memory_space<hbm>>
      tpu.wait_dma2 semaphore(%arg21 : memref<!tpu.dma_semaphore, #tpu.memory_space<semaphore_mem>>) src(%dma_wait3A_861 : memref<64xf32, #tpu.memory_space<hbm>>) dst(%dma_wait3A_858 : memref<64xf32, #tpu.memory_space<vmem>>)
      %dma_wait3A_862 = arith.constant 3 : i32
      %dma_wait3A_863 = arith.constant 0 : i32
      %dma_wait3A_864 = tpu.memref_slice %arg15[%dma_wait3A_862, %dma_wait3A_863] : memref<16x128xf32, #tpu.memory_space<vmem>> -> memref<1x64xf32, #tpu.memory_space<vmem>>
      %dma_wait3A_865 = tpu.memref_squeeze %dma_wait3A_864 : memref<1x64xf32, #tpu.memory_space<vmem>> -> memref<64xf32, #tpu.memory_space<vmem>>
      %dma_wait3A_866 = arith.constant 0 : i32
      %dma_wait3A_867 = tpu.memref_slice %arg6[%squeeze3A_164, %dma_wait3A_866] : memref<1000000x64xf32, #tpu.memory_space<hbm>> -> memref<1x64xf32, #tpu.memory_space<hbm>>
      %dma_wait3A_868 = tpu.memref_squeeze %dma_wait3A_867 : memref<1x64xf32, #tpu.memory_space<hbm>> -> memref<64xf32, #tpu.memory_space<hbm>>
      %dma_wait3A_869 = arith.constant 0 : i32
      %dma_wait3A_870 = tpu.memref_slice %arg15[%dma_wait3A_862, %dma_wait3A_869] : memref<16x128xf32, #tpu.memory_space<vmem>> -> memref<1x64xf32, #tpu.memory_space<vmem>>
      %dma_wait3A_871 = tpu.memref_squeeze %dma_wait3A_870 : memref<1x64xf32, #tpu.memory_space<vmem>> -> memref<64xf32, #tpu.memory_space<vmem>>
      %dma_wait3A_872 = arith.constant 0 : i32
      %dma_wait3A_873 = tpu.memref_slice %arg6[%squeeze3A_164, %dma_wait3A_872] : memref<1000000x64xf32, #tpu.memory_space<hbm>> -> memref<1x64xf32, #tpu.memory_space<hbm>>
      %dma_wait3A_874 = tpu.memref_squeeze %dma_wait3A_873 : memref<1x64xf32, #tpu.memory_space<hbm>> -> memref<64xf32, #tpu.memory_space<hbm>>
      tpu.wait_dma2 semaphore(%arg21 : memref<!tpu.dma_semaphore, #tpu.memory_space<semaphore_mem>>) src(%dma_wait3A_874 : memref<64xf32, #tpu.memory_space<hbm>>) dst(%dma_wait3A_871 : memref<64xf32, #tpu.memory_space<vmem>>)
      %dma_wait3A_875 = arith.constant 3 : i32
      %dma_wait3A_876 = arith.constant 0 : i32
      %dma_wait3A_877 = tpu.memref_slice %arg16[%dma_wait3A_875, %dma_wait3A_876] : memref<16x128xf32, #tpu.memory_space<vmem>> -> memref<1x64xf32, #tpu.memory_space<vmem>>
      %dma_wait3A_878 = tpu.memref_squeeze %dma_wait3A_877 : memref<1x64xf32, #tpu.memory_space<vmem>> -> memref<64xf32, #tpu.memory_space<vmem>>
      %dma_wait3A_879 = arith.constant 0 : i32
      %dma_wait3A_880 = tpu.memref_slice %arg6[%squeeze3A_179, %dma_wait3A_879] : memref<1000000x64xf32, #tpu.memory_space<hbm>> -> memref<1x64xf32, #tpu.memory_space<hbm>>
      %dma_wait3A_881 = tpu.memref_squeeze %dma_wait3A_880 : memref<1x64xf32, #tpu.memory_space<hbm>> -> memref<64xf32, #tpu.memory_space<hbm>>
      %dma_wait3A_882 = arith.constant 0 : i32
      %dma_wait3A_883 = tpu.memref_slice %arg16[%dma_wait3A_875, %dma_wait3A_882] : memref<16x128xf32, #tpu.memory_space<vmem>> -> memref<1x64xf32, #tpu.memory_space<vmem>>
      %dma_wait3A_884 = tpu.memref_squeeze %dma_wait3A_883 : memref<1x64xf32, #tpu.memory_space<vmem>> -> memref<64xf32, #tpu.memory_space<vmem>>
      %dma_wait3A_885 = arith.constant 0 : i32
      %dma_wait3A_886 = tpu.memref_slice %arg6[%squeeze3A_179, %dma_wait3A_885] : memref<1000000x64xf32, #tpu.memory_space<hbm>> -> memref<1x64xf32, #tpu.memory_space<hbm>>
      %dma_wait3A_887 = tpu.memref_squeeze %dma_wait3A_886 : memref<1x64xf32, #tpu.memory_space<hbm>> -> memref<64xf32, #tpu.memory_space<hbm>>
      tpu.wait_dma2 semaphore(%arg21 : memref<!tpu.dma_semaphore, #tpu.memory_space<semaphore_mem>>) src(%dma_wait3A_887 : memref<64xf32, #tpu.memory_space<hbm>>) dst(%dma_wait3A_884 : memref<64xf32, #tpu.memory_space<vmem>>)
      %dma_wait3A_888 = arith.constant 4 : i32
      %dma_wait3A_889 = arith.constant 0 : i32
      %dma_wait3A_890 = tpu.memref_slice %arg14[%dma_wait3A_888, %dma_wait3A_889] : memref<16x128xf32, #tpu.memory_space<vmem>> -> memref<1x64xf32, #tpu.memory_space<vmem>>
      %dma_wait3A_891 = tpu.memref_squeeze %dma_wait3A_890 : memref<1x64xf32, #tpu.memory_space<vmem>> -> memref<64xf32, #tpu.memory_space<vmem>>
      %dma_wait3A_892 = arith.constant 0 : i32
      %dma_wait3A_893 = tpu.memref_slice %arg5[%squeeze3A_194, %dma_wait3A_892] : memref<1000000x64xf32, #tpu.memory_space<hbm>> -> memref<1x64xf32, #tpu.memory_space<hbm>>
      %dma_wait3A_894 = tpu.memref_squeeze %dma_wait3A_893 : memref<1x64xf32, #tpu.memory_space<hbm>> -> memref<64xf32, #tpu.memory_space<hbm>>
      %dma_wait3A_895 = arith.constant 0 : i32
      %dma_wait3A_896 = tpu.memref_slice %arg14[%dma_wait3A_888, %dma_wait3A_895] : memref<16x128xf32, #tpu.memory_space<vmem>> -> memref<1x64xf32, #tpu.memory_space<vmem>>
      %dma_wait3A_897 = tpu.memref_squeeze %dma_wait3A_896 : memref<1x64xf32, #tpu.memory_space<vmem>> -> memref<64xf32, #tpu.memory_space<vmem>>
      %dma_wait3A_898 = arith.constant 0 : i32
      %dma_wait3A_899 = tpu.memref_slice %arg5[%squeeze3A_194, %dma_wait3A_898] : memref<1000000x64xf32, #tpu.memory_space<hbm>> -> memref<1x64xf32, #tpu.memory_space<hbm>>
      %dma_wait3A_900 = tpu.memref_squeeze %dma_wait3A_899 : memref<1x64xf32, #tpu.memory_space<hbm>> -> memref<64xf32, #tpu.memory_space<hbm>>
      tpu.wait_dma2 semaphore(%arg21 : memref<!tpu.dma_semaphore, #tpu.memory_space<semaphore_mem>>) src(%dma_wait3A_900 : memref<64xf32, #tpu.memory_space<hbm>>) dst(%dma_wait3A_897 : memref<64xf32, #tpu.memory_space<vmem>>)
      %dma_wait3A_901 = arith.constant 4 : i32
      %dma_wait3A_902 = arith.constant 0 : i32
      %dma_wait3A_903 = tpu.memref_slice %arg15[%dma_wait3A_901, %dma_wait3A_902] : memref<16x128xf32, #tpu.memory_space<vmem>> -> memref<1x64xf32, #tpu.memory_space<vmem>>
      %dma_wait3A_904 = tpu.memref_squeeze %dma_wait3A_903 : memref<1x64xf32, #tpu.memory_space<vmem>> -> memref<64xf32, #tpu.memory_space<vmem>>
      %dma_wait3A_905 = arith.constant 0 : i32
      %dma_wait3A_906 = tpu.memref_slice %arg6[%squeeze3A_209, %dma_wait3A_905] : memref<1000000x64xf32, #tpu.memory_space<hbm>> -> memref<1x64xf32, #tpu.memory_space<hbm>>
      %dma_wait3A_907 = tpu.memref_squeeze %dma_wait3A_906 : memref<1x64xf32, #tpu.memory_space<hbm>> -> memref<64xf32, #tpu.memory_space<hbm>>
      %dma_wait3A_908 = arith.constant 0 : i32
      %dma_wait3A_909 = tpu.memref_slice %arg15[%dma_wait3A_901, %dma_wait3A_908] : memref<16x128xf32, #tpu.memory_space<vmem>> -> memref<1x64xf32, #tpu.memory_space<vmem>>
      %dma_wait3A_910 = tpu.memref_squeeze %dma_wait3A_909 : memref<1x64xf32, #tpu.memory_space<vmem>> -> memref<64xf32, #tpu.memory_space<vmem>>
      %dma_wait3A_911 = arith.constant 0 : i32
      %dma_wait3A_912 = tpu.memref_slice %arg6[%squeeze3A_209, %dma_wait3A_911] : memref<1000000x64xf32, #tpu.memory_space<hbm>> -> memref<1x64xf32, #tpu.memory_space<hbm>>
      %dma_wait3A_913 = tpu.memref_squeeze %dma_wait3A_912 : memref<1x64xf32, #tpu.memory_space<hbm>> -> memref<64xf32, #tpu.memory_space<hbm>>
      tpu.wait_dma2 semaphore(%arg21 : memref<!tpu.dma_semaphore, #tpu.memory_space<semaphore_mem>>) src(%dma_wait3A_913 : memref<64xf32, #tpu.memory_space<hbm>>) dst(%dma_wait3A_910 : memref<64xf32, #tpu.memory_space<vmem>>)
      %dma_wait3A_914 = arith.constant 4 : i32
      %dma_wait3A_915 = arith.constant 0 : i32
      %dma_wait3A_916 = tpu.memref_slice %arg16[%dma_wait3A_914, %dma_wait3A_915] : memref<16x128xf32, #tpu.memory_space<vmem>> -> memref<1x64xf32, #tpu.memory_space<vmem>>
      %dma_wait3A_917 = tpu.memref_squeeze %dma_wait3A_916 : memref<1x64xf32, #tpu.memory_space<vmem>> -> memref<64xf32, #tpu.memory_space<vmem>>
      %dma_wait3A_918 = arith.constant 0 : i32
      %dma_wait3A_919 = tpu.memref_slice %arg6[%squeeze3A_224, %dma_wait3A_918] : memref<1000000x64xf32, #tpu.memory_space<hbm>> -> memref<1x64xf32, #tpu.memory_space<hbm>>
      %dma_wait3A_920 = tpu.memref_squeeze %dma_wait3A_919 : memref<1x64xf32, #tpu.memory_space<hbm>> -> memref<64xf32, #tpu.memory_space<hbm>>
      %dma_wait3A_921 = arith.constant 0 : i32
      %dma_wait3A_922 = tpu.memref_slice %arg16[%dma_wait3A_914, %dma_wait3A_921] : memref<16x128xf32, #tpu.memory_space<vmem>> -> memref<1x64xf32, #tpu.memory_space<vmem>>
      %dma_wait3A_923 = tpu.memref_squeeze %dma_wait3A_922 : memref<1x64xf32, #tpu.memory_space<vmem>> -> memref<64xf32, #tpu.memory_space<vmem>>
      %dma_wait3A_924 = arith.constant 0 : i32
      %dma_wait3A_925 = tpu.memref_slice %arg6[%squeeze3A_224, %dma_wait3A_924] : memref<1000000x64xf32, #tpu.memory_space<hbm>> -> memref<1x64xf32, #tpu.memory_space<hbm>>
      %dma_wait3A_926 = tpu.memref_squeeze %dma_wait3A_925 : memref<1x64xf32, #tpu.memory_space<hbm>> -> memref<64xf32, #tpu.memory_space<hbm>>
      tpu.wait_dma2 semaphore(%arg21 : memref<!tpu.dma_semaphore, #tpu.memory_space<semaphore_mem>>) src(%dma_wait3A_926 : memref<64xf32, #tpu.memory_space<hbm>>) dst(%dma_wait3A_923 : memref<64xf32, #tpu.memory_space<vmem>>)
      %dma_wait3A_927 = arith.constant 5 : i32
      %dma_wait3A_928 = arith.constant 0 : i32
      %dma_wait3A_929 = tpu.memref_slice %arg14[%dma_wait3A_927, %dma_wait3A_928] : memref<16x128xf32, #tpu.memory_space<vmem>> -> memref<1x64xf32, #tpu.memory_space<vmem>>
      %dma_wait3A_930 = tpu.memref_squeeze %dma_wait3A_929 : memref<1x64xf32, #tpu.memory_space<vmem>> -> memref<64xf32, #tpu.memory_space<vmem>>
      %dma_wait3A_931 = arith.constant 0 : i32
      %dma_wait3A_932 = tpu.memref_slice %arg5[%squeeze3A_239, %dma_wait3A_931] : memref<1000000x64xf32, #tpu.memory_space<hbm>> -> memref<1x64xf32, #tpu.memory_space<hbm>>
      %dma_wait3A_933 = tpu.memref_squeeze %dma_wait3A_932 : memref<1x64xf32, #tpu.memory_space<hbm>> -> memref<64xf32, #tpu.memory_space<hbm>>
      %dma_wait3A_934 = arith.constant 0 : i32
      %dma_wait3A_935 = tpu.memref_slice %arg14[%dma_wait3A_927, %dma_wait3A_934] : memref<16x128xf32, #tpu.memory_space<vmem>> -> memref<1x64xf32, #tpu.memory_space<vmem>>
      %dma_wait3A_936 = tpu.memref_squeeze %dma_wait3A_935 : memref<1x64xf32, #tpu.memory_space<vmem>> -> memref<64xf32, #tpu.memory_space<vmem>>
      %dma_wait3A_937 = arith.constant 0 : i32
      %dma_wait3A_938 = tpu.memref_slice %arg5[%squeeze3A_239, %dma_wait3A_937] : memref<1000000x64xf32, #tpu.memory_space<hbm>> -> memref<1x64xf32, #tpu.memory_space<hbm>>
      %dma_wait3A_939 = tpu.memref_squeeze %dma_wait3A_938 : memref<1x64xf32, #tpu.memory_space<hbm>> -> memref<64xf32, #tpu.memory_space<hbm>>
      tpu.wait_dma2 semaphore(%arg21 : memref<!tpu.dma_semaphore, #tpu.memory_space<semaphore_mem>>) src(%dma_wait3A_939 : memref<64xf32, #tpu.memory_space<hbm>>) dst(%dma_wait3A_936 : memref<64xf32, #tpu.memory_space<vmem>>)
      %dma_wait3A_940 = arith.constant 5 : i32
      %dma_wait3A_941 = arith.constant 0 : i32
      %dma_wait3A_942 = tpu.memref_slice %arg15[%dma_wait3A_940, %dma_wait3A_941] : memref<16x128xf32, #tpu.memory_space<vmem>> -> memref<1x64xf32, #tpu.memory_space<vmem>>
      %dma_wait3A_943 = tpu.memref_squeeze %dma_wait3A_942 : memref<1x64xf32, #tpu.memory_space<vmem>> -> memref<64xf32, #tpu.memory_space<vmem>>
      %dma_wait3A_944 = arith.constant 0 : i32
      %dma_wait3A_945 = tpu.memref_slice %arg6[%squeeze3A_254, %dma_wait3A_944] : memref<1000000x64xf32, #tpu.memory_space<hbm>> -> memref<1x64xf32, #tpu.memory_space<hbm>>
      %dma_wait3A_946 = tpu.memref_squeeze %dma_wait3A_945 : memref<1x64xf32, #tpu.memory_space<hbm>> -> memref<64xf32, #tpu.memory_space<hbm>>
      %dma_wait3A_947 = arith.constant 0 : i32
      %dma_wait3A_948 = tpu.memref_slice %arg15[%dma_wait3A_940, %dma_wait3A_947] : memref<16x128xf32, #tpu.memory_space<vmem>> -> memref<1x64xf32, #tpu.memory_space<vmem>>
      %dma_wait3A_949 = tpu.memref_squeeze %dma_wait3A_948 : memref<1x64xf32, #tpu.memory_space<vmem>> -> memref<64xf32, #tpu.memory_space<vmem>>
      %dma_wait3A_950 = arith.constant 0 : i32
      %dma_wait3A_951 = tpu.memref_slice %arg6[%squeeze3A_254, %dma_wait3A_950] : memref<1000000x64xf32, #tpu.memory_space<hbm>> -> memref<1x64xf32, #tpu.memory_space<hbm>>
      %dma_wait3A_952 = tpu.memref_squeeze %dma_wait3A_951 : memref<1x64xf32, #tpu.memory_space<hbm>> -> memref<64xf32, #tpu.memory_space<hbm>>
      tpu.wait_dma2 semaphore(%arg21 : memref<!tpu.dma_semaphore, #tpu.memory_space<semaphore_mem>>) src(%dma_wait3A_952 : memref<64xf32, #tpu.memory_space<hbm>>) dst(%dma_wait3A_949 : memref<64xf32, #tpu.memory_space<vmem>>)
      %dma_wait3A_953 = arith.constant 5 : i32
      %dma_wait3A_954 = arith.constant 0 : i32
      %dma_wait3A_955 = tpu.memref_slice %arg16[%dma_wait3A_953, %dma_wait3A_954] : memref<16x128xf32, #tpu.memory_space<vmem>> -> memref<1x64xf32, #tpu.memory_space<vmem>>
      %dma_wait3A_956 = tpu.memref_squeeze %dma_wait3A_955 : memref<1x64xf32, #tpu.memory_space<vmem>> -> memref<64xf32, #tpu.memory_space<vmem>>
      %dma_wait3A_957 = arith.constant 0 : i32
      %dma_wait3A_958 = tpu.memref_slice %arg6[%squeeze3A_269, %dma_wait3A_957] : memref<1000000x64xf32, #tpu.memory_space<hbm>> -> memref<1x64xf32, #tpu.memory_space<hbm>>
      %dma_wait3A_959 = tpu.memref_squeeze %dma_wait3A_958 : memref<1x64xf32, #tpu.memory_space<hbm>> -> memref<64xf32, #tpu.memory_space<hbm>>
      %dma_wait3A_960 = arith.constant 0 : i32
      %dma_wait3A_961 = tpu.memref_slice %arg16[%dma_wait3A_953, %dma_wait3A_960] : memref<16x128xf32, #tpu.memory_space<vmem>> -> memref<1x64xf32, #tpu.memory_space<vmem>>
      %dma_wait3A_962 = tpu.memref_squeeze %dma_wait3A_961 : memref<1x64xf32, #tpu.memory_space<vmem>> -> memref<64xf32, #tpu.memory_space<vmem>>
      %dma_wait3A_963 = arith.constant 0 : i32
      %dma_wait3A_964 = tpu.memref_slice %arg6[%squeeze3A_269, %dma_wait3A_963] : memref<1000000x64xf32, #tpu.memory_space<hbm>> -> memref<1x64xf32, #tpu.memory_space<hbm>>
      %dma_wait3A_965 = tpu.memref_squeeze %dma_wait3A_964 : memref<1x64xf32, #tpu.memory_space<hbm>> -> memref<64xf32, #tpu.memory_space<hbm>>
      tpu.wait_dma2 semaphore(%arg21 : memref<!tpu.dma_semaphore, #tpu.memory_space<semaphore_mem>>) src(%dma_wait3A_965 : memref<64xf32, #tpu.memory_space<hbm>>) dst(%dma_wait3A_962 : memref<64xf32, #tpu.memory_space<vmem>>)
      %dma_wait3A_966 = arith.constant 6 : i32
      %dma_wait3A_967 = arith.constant 0 : i32
      %dma_wait3A_968 = tpu.memref_slice %arg14[%dma_wait3A_966, %dma_wait3A_967] : memref<16x128xf32, #tpu.memory_space<vmem>> -> memref<1x64xf32, #tpu.memory_space<vmem>>
      %dma_wait3A_969 = tpu.memref_squeeze %dma_wait3A_968 : memref<1x64xf32, #tpu.memory_space<vmem>> -> memref<64xf32, #tpu.memory_space<vmem>>
      %dma_wait3A_970 = arith.constant 0 : i32
      %dma_wait3A_971 = tpu.memref_slice %arg5[%squeeze3A_284, %dma_wait3A_970] : memref<1000000x64xf32, #tpu.memory_space<hbm>> -> memref<1x64xf32, #tpu.memory_space<hbm>>
      %dma_wait3A_972 = tpu.memref_squeeze %dma_wait3A_971 : memref<1x64xf32, #tpu.memory_space<hbm>> -> memref<64xf32, #tpu.memory_space<hbm>>
      %dma_wait3A_973 = arith.constant 0 : i32
      %dma_wait3A_974 = tpu.memref_slice %arg14[%dma_wait3A_966, %dma_wait3A_973] : memref<16x128xf32, #tpu.memory_space<vmem>> -> memref<1x64xf32, #tpu.memory_space<vmem>>
      %dma_wait3A_975 = tpu.memref_squeeze %dma_wait3A_974 : memref<1x64xf32, #tpu.memory_space<vmem>> -> memref<64xf32, #tpu.memory_space<vmem>>
      %dma_wait3A_976 = arith.constant 0 : i32
      %dma_wait3A_977 = tpu.memref_slice %arg5[%squeeze3A_284, %dma_wait3A_976] : memref<1000000x64xf32, #tpu.memory_space<hbm>> -> memref<1x64xf32, #tpu.memory_space<hbm>>
      %dma_wait3A_978 = tpu.memref_squeeze %dma_wait3A_977 : memref<1x64xf32, #tpu.memory_space<hbm>> -> memref<64xf32, #tpu.memory_space<hbm>>
      tpu.wait_dma2 semaphore(%arg21 : memref<!tpu.dma_semaphore, #tpu.memory_space<semaphore_mem>>) src(%dma_wait3A_978 : memref<64xf32, #tpu.memory_space<hbm>>) dst(%dma_wait3A_975 : memref<64xf32, #tpu.memory_space<vmem>>)
      %dma_wait3A_979 = arith.constant 6 : i32
      %dma_wait3A_980 = arith.constant 0 : i32
      %dma_wait3A_981 = tpu.memref_slice %arg15[%dma_wait3A_979, %dma_wait3A_980] : memref<16x128xf32, #tpu.memory_space<vmem>> -> memref<1x64xf32, #tpu.memory_space<vmem>>
      %dma_wait3A_982 = tpu.memref_squeeze %dma_wait3A_981 : memref<1x64xf32, #tpu.memory_space<vmem>> -> memref<64xf32, #tpu.memory_space<vmem>>
      %dma_wait3A_983 = arith.constant 0 : i32
      %dma_wait3A_984 = tpu.memref_slice %arg6[%squeeze3A_299, %dma_wait3A_983] : memref<1000000x64xf32, #tpu.memory_space<hbm>> -> memref<1x64xf32, #tpu.memory_space<hbm>>
      %dma_wait3A_985 = tpu.memref_squeeze %dma_wait3A_984 : memref<1x64xf32, #tpu.memory_space<hbm>> -> memref<64xf32, #tpu.memory_space<hbm>>
      %dma_wait3A_986 = arith.constant 0 : i32
      %dma_wait3A_987 = tpu.memref_slice %arg15[%dma_wait3A_979, %dma_wait3A_986] : memref<16x128xf32, #tpu.memory_space<vmem>> -> memref<1x64xf32, #tpu.memory_space<vmem>>
      %dma_wait3A_988 = tpu.memref_squeeze %dma_wait3A_987 : memref<1x64xf32, #tpu.memory_space<vmem>> -> memref<64xf32, #tpu.memory_space<vmem>>
      %dma_wait3A_989 = arith.constant 0 : i32
      %dma_wait3A_990 = tpu.memref_slice %arg6[%squeeze3A_299, %dma_wait3A_989] : memref<1000000x64xf32, #tpu.memory_space<hbm>> -> memref<1x64xf32, #tpu.memory_space<hbm>>
      %dma_wait3A_991 = tpu.memref_squeeze %dma_wait3A_990 : memref<1x64xf32, #tpu.memory_space<hbm>> -> memref<64xf32, #tpu.memory_space<hbm>>
      tpu.wait_dma2 semaphore(%arg21 : memref<!tpu.dma_semaphore, #tpu.memory_space<semaphore_mem>>) src(%dma_wait3A_991 : memref<64xf32, #tpu.memory_space<hbm>>) dst(%dma_wait3A_988 : memref<64xf32, #tpu.memory_space<vmem>>)
      %dma_wait3A_992 = arith.constant 6 : i32
      %dma_wait3A_993 = arith.constant 0 : i32
      %dma_wait3A_994 = tpu.memref_slice %arg16[%dma_wait3A_992, %dma_wait3A_993] : memref<16x128xf32, #tpu.memory_space<vmem>> -> memref<1x64xf32, #tpu.memory_space<vmem>>
      %dma_wait3A_995 = tpu.memref_squeeze %dma_wait3A_994 : memref<1x64xf32, #tpu.memory_space<vmem>> -> memref<64xf32, #tpu.memory_space<vmem>>
      %dma_wait3A_996 = arith.constant 0 : i32
      %dma_wait3A_997 = tpu.memref_slice %arg6[%squeeze3A_314, %dma_wait3A_996] : memref<1000000x64xf32, #tpu.memory_space<hbm>> -> memref<1x64xf32, #tpu.memory_space<hbm>>
      %dma_wait3A_998 = tpu.memref_squeeze %dma_wait3A_997 : memref<1x64xf32, #tpu.memory_space<hbm>> -> memref<64xf32, #tpu.memory_space<hbm>>
      %dma_wait3A_999 = arith.constant 0 : i32
      %dma_wait3A_1000 = tpu.memref_slice %arg16[%dma_wait3A_992, %dma_wait3A_999] : memref<16x128xf32, #tpu.memory_space<vmem>> -> memref<1x64xf32, #tpu.memory_space<vmem>>
      %dma_wait3A_1001 = tpu.memref_squeeze %dma_wait3A_1000 : memref<1x64xf32, #tpu.memory_space<vmem>> -> memref<64xf32, #tpu.memory_space<vmem>>
      %dma_wait3A_1002 = arith.constant 0 : i32
      %dma_wait3A_1003 = tpu.memref_slice %arg6[%squeeze3A_314, %dma_wait3A_1002] : memref<1000000x64xf32, #tpu.memory_space<hbm>> -> memref<1x64xf32, #tpu.memory_space<hbm>>
      %dma_wait3A_1004 = tpu.memref_squeeze %dma_wait3A_1003 : memref<1x64xf32, #tpu.memory_space<hbm>> -> memref<64xf32, #tpu.memory_space<hbm>>
      tpu.wait_dma2 semaphore(%arg21 : memref<!tpu.dma_semaphore, #tpu.memory_space<semaphore_mem>>) src(%dma_wait3A_1004 : memref<64xf32, #tpu.memory_space<hbm>>) dst(%dma_wait3A_1001 : memref<64xf32, #tpu.memory_space<vmem>>)
      %dma_wait3A_1005 = arith.constant 7 : i32
      %dma_wait3A_1006 = arith.constant 0 : i32
      %dma_wait3A_1007 = tpu.memref_slice %arg14[%dma_wait3A_1005, %dma_wait3A_1006] : memref<16x128xf32, #tpu.memory_space<vmem>> -> memref<1x64xf32, #tpu.memory_space<vmem>>
      %dma_wait3A_1008 = tpu.memref_squeeze %dma_wait3A_1007 : memref<1x64xf32, #tpu.memory_space<vmem>> -> memref<64xf32, #tpu.memory_space<vmem>>
      %dma_wait3A_1009 = arith.constant 0 : i32
      %dma_wait3A_1010 = tpu.memref_slice %arg5[%squeeze3A_329, %dma_wait3A_1009] : memref<1000000x64xf32, #tpu.memory_space<hbm>> -> memref<1x64xf32, #tpu.memory_space<hbm>>
      %dma_wait3A_1011 = tpu.memref_squeeze %dma_wait3A_1010 : memref<1x64xf32, #tpu.memory_space<hbm>> -> memref<64xf32, #tpu.memory_space<hbm>>
      %dma_wait3A_1012 = arith.constant 0 : i32
      %dma_wait3A_1013 = tpu.memref_slice %arg14[%dma_wait3A_1005, %dma_wait3A_1012] : memref<16x128xf32, #tpu.memory_space<vmem>> -> memref<1x64xf32, #tpu.memory_space<vmem>>
      %dma_wait3A_1014 = tpu.memref_squeeze %dma_wait3A_1013 : memref<1x64xf32, #tpu.memory_space<vmem>> -> memref<64xf32, #tpu.memory_space<vmem>>
      %dma_wait3A_1015 = arith.constant 0 : i32
      %dma_wait3A_1016 = tpu.memref_slice %arg5[%squeeze3A_329, %dma_wait3A_1015] : memref<1000000x64xf32, #tpu.memory_space<hbm>> -> memref<1x64xf32, #tpu.memory_space<hbm>>
      %dma_wait3A_1017 = tpu.memref_squeeze %dma_wait3A_1016 : memref<1x64xf32, #tpu.memory_space<hbm>> -> memref<64xf32, #tpu.memory_space<hbm>>
      tpu.wait_dma2 semaphore(%arg21 : memref<!tpu.dma_semaphore, #tpu.memory_space<semaphore_mem>>) src(%dma_wait3A_1017 : memref<64xf32, #tpu.memory_space<hbm>>) dst(%dma_wait3A_1014 : memref<64xf32, #tpu.memory_space<vmem>>)
      %dma_wait3A_1018 = arith.constant 7 : i32
      %dma_wait3A_1019 = arith.constant 0 : i32
      %dma_wait3A_1020 = tpu.memref_slice %arg15[%dma_wait3A_1018, %dma_wait3A_1019] : memref<16x128xf32, #tpu.memory_space<vmem>> -> memref<1x64xf32, #tpu.memory_space<vmem>>
      %dma_wait3A_1021 = tpu.memref_squeeze %dma_wait3A_1020 : memref<1x64xf32, #tpu.memory_space<vmem>> -> memref<64xf32, #tpu.memory_space<vmem>>
      %dma_wait3A_1022 = arith.constant 0 : i32
      %dma_wait3A_1023 = tpu.memref_slice %arg6[%squeeze3A_344, %dma_wait3A_1022] : memref<1000000x64xf32, #tpu.memory_space<hbm>> -> memref<1x64xf32, #tpu.memory_space<hbm>>
      %dma_wait3A_1024 = tpu.memref_squeeze %dma_wait3A_1023 : memref<1x64xf32, #tpu.memory_space<hbm>> -> memref<64xf32, #tpu.memory_space<hbm>>
      %dma_wait3A_1025 = arith.constant 0 : i32
      %dma_wait3A_1026 = tpu.memref_slice %arg15[%dma_wait3A_1018, %dma_wait3A_1025] : memref<16x128xf32, #tpu.memory_space<vmem>> -> memref<1x64xf32, #tpu.memory_space<vmem>>
      %dma_wait3A_1027 = tpu.memref_squeeze %dma_wait3A_1026 : memref<1x64xf32, #tpu.memory_space<vmem>> -> memref<64xf32, #tpu.memory_space<vmem>>
      %dma_wait3A_1028 = arith.constant 0 : i32
      %dma_wait3A_1029 = tpu.memref_slice %arg6[%squeeze3A_344, %dma_wait3A_1028] : memref<1000000x64xf32, #tpu.memory_space<hbm>> -> memref<1x64xf32, #tpu.memory_space<hbm>>
      %dma_wait3A_1030 = tpu.memref_squeeze %dma_wait3A_1029 : memref<1x64xf32, #tpu.memory_space<hbm>> -> memref<64xf32, #tpu.memory_space<hbm>>
      tpu.wait_dma2 semaphore(%arg21 : memref<!tpu.dma_semaphore, #tpu.memory_space<semaphore_mem>>) src(%dma_wait3A_1030 : memref<64xf32, #tpu.memory_space<hbm>>) dst(%dma_wait3A_1027 : memref<64xf32, #tpu.memory_space<vmem>>)
      %dma_wait3A_1031 = arith.constant 7 : i32
      %dma_wait3A_1032 = arith.constant 0 : i32
      %dma_wait3A_1033 = tpu.memref_slice %arg16[%dma_wait3A_1031, %dma_wait3A_1032] : memref<16x128xf32, #tpu.memory_space<vmem>> -> memref<1x64xf32, #tpu.memory_space<vmem>>
      %dma_wait3A_1034 = tpu.memref_squeeze %dma_wait3A_1033 : memref<1x64xf32, #tpu.memory_space<vmem>> -> memref<64xf32, #tpu.memory_space<vmem>>
      %dma_wait3A_1035 = arith.constant 0 : i32
      %dma_wait3A_1036 = tpu.memref_slice %arg6[%squeeze3A_359, %dma_wait3A_1035] : memref<1000000x64xf32, #tpu.memory_space<hbm>> -> memref<1x64xf32, #tpu.memory_space<hbm>>
      %dma_wait3A_1037 = tpu.memref_squeeze %dma_wait3A_1036 : memref<1x64xf32, #tpu.memory_space<hbm>> -> memref<64xf32, #tpu.memory_space<hbm>>
      %dma_wait3A_1038 = arith.constant 0 : i32
      %dma_wait3A_1039 = tpu.memref_slice %arg16[%dma_wait3A_1031, %dma_wait3A_1038] : memref<16x128xf32, #tpu.memory_space<vmem>> -> memref<1x64xf32, #tpu.memory_space<vmem>>
      %dma_wait3A_1040 = tpu.memref_squeeze %dma_wait3A_1039 : memref<1x64xf32, #tpu.memory_space<vmem>> -> memref<64xf32, #tpu.memory_space<vmem>>
      %dma_wait3A_1041 = arith.constant 0 : i32
      %dma_wait3A_1042 = tpu.memref_slice %arg6[%squeeze3A_359, %dma_wait3A_1041] : memref<1000000x64xf32, #tpu.memory_space<hbm>> -> memref<1x64xf32, #tpu.memory_space<hbm>>
      %dma_wait3A_1043 = tpu.memref_squeeze %dma_wait3A_1042 : memref<1x64xf32, #tpu.memory_space<hbm>> -> memref<64xf32, #tpu.memory_space<hbm>>
      tpu.wait_dma2 semaphore(%arg21 : memref<!tpu.dma_semaphore, #tpu.memory_space<semaphore_mem>>) src(%dma_wait3A_1043 : memref<64xf32, #tpu.memory_space<hbm>>) dst(%dma_wait3A_1040 : memref<64xf32, #tpu.memory_space<vmem>>)
      %dma_wait3A_1044 = arith.constant 8 : i32
      %dma_wait3A_1045 = arith.constant 0 : i32
      %dma_wait3A_1046 = tpu.memref_slice %arg14[%dma_wait3A_1044, %dma_wait3A_1045] : memref<16x128xf32, #tpu.memory_space<vmem>> -> memref<1x64xf32, #tpu.memory_space<vmem>>
      %dma_wait3A_1047 = tpu.memref_squeeze %dma_wait3A_1046 : memref<1x64xf32, #tpu.memory_space<vmem>> -> memref<64xf32, #tpu.memory_space<vmem>>
      %dma_wait3A_1048 = arith.constant 0 : i32
      %dma_wait3A_1049 = tpu.memref_slice %arg5[%squeeze3A_374, %dma_wait3A_1048] : memref<1000000x64xf32, #tpu.memory_space<hbm>> -> memref<1x64xf32, #tpu.memory_space<hbm>>
      %dma_wait3A_1050 = tpu.memref_squeeze %dma_wait3A_1049 : memref<1x64xf32, #tpu.memory_space<hbm>> -> memref<64xf32, #tpu.memory_space<hbm>>
      %dma_wait3A_1051 = arith.constant 0 : i32
      %dma_wait3A_1052 = tpu.memref_slice %arg14[%dma_wait3A_1044, %dma_wait3A_1051] : memref<16x128xf32, #tpu.memory_space<vmem>> -> memref<1x64xf32, #tpu.memory_space<vmem>>
      %dma_wait3A_1053 = tpu.memref_squeeze %dma_wait3A_1052 : memref<1x64xf32, #tpu.memory_space<vmem>> -> memref<64xf32, #tpu.memory_space<vmem>>
      %dma_wait3A_1054 = arith.constant 0 : i32
      %dma_wait3A_1055 = tpu.memref_slice %arg5[%squeeze3A_374, %dma_wait3A_1054] : memref<1000000x64xf32, #tpu.memory_space<hbm>> -> memref<1x64xf32, #tpu.memory_space<hbm>>
      %dma_wait3A_1056 = tpu.memref_squeeze %dma_wait3A_1055 : memref<1x64xf32, #tpu.memory_space<hbm>> -> memref<64xf32, #tpu.memory_space<hbm>>
      tpu.wait_dma2 semaphore(%arg21 : memref<!tpu.dma_semaphore, #tpu.memory_space<semaphore_mem>>) src(%dma_wait3A_1056 : memref<64xf32, #tpu.memory_space<hbm>>) dst(%dma_wait3A_1053 : memref<64xf32, #tpu.memory_space<vmem>>)
      %dma_wait3A_1057 = arith.constant 8 : i32
      %dma_wait3A_1058 = arith.constant 0 : i32
      %dma_wait3A_1059 = tpu.memref_slice %arg15[%dma_wait3A_1057, %dma_wait3A_1058] : memref<16x128xf32, #tpu.memory_space<vmem>> -> memref<1x64xf32, #tpu.memory_space<vmem>>
      %dma_wait3A_1060 = tpu.memref_squeeze %dma_wait3A_1059 : memref<1x64xf32, #tpu.memory_space<vmem>> -> memref<64xf32, #tpu.memory_space<vmem>>
      %dma_wait3A_1061 = arith.constant 0 : i32
      %dma_wait3A_1062 = tpu.memref_slice %arg6[%squeeze3A_389, %dma_wait3A_1061] : memref<1000000x64xf32, #tpu.memory_space<hbm>> -> memref<1x64xf32, #tpu.memory_space<hbm>>
      %dma_wait3A_1063 = tpu.memref_squeeze %dma_wait3A_1062 : memref<1x64xf32, #tpu.memory_space<hbm>> -> memref<64xf32, #tpu.memory_space<hbm>>
      %dma_wait3A_1064 = arith.constant 0 : i32
      %dma_wait3A_1065 = tpu.memref_slice %arg15[%dma_wait3A_1057, %dma_wait3A_1064] : memref<16x128xf32, #tpu.memory_space<vmem>> -> memref<1x64xf32, #tpu.memory_space<vmem>>
      %dma_wait3A_1066 = tpu.memref_squeeze %dma_wait3A_1065 : memref<1x64xf32, #tpu.memory_space<vmem>> -> memref<64xf32, #tpu.memory_space<vmem>>
      %dma_wait3A_1067 = arith.constant 0 : i32
      %dma_wait3A_1068 = tpu.memref_slice %arg6[%squeeze3A_389, %dma_wait3A_1067] : memref<1000000x64xf32, #tpu.memory_space<hbm>> -> memref<1x64xf32, #tpu.memory_space<hbm>>
      %dma_wait3A_1069 = tpu.memref_squeeze %dma_wait3A_1068 : memref<1x64xf32, #tpu.memory_space<hbm>> -> memref<64xf32, #tpu.memory_space<hbm>>
      tpu.wait_dma2 semaphore(%arg21 : memref<!tpu.dma_semaphore, #tpu.memory_space<semaphore_mem>>) src(%dma_wait3A_1069 : memref<64xf32, #tpu.memory_space<hbm>>) dst(%dma_wait3A_1066 : memref<64xf32, #tpu.memory_space<vmem>>)
      %dma_wait3A_1070 = arith.constant 8 : i32
      %dma_wait3A_1071 = arith.constant 0 : i32
      %dma_wait3A_1072 = tpu.memref_slice %arg16[%dma_wait3A_1070, %dma_wait3A_1071] : memref<16x128xf32, #tpu.memory_space<vmem>> -> memref<1x64xf32, #tpu.memory_space<vmem>>
      %dma_wait3A_1073 = tpu.memref_squeeze %dma_wait3A_1072 : memref<1x64xf32, #tpu.memory_space<vmem>> -> memref<64xf32, #tpu.memory_space<vmem>>
      %dma_wait3A_1074 = arith.constant 0 : i32
      %dma_wait3A_1075 = tpu.memref_slice %arg6[%squeeze3A_404, %dma_wait3A_1074] : memref<1000000x64xf32, #tpu.memory_space<hbm>> -> memref<1x64xf32, #tpu.memory_space<hbm>>
      %dma_wait3A_1076 = tpu.memref_squeeze %dma_wait3A_1075 : memref<1x64xf32, #tpu.memory_space<hbm>> -> memref<64xf32, #tpu.memory_space<hbm>>
      %dma_wait3A_1077 = arith.constant 0 : i32
      %dma_wait3A_1078 = tpu.memref_slice %arg16[%dma_wait3A_1070, %dma_wait3A_1077] : memref<16x128xf32, #tpu.memory_space<vmem>> -> memref<1x64xf32, #tpu.memory_space<vmem>>
      %dma_wait3A_1079 = tpu.memref_squeeze %dma_wait3A_1078 : memref<1x64xf32, #tpu.memory_space<vmem>> -> memref<64xf32, #tpu.memory_space<vmem>>
      %dma_wait3A_1080 = arith.constant 0 : i32
      %dma_wait3A_1081 = tpu.memref_slice %arg6[%squeeze3A_404, %dma_wait3A_1080] : memref<1000000x64xf32, #tpu.memory_space<hbm>> -> memref<1x64xf32, #tpu.memory_space<hbm>>
      %dma_wait3A_1082 = tpu.memref_squeeze %dma_wait3A_1081 : memref<1x64xf32, #tpu.memory_space<hbm>> -> memref<64xf32, #tpu.memory_space<hbm>>
      tpu.wait_dma2 semaphore(%arg21 : memref<!tpu.dma_semaphore, #tpu.memory_space<semaphore_mem>>) src(%dma_wait3A_1082 : memref<64xf32, #tpu.memory_space<hbm>>) dst(%dma_wait3A_1079 : memref<64xf32, #tpu.memory_space<vmem>>)
      %dma_wait3A_1083 = arith.constant 9 : i32
      %dma_wait3A_1084 = arith.constant 0 : i32
      %dma_wait3A_1085 = tpu.memref_slice %arg14[%dma_wait3A_1083, %dma_wait3A_1084] : memref<16x128xf32, #tpu.memory_space<vmem>> -> memref<1x64xf32, #tpu.memory_space<vmem>>
      %dma_wait3A_1086 = tpu.memref_squeeze %dma_wait3A_1085 : memref<1x64xf32, #tpu.memory_space<vmem>> -> memref<64xf32, #tpu.memory_space<vmem>>
      %dma_wait3A_1087 = arith.constant 0 : i32
      %dma_wait3A_1088 = tpu.memref_slice %arg5[%squeeze3A_419, %dma_wait3A_1087] : memref<1000000x64xf32, #tpu.memory_space<hbm>> -> memref<1x64xf32, #tpu.memory_space<hbm>>
      %dma_wait3A_1089 = tpu.memref_squeeze %dma_wait3A_1088 : memref<1x64xf32, #tpu.memory_space<hbm>> -> memref<64xf32, #tpu.memory_space<hbm>>
      %dma_wait3A_1090 = arith.constant 0 : i32
      %dma_wait3A_1091 = tpu.memref_slice %arg14[%dma_wait3A_1083, %dma_wait3A_1090] : memref<16x128xf32, #tpu.memory_space<vmem>> -> memref<1x64xf32, #tpu.memory_space<vmem>>
      %dma_wait3A_1092 = tpu.memref_squeeze %dma_wait3A_1091 : memref<1x64xf32, #tpu.memory_space<vmem>> -> memref<64xf32, #tpu.memory_space<vmem>>
      %dma_wait3A_1093 = arith.constant 0 : i32
      %dma_wait3A_1094 = tpu.memref_slice %arg5[%squeeze3A_419, %dma_wait3A_1093] : memref<1000000x64xf32, #tpu.memory_space<hbm>> -> memref<1x64xf32, #tpu.memory_space<hbm>>
      %dma_wait3A_1095 = tpu.memref_squeeze %dma_wait3A_1094 : memref<1x64xf32, #tpu.memory_space<hbm>> -> memref<64xf32, #tpu.memory_space<hbm>>
      tpu.wait_dma2 semaphore(%arg21 : memref<!tpu.dma_semaphore, #tpu.memory_space<semaphore_mem>>) src(%dma_wait3A_1095 : memref<64xf32, #tpu.memory_space<hbm>>) dst(%dma_wait3A_1092 : memref<64xf32, #tpu.memory_space<vmem>>)
      %dma_wait3A_1096 = arith.constant 9 : i32
      %dma_wait3A_1097 = arith.constant 0 : i32
      %dma_wait3A_1098 = tpu.memref_slice %arg15[%dma_wait3A_1096, %dma_wait3A_1097] : memref<16x128xf32, #tpu.memory_space<vmem>> -> memref<1x64xf32, #tpu.memory_space<vmem>>
      %dma_wait3A_1099 = tpu.memref_squeeze %dma_wait3A_1098 : memref<1x64xf32, #tpu.memory_space<vmem>> -> memref<64xf32, #tpu.memory_space<vmem>>
      %dma_wait3A_1100 = arith.constant 0 : i32
      %dma_wait3A_1101 = tpu.memref_slice %arg6[%squeeze3A_434, %dma_wait3A_1100] : memref<1000000x64xf32, #tpu.memory_space<hbm>> -> memref<1x64xf32, #tpu.memory_space<hbm>>
      %dma_wait3A_1102 = tpu.memref_squeeze %dma_wait3A_1101 : memref<1x64xf32, #tpu.memory_space<hbm>> -> memref<64xf32, #tpu.memory_space<hbm>>
      %dma_wait3A_1103 = arith.constant 0 : i32
      %dma_wait3A_1104 = tpu.memref_slice %arg15[%dma_wait3A_1096, %dma_wait3A_1103] : memref<16x128xf32, #tpu.memory_space<vmem>> -> memref<1x64xf32, #tpu.memory_space<vmem>>
      %dma_wait3A_1105 = tpu.memref_squeeze %dma_wait3A_1104 : memref<1x64xf32, #tpu.memory_space<vmem>> -> memref<64xf32, #tpu.memory_space<vmem>>
      %dma_wait3A_1106 = arith.constant 0 : i32
      %dma_wait3A_1107 = tpu.memref_slice %arg6[%squeeze3A_434, %dma_wait3A_1106] : memref<1000000x64xf32, #tpu.memory_space<hbm>> -> memref<1x64xf32, #tpu.memory_space<hbm>>
      %dma_wait3A_1108 = tpu.memref_squeeze %dma_wait3A_1107 : memref<1x64xf32, #tpu.memory_space<hbm>> -> memref<64xf32, #tpu.memory_space<hbm>>
      tpu.wait_dma2 semaphore(%arg21 : memref<!tpu.dma_semaphore, #tpu.memory_space<semaphore_mem>>) src(%dma_wait3A_1108 : memref<64xf32, #tpu.memory_space<hbm>>) dst(%dma_wait3A_1105 : memref<64xf32, #tpu.memory_space<vmem>>)
      %dma_wait3A_1109 = arith.constant 9 : i32
      %dma_wait3A_1110 = arith.constant 0 : i32
      %dma_wait3A_1111 = tpu.memref_slice %arg16[%dma_wait3A_1109, %dma_wait3A_1110] : memref<16x128xf32, #tpu.memory_space<vmem>> -> memref<1x64xf32, #tpu.memory_space<vmem>>
      %dma_wait3A_1112 = tpu.memref_squeeze %dma_wait3A_1111 : memref<1x64xf32, #tpu.memory_space<vmem>> -> memref<64xf32, #tpu.memory_space<vmem>>
      %dma_wait3A_1113 = arith.constant 0 : i32
      %dma_wait3A_1114 = tpu.memref_slice %arg6[%squeeze3A_449, %dma_wait3A_1113] : memref<1000000x64xf32, #tpu.memory_space<hbm>> -> memref<1x64xf32, #tpu.memory_space<hbm>>
      %dma_wait3A_1115 = tpu.memref_squeeze %dma_wait3A_1114 : memref<1x64xf32, #tpu.memory_space<hbm>> -> memref<64xf32, #tpu.memory_space<hbm>>
      %dma_wait3A_1116 = arith.constant 0 : i32
      %dma_wait3A_1117 = tpu.memref_slice %arg16[%dma_wait3A_1109, %dma_wait3A_1116] : memref<16x128xf32, #tpu.memory_space<vmem>> -> memref<1x64xf32, #tpu.memory_space<vmem>>
      %dma_wait3A_1118 = tpu.memref_squeeze %dma_wait3A_1117 : memref<1x64xf32, #tpu.memory_space<vmem>> -> memref<64xf32, #tpu.memory_space<vmem>>
      %dma_wait3A_1119 = arith.constant 0 : i32
      %dma_wait3A_1120 = tpu.memref_slice %arg6[%squeeze3A_449, %dma_wait3A_1119] : memref<1000000x64xf32, #tpu.memory_space<hbm>> -> memref<1x64xf32, #tpu.memory_space<hbm>>
      %dma_wait3A_1121 = tpu.memref_squeeze %dma_wait3A_1120 : memref<1x64xf32, #tpu.memory_space<hbm>> -> memref<64xf32, #tpu.memory_space<hbm>>
      tpu.wait_dma2 semaphore(%arg21 : memref<!tpu.dma_semaphore, #tpu.memory_space<semaphore_mem>>) src(%dma_wait3A_1121 : memref<64xf32, #tpu.memory_space<hbm>>) dst(%dma_wait3A_1118 : memref<64xf32, #tpu.memory_space<vmem>>)
      %dma_wait3A_1122 = arith.constant 10 : i32
      %dma_wait3A_1123 = arith.constant 0 : i32
      %dma_wait3A_1124 = tpu.memref_slice %arg14[%dma_wait3A_1122, %dma_wait3A_1123] : memref<16x128xf32, #tpu.memory_space<vmem>> -> memref<1x64xf32, #tpu.memory_space<vmem>>
      %dma_wait3A_1125 = tpu.memref_squeeze %dma_wait3A_1124 : memref<1x64xf32, #tpu.memory_space<vmem>> -> memref<64xf32, #tpu.memory_space<vmem>>
      %dma_wait3A_1126 = arith.constant 0 : i32
      %dma_wait3A_1127 = tpu.memref_slice %arg5[%squeeze3A_464, %dma_wait3A_1126] : memref<1000000x64xf32, #tpu.memory_space<hbm>> -> memref<1x64xf32, #tpu.memory_space<hbm>>
      %dma_wait3A_1128 = tpu.memref_squeeze %dma_wait3A_1127 : memref<1x64xf32, #tpu.memory_space<hbm>> -> memref<64xf32, #tpu.memory_space<hbm>>
      %dma_wait3A_1129 = arith.constant 0 : i32
      %dma_wait3A_1130 = tpu.memref_slice %arg14[%dma_wait3A_1122, %dma_wait3A_1129] : memref<16x128xf32, #tpu.memory_space<vmem>> -> memref<1x64xf32, #tpu.memory_space<vmem>>
      %dma_wait3A_1131 = tpu.memref_squeeze %dma_wait3A_1130 : memref<1x64xf32, #tpu.memory_space<vmem>> -> memref<64xf32, #tpu.memory_space<vmem>>
      %dma_wait3A_1132 = arith.constant 0 : i32
      %dma_wait3A_1133 = tpu.memref_slice %arg5[%squeeze3A_464, %dma_wait3A_1132] : memref<1000000x64xf32, #tpu.memory_space<hbm>> -> memref<1x64xf32, #tpu.memory_space<hbm>>
      %dma_wait3A_1134 = tpu.memref_squeeze %dma_wait3A_1133 : memref<1x64xf32, #tpu.memory_space<hbm>> -> memref<64xf32, #tpu.memory_space<hbm>>
      tpu.wait_dma2 semaphore(%arg21 : memref<!tpu.dma_semaphore, #tpu.memory_space<semaphore_mem>>) src(%dma_wait3A_1134 : memref<64xf32, #tpu.memory_space<hbm>>) dst(%dma_wait3A_1131 : memref<64xf32, #tpu.memory_space<vmem>>)
      %dma_wait3A_1135 = arith.constant 10 : i32
      %dma_wait3A_1136 = arith.constant 0 : i32
      %dma_wait3A_1137 = tpu.memref_slice %arg15[%dma_wait3A_1135, %dma_wait3A_1136] : memref<16x128xf32, #tpu.memory_space<vmem>> -> memref<1x64xf32, #tpu.memory_space<vmem>>
      %dma_wait3A_1138 = tpu.memref_squeeze %dma_wait3A_1137 : memref<1x64xf32, #tpu.memory_space<vmem>> -> memref<64xf32, #tpu.memory_space<vmem>>
      %dma_wait3A_1139 = arith.constant 0 : i32
      %dma_wait3A_1140 = tpu.memref_slice %arg6[%squeeze3A_479, %dma_wait3A_1139] : memref<1000000x64xf32, #tpu.memory_space<hbm>> -> memref<1x64xf32, #tpu.memory_space<hbm>>
      %dma_wait3A_1141 = tpu.memref_squeeze %dma_wait3A_1140 : memref<1x64xf32, #tpu.memory_space<hbm>> -> memref<64xf32, #tpu.memory_space<hbm>>
      %dma_wait3A_1142 = arith.constant 0 : i32
      %dma_wait3A_1143 = tpu.memref_slice %arg15[%dma_wait3A_1135, %dma_wait3A_1142] : memref<16x128xf32, #tpu.memory_space<vmem>> -> memref<1x64xf32, #tpu.memory_space<vmem>>
      %dma_wait3A_1144 = tpu.memref_squeeze %dma_wait3A_1143 : memref<1x64xf32, #tpu.memory_space<vmem>> -> memref<64xf32, #tpu.memory_space<vmem>>
      %dma_wait3A_1145 = arith.constant 0 : i32
      %dma_wait3A_1146 = tpu.memref_slice %arg6[%squeeze3A_479, %dma_wait3A_1145] : memref<1000000x64xf32, #tpu.memory_space<hbm>> -> memref<1x64xf32, #tpu.memory_space<hbm>>
      %dma_wait3A_1147 = tpu.memref_squeeze %dma_wait3A_1146 : memref<1x64xf32, #tpu.memory_space<hbm>> -> memref<64xf32, #tpu.memory_space<hbm>>
      tpu.wait_dma2 semaphore(%arg21 : memref<!tpu.dma_semaphore, #tpu.memory_space<semaphore_mem>>) src(%dma_wait3A_1147 : memref<64xf32, #tpu.memory_space<hbm>>) dst(%dma_wait3A_1144 : memref<64xf32, #tpu.memory_space<vmem>>)
      %dma_wait3A_1148 = arith.constant 10 : i32
      %dma_wait3A_1149 = arith.constant 0 : i32
      %dma_wait3A_1150 = tpu.memref_slice %arg16[%dma_wait3A_1148, %dma_wait3A_1149] : memref<16x128xf32, #tpu.memory_space<vmem>> -> memref<1x64xf32, #tpu.memory_space<vmem>>
      %dma_wait3A_1151 = tpu.memref_squeeze %dma_wait3A_1150 : memref<1x64xf32, #tpu.memory_space<vmem>> -> memref<64xf32, #tpu.memory_space<vmem>>
      %dma_wait3A_1152 = arith.constant 0 : i32
      %dma_wait3A_1153 = tpu.memref_slice %arg6[%squeeze3A_494, %dma_wait3A_1152] : memref<1000000x64xf32, #tpu.memory_space<hbm>> -> memref<1x64xf32, #tpu.memory_space<hbm>>
      %dma_wait3A_1154 = tpu.memref_squeeze %dma_wait3A_1153 : memref<1x64xf32, #tpu.memory_space<hbm>> -> memref<64xf32, #tpu.memory_space<hbm>>
      %dma_wait3A_1155 = arith.constant 0 : i32
      %dma_wait3A_1156 = tpu.memref_slice %arg16[%dma_wait3A_1148, %dma_wait3A_1155] : memref<16x128xf32, #tpu.memory_space<vmem>> -> memref<1x64xf32, #tpu.memory_space<vmem>>
      %dma_wait3A_1157 = tpu.memref_squeeze %dma_wait3A_1156 : memref<1x64xf32, #tpu.memory_space<vmem>> -> memref<64xf32, #tpu.memory_space<vmem>>
      %dma_wait3A_1158 = arith.constant 0 : i32
      %dma_wait3A_1159 = tpu.memref_slice %arg6[%squeeze3A_494, %dma_wait3A_1158] : memref<1000000x64xf32, #tpu.memory_space<hbm>> -> memref<1x64xf32, #tpu.memory_space<hbm>>
      %dma_wait3A_1160 = tpu.memref_squeeze %dma_wait3A_1159 : memref<1x64xf32, #tpu.memory_space<hbm>> -> memref<64xf32, #tpu.memory_space<hbm>>
      tpu.wait_dma2 semaphore(%arg21 : memref<!tpu.dma_semaphore, #tpu.memory_space<semaphore_mem>>) src(%dma_wait3A_1160 : memref<64xf32, #tpu.memory_space<hbm>>) dst(%dma_wait3A_1157 : memref<64xf32, #tpu.memory_space<vmem>>)
      %dma_wait3A_1161 = arith.constant 11 : i32
      %dma_wait3A_1162 = arith.constant 0 : i32
      %dma_wait3A_1163 = tpu.memref_slice %arg14[%dma_wait3A_1161, %dma_wait3A_1162] : memref<16x128xf32, #tpu.memory_space<vmem>> -> memref<1x64xf32, #tpu.memory_space<vmem>>
      %dma_wait3A_1164 = tpu.memref_squeeze %dma_wait3A_1163 : memref<1x64xf32, #tpu.memory_space<vmem>> -> memref<64xf32, #tpu.memory_space<vmem>>
      %dma_wait3A_1165 = arith.constant 0 : i32
      %dma_wait3A_1166 = tpu.memref_slice %arg5[%squeeze3A_509, %dma_wait3A_1165] : memref<1000000x64xf32, #tpu.memory_space<hbm>> -> memref<1x64xf32, #tpu.memory_space<hbm>>
      %dma_wait3A_1167 = tpu.memref_squeeze %dma_wait3A_1166 : memref<1x64xf32, #tpu.memory_space<hbm>> -> memref<64xf32, #tpu.memory_space<hbm>>
      %dma_wait3A_1168 = arith.constant 0 : i32
      %dma_wait3A_1169 = tpu.memref_slice %arg14[%dma_wait3A_1161, %dma_wait3A_1168] : memref<16x128xf32, #tpu.memory_space<vmem>> -> memref<1x64xf32, #tpu.memory_space<vmem>>
      %dma_wait3A_1170 = tpu.memref_squeeze %dma_wait3A_1169 : memref<1x64xf32, #tpu.memory_space<vmem>> -> memref<64xf32, #tpu.memory_space<vmem>>
      %dma_wait3A_1171 = arith.constant 0 : i32
      %dma_wait3A_1172 = tpu.memref_slice %arg5[%squeeze3A_509, %dma_wait3A_1171] : memref<1000000x64xf32, #tpu.memory_space<hbm>> -> memref<1x64xf32, #tpu.memory_space<hbm>>
      %dma_wait3A_1173 = tpu.memref_squeeze %dma_wait3A_1172 : memref<1x64xf32, #tpu.memory_space<hbm>> -> memref<64xf32, #tpu.memory_space<hbm>>
      tpu.wait_dma2 semaphore(%arg21 : memref<!tpu.dma_semaphore, #tpu.memory_space<semaphore_mem>>) src(%dma_wait3A_1173 : memref<64xf32, #tpu.memory_space<hbm>>) dst(%dma_wait3A_1170 : memref<64xf32, #tpu.memory_space<vmem>>)
      %dma_wait3A_1174 = arith.constant 11 : i32
      %dma_wait3A_1175 = arith.constant 0 : i32
      %dma_wait3A_1176 = tpu.memref_slice %arg15[%dma_wait3A_1174, %dma_wait3A_1175] : memref<16x128xf32, #tpu.memory_space<vmem>> -> memref<1x64xf32, #tpu.memory_space<vmem>>
      %dma_wait3A_1177 = tpu.memref_squeeze %dma_wait3A_1176 : memref<1x64xf32, #tpu.memory_space<vmem>> -> memref<64xf32, #tpu.memory_space<vmem>>
      %dma_wait3A_1178 = arith.constant 0 : i32
      %dma_wait3A_1179 = tpu.memref_slice %arg6[%squeeze3A_524, %dma_wait3A_1178] : memref<1000000x64xf32, #tpu.memory_space<hbm>> -> memref<1x64xf32, #tpu.memory_space<hbm>>
      %dma_wait3A_1180 = tpu.memref_squeeze %dma_wait3A_1179 : memref<1x64xf32, #tpu.memory_space<hbm>> -> memref<64xf32, #tpu.memory_space<hbm>>
      %dma_wait3A_1181 = arith.constant 0 : i32
      %dma_wait3A_1182 = tpu.memref_slice %arg15[%dma_wait3A_1174, %dma_wait3A_1181] : memref<16x128xf32, #tpu.memory_space<vmem>> -> memref<1x64xf32, #tpu.memory_space<vmem>>
      %dma_wait3A_1183 = tpu.memref_squeeze %dma_wait3A_1182 : memref<1x64xf32, #tpu.memory_space<vmem>> -> memref<64xf32, #tpu.memory_space<vmem>>
      %dma_wait3A_1184 = arith.constant 0 : i32
      %dma_wait3A_1185 = tpu.memref_slice %arg6[%squeeze3A_524, %dma_wait3A_1184] : memref<1000000x64xf32, #tpu.memory_space<hbm>> -> memref<1x64xf32, #tpu.memory_space<hbm>>
      %dma_wait3A_1186 = tpu.memref_squeeze %dma_wait3A_1185 : memref<1x64xf32, #tpu.memory_space<hbm>> -> memref<64xf32, #tpu.memory_space<hbm>>
      tpu.wait_dma2 semaphore(%arg21 : memref<!tpu.dma_semaphore, #tpu.memory_space<semaphore_mem>>) src(%dma_wait3A_1186 : memref<64xf32, #tpu.memory_space<hbm>>) dst(%dma_wait3A_1183 : memref<64xf32, #tpu.memory_space<vmem>>)
      %dma_wait3A_1187 = arith.constant 11 : i32
      %dma_wait3A_1188 = arith.constant 0 : i32
      %dma_wait3A_1189 = tpu.memref_slice %arg16[%dma_wait3A_1187, %dma_wait3A_1188] : memref<16x128xf32, #tpu.memory_space<vmem>> -> memref<1x64xf32, #tpu.memory_space<vmem>>
      %dma_wait3A_1190 = tpu.memref_squeeze %dma_wait3A_1189 : memref<1x64xf32, #tpu.memory_space<vmem>> -> memref<64xf32, #tpu.memory_space<vmem>>
      %dma_wait3A_1191 = arith.constant 0 : i32
      %dma_wait3A_1192 = tpu.memref_slice %arg6[%squeeze3A_539, %dma_wait3A_1191] : memref<1000000x64xf32, #tpu.memory_space<hbm>> -> memref<1x64xf32, #tpu.memory_space<hbm>>
      %dma_wait3A_1193 = tpu.memref_squeeze %dma_wait3A_1192 : memref<1x64xf32, #tpu.memory_space<hbm>> -> memref<64xf32, #tpu.memory_space<hbm>>
      %dma_wait3A_1194 = arith.constant 0 : i32
      %dma_wait3A_1195 = tpu.memref_slice %arg16[%dma_wait3A_1187, %dma_wait3A_1194] : memref<16x128xf32, #tpu.memory_space<vmem>> -> memref<1x64xf32, #tpu.memory_space<vmem>>
      %dma_wait3A_1196 = tpu.memref_squeeze %dma_wait3A_1195 : memref<1x64xf32, #tpu.memory_space<vmem>> -> memref<64xf32, #tpu.memory_space<vmem>>
      %dma_wait3A_1197 = arith.constant 0 : i32
      %dma_wait3A_1198 = tpu.memref_slice %arg6[%squeeze3A_539, %dma_wait3A_1197] : memref<1000000x64xf32, #tpu.memory_space<hbm>> -> memref<1x64xf32, #tpu.memory_space<hbm>>
      %dma_wait3A_1199 = tpu.memref_squeeze %dma_wait3A_1198 : memref<1x64xf32, #tpu.memory_space<hbm>> -> memref<64xf32, #tpu.memory_space<hbm>>
      tpu.wait_dma2 semaphore(%arg21 : memref<!tpu.dma_semaphore, #tpu.memory_space<semaphore_mem>>) src(%dma_wait3A_1199 : memref<64xf32, #tpu.memory_space<hbm>>) dst(%dma_wait3A_1196 : memref<64xf32, #tpu.memory_space<vmem>>)
      %dma_wait3A_1200 = arith.constant 12 : i32
      %dma_wait3A_1201 = arith.constant 0 : i32
      %dma_wait3A_1202 = tpu.memref_slice %arg14[%dma_wait3A_1200, %dma_wait3A_1201] : memref<16x128xf32, #tpu.memory_space<vmem>> -> memref<1x64xf32, #tpu.memory_space<vmem>>
      %dma_wait3A_1203 = tpu.memref_squeeze %dma_wait3A_1202 : memref<1x64xf32, #tpu.memory_space<vmem>> -> memref<64xf32, #tpu.memory_space<vmem>>
      %dma_wait3A_1204 = arith.constant 0 : i32
      %dma_wait3A_1205 = tpu.memref_slice %arg5[%squeeze3A_554, %dma_wait3A_1204] : memref<1000000x64xf32, #tpu.memory_space<hbm>> -> memref<1x64xf32, #tpu.memory_space<hbm>>
      %dma_wait3A_1206 = tpu.memref_squeeze %dma_wait3A_1205 : memref<1x64xf32, #tpu.memory_space<hbm>> -> memref<64xf32, #tpu.memory_space<hbm>>
      %dma_wait3A_1207 = arith.constant 0 : i32
      %dma_wait3A_1208 = tpu.memref_slice %arg14[%dma_wait3A_1200, %dma_wait3A_1207] : memref<16x128xf32, #tpu.memory_space<vmem>> -> memref<1x64xf32, #tpu.memory_space<vmem>>
      %dma_wait3A_1209 = tpu.memref_squeeze %dma_wait3A_1208 : memref<1x64xf32, #tpu.memory_space<vmem>> -> memref<64xf32, #tpu.memory_space<vmem>>
      %dma_wait3A_1210 = arith.constant 0 : i32
      %dma_wait3A_1211 = tpu.memref_slice %arg5[%squeeze3A_554, %dma_wait3A_1210] : memref<1000000x64xf32, #tpu.memory_space<hbm>> -> memref<1x64xf32, #tpu.memory_space<hbm>>
      %dma_wait3A_1212 = tpu.memref_squeeze %dma_wait3A_1211 : memref<1x64xf32, #tpu.memory_space<hbm>> -> memref<64xf32, #tpu.memory_space<hbm>>
      tpu.wait_dma2 semaphore(%arg21 : memref<!tpu.dma_semaphore, #tpu.memory_space<semaphore_mem>>) src(%dma_wait3A_1212 : memref<64xf32, #tpu.memory_space<hbm>>) dst(%dma_wait3A_1209 : memref<64xf32, #tpu.memory_space<vmem>>)
      %dma_wait3A_1213 = arith.constant 12 : i32
      %dma_wait3A_1214 = arith.constant 0 : i32
      %dma_wait3A_1215 = tpu.memref_slice %arg15[%dma_wait3A_1213, %dma_wait3A_1214] : memref<16x128xf32, #tpu.memory_space<vmem>> -> memref<1x64xf32, #tpu.memory_space<vmem>>
      %dma_wait3A_1216 = tpu.memref_squeeze %dma_wait3A_1215 : memref<1x64xf32, #tpu.memory_space<vmem>> -> memref<64xf32, #tpu.memory_space<vmem>>
      %dma_wait3A_1217 = arith.constant 0 : i32
      %dma_wait3A_1218 = tpu.memref_slice %arg6[%squeeze3A_569, %dma_wait3A_1217] : memref<1000000x64xf32, #tpu.memory_space<hbm>> -> memref<1x64xf32, #tpu.memory_space<hbm>>
      %dma_wait3A_1219 = tpu.memref_squeeze %dma_wait3A_1218 : memref<1x64xf32, #tpu.memory_space<hbm>> -> memref<64xf32, #tpu.memory_space<hbm>>
      %dma_wait3A_1220 = arith.constant 0 : i32
      %dma_wait3A_1221 = tpu.memref_slice %arg15[%dma_wait3A_1213, %dma_wait3A_1220] : memref<16x128xf32, #tpu.memory_space<vmem>> -> memref<1x64xf32, #tpu.memory_space<vmem>>
      %dma_wait3A_1222 = tpu.memref_squeeze %dma_wait3A_1221 : memref<1x64xf32, #tpu.memory_space<vmem>> -> memref<64xf32, #tpu.memory_space<vmem>>
      %dma_wait3A_1223 = arith.constant 0 : i32
      %dma_wait3A_1224 = tpu.memref_slice %arg6[%squeeze3A_569, %dma_wait3A_1223] : memref<1000000x64xf32, #tpu.memory_space<hbm>> -> memref<1x64xf32, #tpu.memory_space<hbm>>
      %dma_wait3A_1225 = tpu.memref_squeeze %dma_wait3A_1224 : memref<1x64xf32, #tpu.memory_space<hbm>> -> memref<64xf32, #tpu.memory_space<hbm>>
      tpu.wait_dma2 semaphore(%arg21 : memref<!tpu.dma_semaphore, #tpu.memory_space<semaphore_mem>>) src(%dma_wait3A_1225 : memref<64xf32, #tpu.memory_space<hbm>>) dst(%dma_wait3A_1222 : memref<64xf32, #tpu.memory_space<vmem>>)
      %dma_wait3A_1226 = arith.constant 12 : i32
      %dma_wait3A_1227 = arith.constant 0 : i32
      %dma_wait3A_1228 = tpu.memref_slice %arg16[%dma_wait3A_1226, %dma_wait3A_1227] : memref<16x128xf32, #tpu.memory_space<vmem>> -> memref<1x64xf32, #tpu.memory_space<vmem>>
      %dma_wait3A_1229 = tpu.memref_squeeze %dma_wait3A_1228 : memref<1x64xf32, #tpu.memory_space<vmem>> -> memref<64xf32, #tpu.memory_space<vmem>>
      %dma_wait3A_1230 = arith.constant 0 : i32
      %dma_wait3A_1231 = tpu.memref_slice %arg6[%squeeze3A_584, %dma_wait3A_1230] : memref<1000000x64xf32, #tpu.memory_space<hbm>> -> memref<1x64xf32, #tpu.memory_space<hbm>>
      %dma_wait3A_1232 = tpu.memref_squeeze %dma_wait3A_1231 : memref<1x64xf32, #tpu.memory_space<hbm>> -> memref<64xf32, #tpu.memory_space<hbm>>
      %dma_wait3A_1233 = arith.constant 0 : i32
      %dma_wait3A_1234 = tpu.memref_slice %arg16[%dma_wait3A_1226, %dma_wait3A_1233] : memref<16x128xf32, #tpu.memory_space<vmem>> -> memref<1x64xf32, #tpu.memory_space<vmem>>
      %dma_wait3A_1235 = tpu.memref_squeeze %dma_wait3A_1234 : memref<1x64xf32, #tpu.memory_space<vmem>> -> memref<64xf32, #tpu.memory_space<vmem>>
      %dma_wait3A_1236 = arith.constant 0 : i32
      %dma_wait3A_1237 = tpu.memref_slice %arg6[%squeeze3A_584, %dma_wait3A_1236] : memref<1000000x64xf32, #tpu.memory_space<hbm>> -> memref<1x64xf32, #tpu.memory_space<hbm>>
      %dma_wait3A_1238 = tpu.memref_squeeze %dma_wait3A_1237 : memref<1x64xf32, #tpu.memory_space<hbm>> -> memref<64xf32, #tpu.memory_space<hbm>>
      tpu.wait_dma2 semaphore(%arg21 : memref<!tpu.dma_semaphore, #tpu.memory_space<semaphore_mem>>) src(%dma_wait3A_1238 : memref<64xf32, #tpu.memory_space<hbm>>) dst(%dma_wait3A_1235 : memref<64xf32, #tpu.memory_space<vmem>>)
      %dma_wait3A_1239 = arith.constant 13 : i32
      %dma_wait3A_1240 = arith.constant 0 : i32
      %dma_wait3A_1241 = tpu.memref_slice %arg14[%dma_wait3A_1239, %dma_wait3A_1240] : memref<16x128xf32, #tpu.memory_space<vmem>> -> memref<1x64xf32, #tpu.memory_space<vmem>>
      %dma_wait3A_1242 = tpu.memref_squeeze %dma_wait3A_1241 : memref<1x64xf32, #tpu.memory_space<vmem>> -> memref<64xf32, #tpu.memory_space<vmem>>
      %dma_wait3A_1243 = arith.constant 0 : i32
      %dma_wait3A_1244 = tpu.memref_slice %arg5[%squeeze3A_599, %dma_wait3A_1243] : memref<1000000x64xf32, #tpu.memory_space<hbm>> -> memref<1x64xf32, #tpu.memory_space<hbm>>
      %dma_wait3A_1245 = tpu.memref_squeeze %dma_wait3A_1244 : memref<1x64xf32, #tpu.memory_space<hbm>> -> memref<64xf32, #tpu.memory_space<hbm>>
      %dma_wait3A_1246 = arith.constant 0 : i32
      %dma_wait3A_1247 = tpu.memref_slice %arg14[%dma_wait3A_1239, %dma_wait3A_1246] : memref<16x128xf32, #tpu.memory_space<vmem>> -> memref<1x64xf32, #tpu.memory_space<vmem>>
      %dma_wait3A_1248 = tpu.memref_squeeze %dma_wait3A_1247 : memref<1x64xf32, #tpu.memory_space<vmem>> -> memref<64xf32, #tpu.memory_space<vmem>>
      %dma_wait3A_1249 = arith.constant 0 : i32
      %dma_wait3A_1250 = tpu.memref_slice %arg5[%squeeze3A_599, %dma_wait3A_1249] : memref<1000000x64xf32, #tpu.memory_space<hbm>> -> memref<1x64xf32, #tpu.memory_space<hbm>>
      %dma_wait3A_1251 = tpu.memref_squeeze %dma_wait3A_1250 : memref<1x64xf32, #tpu.memory_space<hbm>> -> memref<64xf32, #tpu.memory_space<hbm>>
      tpu.wait_dma2 semaphore(%arg21 : memref<!tpu.dma_semaphore, #tpu.memory_space<semaphore_mem>>) src(%dma_wait3A_1251 : memref<64xf32, #tpu.memory_space<hbm>>) dst(%dma_wait3A_1248 : memref<64xf32, #tpu.memory_space<vmem>>)
      %dma_wait3A_1252 = arith.constant 13 : i32
      %dma_wait3A_1253 = arith.constant 0 : i32
      %dma_wait3A_1254 = tpu.memref_slice %arg15[%dma_wait3A_1252, %dma_wait3A_1253] : memref<16x128xf32, #tpu.memory_space<vmem>> -> memref<1x64xf32, #tpu.memory_space<vmem>>
      %dma_wait3A_1255 = tpu.memref_squeeze %dma_wait3A_1254 : memref<1x64xf32, #tpu.memory_space<vmem>> -> memref<64xf32, #tpu.memory_space<vmem>>
      %dma_wait3A_1256 = arith.constant 0 : i32
      %dma_wait3A_1257 = tpu.memref_slice %arg6[%squeeze3A_614, %dma_wait3A_1256] : memref<1000000x64xf32, #tpu.memory_space<hbm>> -> memref<1x64xf32, #tpu.memory_space<hbm>>
      %dma_wait3A_1258 = tpu.memref_squeeze %dma_wait3A_1257 : memref<1x64xf32, #tpu.memory_space<hbm>> -> memref<64xf32, #tpu.memory_space<hbm>>
      %dma_wait3A_1259 = arith.constant 0 : i32
      %dma_wait3A_1260 = tpu.memref_slice %arg15[%dma_wait3A_1252, %dma_wait3A_1259] : memref<16x128xf32, #tpu.memory_space<vmem>> -> memref<1x64xf32, #tpu.memory_space<vmem>>
      %dma_wait3A_1261 = tpu.memref_squeeze %dma_wait3A_1260 : memref<1x64xf32, #tpu.memory_space<vmem>> -> memref<64xf32, #tpu.memory_space<vmem>>
      %dma_wait3A_1262 = arith.constant 0 : i32
      %dma_wait3A_1263 = tpu.memref_slice %arg6[%squeeze3A_614, %dma_wait3A_1262] : memref<1000000x64xf32, #tpu.memory_space<hbm>> -> memref<1x64xf32, #tpu.memory_space<hbm>>
      %dma_wait3A_1264 = tpu.memref_squeeze %dma_wait3A_1263 : memref<1x64xf32, #tpu.memory_space<hbm>> -> memref<64xf32, #tpu.memory_space<hbm>>
      tpu.wait_dma2 semaphore(%arg21 : memref<!tpu.dma_semaphore, #tpu.memory_space<semaphore_mem>>) src(%dma_wait3A_1264 : memref<64xf32, #tpu.memory_space<hbm>>) dst(%dma_wait3A_1261 : memref<64xf32, #tpu.memory_space<vmem>>)
      %dma_wait3A_1265 = arith.constant 13 : i32
      %dma_wait3A_1266 = arith.constant 0 : i32
      %dma_wait3A_1267 = tpu.memref_slice %arg16[%dma_wait3A_1265, %dma_wait3A_1266] : memref<16x128xf32, #tpu.memory_space<vmem>> -> memref<1x64xf32, #tpu.memory_space<vmem>>
      %dma_wait3A_1268 = tpu.memref_squeeze %dma_wait3A_1267 : memref<1x64xf32, #tpu.memory_space<vmem>> -> memref<64xf32, #tpu.memory_space<vmem>>
      %dma_wait3A_1269 = arith.constant 0 : i32
      %dma_wait3A_1270 = tpu.memref_slice %arg6[%squeeze3A_629, %dma_wait3A_1269] : memref<1000000x64xf32, #tpu.memory_space<hbm>> -> memref<1x64xf32, #tpu.memory_space<hbm>>
      %dma_wait3A_1271 = tpu.memref_squeeze %dma_wait3A_1270 : memref<1x64xf32, #tpu.memory_space<hbm>> -> memref<64xf32, #tpu.memory_space<hbm>>
      %dma_wait3A_1272 = arith.constant 0 : i32
      %dma_wait3A_1273 = tpu.memref_slice %arg16[%dma_wait3A_1265, %dma_wait3A_1272] : memref<16x128xf32, #tpu.memory_space<vmem>> -> memref<1x64xf32, #tpu.memory_space<vmem>>
      %dma_wait3A_1274 = tpu.memref_squeeze %dma_wait3A_1273 : memref<1x64xf32, #tpu.memory_space<vmem>> -> memref<64xf32, #tpu.memory_space<vmem>>
      %dma_wait3A_1275 = arith.constant 0 : i32
      %dma_wait3A_1276 = tpu.memref_slice %arg6[%squeeze3A_629, %dma_wait3A_1275] : memref<1000000x64xf32, #tpu.memory_space<hbm>> -> memref<1x64xf32, #tpu.memory_space<hbm>>
      %dma_wait3A_1277 = tpu.memref_squeeze %dma_wait3A_1276 : memref<1x64xf32, #tpu.memory_space<hbm>> -> memref<64xf32, #tpu.memory_space<hbm>>
      tpu.wait_dma2 semaphore(%arg21 : memref<!tpu.dma_semaphore, #tpu.memory_space<semaphore_mem>>) src(%dma_wait3A_1277 : memref<64xf32, #tpu.memory_space<hbm>>) dst(%dma_wait3A_1274 : memref<64xf32, #tpu.memory_space<vmem>>)
      %dma_wait3A_1278 = arith.constant 14 : i32
      %dma_wait3A_1279 = arith.constant 0 : i32
      %dma_wait3A_1280 = tpu.memref_slice %arg14[%dma_wait3A_1278, %dma_wait3A_1279] : memref<16x128xf32, #tpu.memory_space<vmem>> -> memref<1x64xf32, #tpu.memory_space<vmem>>
      %dma_wait3A_1281 = tpu.memref_squeeze %dma_wait3A_1280 : memref<1x64xf32, #tpu.memory_space<vmem>> -> memref<64xf32, #tpu.memory_space<vmem>>
      %dma_wait3A_1282 = arith.constant 0 : i32
      %dma_wait3A_1283 = tpu.memref_slice %arg5[%squeeze3A_644, %dma_wait3A_1282] : memref<1000000x64xf32, #tpu.memory_space<hbm>> -> memref<1x64xf32, #tpu.memory_space<hbm>>
      %dma_wait3A_1284 = tpu.memref_squeeze %dma_wait3A_1283 : memref<1x64xf32, #tpu.memory_space<hbm>> -> memref<64xf32, #tpu.memory_space<hbm>>
      %dma_wait3A_1285 = arith.constant 0 : i32
      %dma_wait3A_1286 = tpu.memref_slice %arg14[%dma_wait3A_1278, %dma_wait3A_1285] : memref<16x128xf32, #tpu.memory_space<vmem>> -> memref<1x64xf32, #tpu.memory_space<vmem>>
      %dma_wait3A_1287 = tpu.memref_squeeze %dma_wait3A_1286 : memref<1x64xf32, #tpu.memory_space<vmem>> -> memref<64xf32, #tpu.memory_space<vmem>>
      %dma_wait3A_1288 = arith.constant 0 : i32
      %dma_wait3A_1289 = tpu.memref_slice %arg5[%squeeze3A_644, %dma_wait3A_1288] : memref<1000000x64xf32, #tpu.memory_space<hbm>> -> memref<1x64xf32, #tpu.memory_space<hbm>>
      %dma_wait3A_1290 = tpu.memref_squeeze %dma_wait3A_1289 : memref<1x64xf32, #tpu.memory_space<hbm>> -> memref<64xf32, #tpu.memory_space<hbm>>
      tpu.wait_dma2 semaphore(%arg21 : memref<!tpu.dma_semaphore, #tpu.memory_space<semaphore_mem>>) src(%dma_wait3A_1290 : memref<64xf32, #tpu.memory_space<hbm>>) dst(%dma_wait3A_1287 : memref<64xf32, #tpu.memory_space<vmem>>)
      %dma_wait3A_1291 = arith.constant 14 : i32
      %dma_wait3A_1292 = arith.constant 0 : i32
      %dma_wait3A_1293 = tpu.memref_slice %arg15[%dma_wait3A_1291, %dma_wait3A_1292] : memref<16x128xf32, #tpu.memory_space<vmem>> -> memref<1x64xf32, #tpu.memory_space<vmem>>
      %dma_wait3A_1294 = tpu.memref_squeeze %dma_wait3A_1293 : memref<1x64xf32, #tpu.memory_space<vmem>> -> memref<64xf32, #tpu.memory_space<vmem>>
      %dma_wait3A_1295 = arith.constant 0 : i32
      %dma_wait3A_1296 = tpu.memref_slice %arg6[%squeeze3A_659, %dma_wait3A_1295] : memref<1000000x64xf32, #tpu.memory_space<hbm>> -> memref<1x64xf32, #tpu.memory_space<hbm>>
      %dma_wait3A_1297 = tpu.memref_squeeze %dma_wait3A_1296 : memref<1x64xf32, #tpu.memory_space<hbm>> -> memref<64xf32, #tpu.memory_space<hbm>>
      %dma_wait3A_1298 = arith.constant 0 : i32
      %dma_wait3A_1299 = tpu.memref_slice %arg15[%dma_wait3A_1291, %dma_wait3A_1298] : memref<16x128xf32, #tpu.memory_space<vmem>> -> memref<1x64xf32, #tpu.memory_space<vmem>>
      %dma_wait3A_1300 = tpu.memref_squeeze %dma_wait3A_1299 : memref<1x64xf32, #tpu.memory_space<vmem>> -> memref<64xf32, #tpu.memory_space<vmem>>
      %dma_wait3A_1301 = arith.constant 0 : i32
      %dma_wait3A_1302 = tpu.memref_slice %arg6[%squeeze3A_659, %dma_wait3A_1301] : memref<1000000x64xf32, #tpu.memory_space<hbm>> -> memref<1x64xf32, #tpu.memory_space<hbm>>
      %dma_wait3A_1303 = tpu.memref_squeeze %dma_wait3A_1302 : memref<1x64xf32, #tpu.memory_space<hbm>> -> memref<64xf32, #tpu.memory_space<hbm>>
      tpu.wait_dma2 semaphore(%arg21 : memref<!tpu.dma_semaphore, #tpu.memory_space<semaphore_mem>>) src(%dma_wait3A_1303 : memref<64xf32, #tpu.memory_space<hbm>>) dst(%dma_wait3A_1300 : memref<64xf32, #tpu.memory_space<vmem>>)
      %dma_wait3A_1304 = arith.constant 14 : i32
      %dma_wait3A_1305 = arith.constant 0 : i32
      %dma_wait3A_1306 = tpu.memref_slice %arg16[%dma_wait3A_1304, %dma_wait3A_1305] : memref<16x128xf32, #tpu.memory_space<vmem>> -> memref<1x64xf32, #tpu.memory_space<vmem>>
      %dma_wait3A_1307 = tpu.memref_squeeze %dma_wait3A_1306 : memref<1x64xf32, #tpu.memory_space<vmem>> -> memref<64xf32, #tpu.memory_space<vmem>>
      %dma_wait3A_1308 = arith.constant 0 : i32
      %dma_wait3A_1309 = tpu.memref_slice %arg6[%squeeze3A_674, %dma_wait3A_1308] : memref<1000000x64xf32, #tpu.memory_space<hbm>> -> memref<1x64xf32, #tpu.memory_space<hbm>>
      %dma_wait3A_1310 = tpu.memref_squeeze %dma_wait3A_1309 : memref<1x64xf32, #tpu.memory_space<hbm>> -> memref<64xf32, #tpu.memory_space<hbm>>
      %dma_wait3A_1311 = arith.constant 0 : i32
      %dma_wait3A_1312 = tpu.memref_slice %arg16[%dma_wait3A_1304, %dma_wait3A_1311] : memref<16x128xf32, #tpu.memory_space<vmem>> -> memref<1x64xf32, #tpu.memory_space<vmem>>
      %dma_wait3A_1313 = tpu.memref_squeeze %dma_wait3A_1312 : memref<1x64xf32, #tpu.memory_space<vmem>> -> memref<64xf32, #tpu.memory_space<vmem>>
      %dma_wait3A_1314 = arith.constant 0 : i32
      %dma_wait3A_1315 = tpu.memref_slice %arg6[%squeeze3A_674, %dma_wait3A_1314] : memref<1000000x64xf32, #tpu.memory_space<hbm>> -> memref<1x64xf32, #tpu.memory_space<hbm>>
      %dma_wait3A_1316 = tpu.memref_squeeze %dma_wait3A_1315 : memref<1x64xf32, #tpu.memory_space<hbm>> -> memref<64xf32, #tpu.memory_space<hbm>>
      tpu.wait_dma2 semaphore(%arg21 : memref<!tpu.dma_semaphore, #tpu.memory_space<semaphore_mem>>) src(%dma_wait3A_1316 : memref<64xf32, #tpu.memory_space<hbm>>) dst(%dma_wait3A_1313 : memref<64xf32, #tpu.memory_space<vmem>>)
      %dma_wait3A_1317 = arith.constant 15 : i32
      %dma_wait3A_1318 = arith.constant 0 : i32
      %dma_wait3A_1319 = tpu.memref_slice %arg14[%dma_wait3A_1317, %dma_wait3A_1318] : memref<16x128xf32, #tpu.memory_space<vmem>> -> memref<1x64xf32, #tpu.memory_space<vmem>>
      %dma_wait3A_1320 = tpu.memref_squeeze %dma_wait3A_1319 : memref<1x64xf32, #tpu.memory_space<vmem>> -> memref<64xf32, #tpu.memory_space<vmem>>
      %dma_wait3A_1321 = arith.constant 0 : i32
      %dma_wait3A_1322 = tpu.memref_slice %arg5[%squeeze3A_689, %dma_wait3A_1321] : memref<1000000x64xf32, #tpu.memory_space<hbm>> -> memref<1x64xf32, #tpu.memory_space<hbm>>
      %dma_wait3A_1323 = tpu.memref_squeeze %dma_wait3A_1322 : memref<1x64xf32, #tpu.memory_space<hbm>> -> memref<64xf32, #tpu.memory_space<hbm>>
      %dma_wait3A_1324 = arith.constant 0 : i32
      %dma_wait3A_1325 = tpu.memref_slice %arg14[%dma_wait3A_1317, %dma_wait3A_1324] : memref<16x128xf32, #tpu.memory_space<vmem>> -> memref<1x64xf32, #tpu.memory_space<vmem>>
      %dma_wait3A_1326 = tpu.memref_squeeze %dma_wait3A_1325 : memref<1x64xf32, #tpu.memory_space<vmem>> -> memref<64xf32, #tpu.memory_space<vmem>>
      %dma_wait3A_1327 = arith.constant 0 : i32
      %dma_wait3A_1328 = tpu.memref_slice %arg5[%squeeze3A_689, %dma_wait3A_1327] : memref<1000000x64xf32, #tpu.memory_space<hbm>> -> memref<1x64xf32, #tpu.memory_space<hbm>>
      %dma_wait3A_1329 = tpu.memref_squeeze %dma_wait3A_1328 : memref<1x64xf32, #tpu.memory_space<hbm>> -> memref<64xf32, #tpu.memory_space<hbm>>
      tpu.wait_dma2 semaphore(%arg21 : memref<!tpu.dma_semaphore, #tpu.memory_space<semaphore_mem>>) src(%dma_wait3A_1329 : memref<64xf32, #tpu.memory_space<hbm>>) dst(%dma_wait3A_1326 : memref<64xf32, #tpu.memory_space<vmem>>)
      %dma_wait3A_1330 = arith.constant 15 : i32
      %dma_wait3A_1331 = arith.constant 0 : i32
      %dma_wait3A_1332 = tpu.memref_slice %arg15[%dma_wait3A_1330, %dma_wait3A_1331] : memref<16x128xf32, #tpu.memory_space<vmem>> -> memref<1x64xf32, #tpu.memory_space<vmem>>
      %dma_wait3A_1333 = tpu.memref_squeeze %dma_wait3A_1332 : memref<1x64xf32, #tpu.memory_space<vmem>> -> memref<64xf32, #tpu.memory_space<vmem>>
      %dma_wait3A_1334 = arith.constant 0 : i32
      %dma_wait3A_1335 = tpu.memref_slice %arg6[%squeeze3A_704, %dma_wait3A_1334] : memref<1000000x64xf32, #tpu.memory_space<hbm>> -> memref<1x64xf32, #tpu.memory_space<hbm>>
      %dma_wait3A_1336 = tpu.memref_squeeze %dma_wait3A_1335 : memref<1x64xf32, #tpu.memory_space<hbm>> -> memref<64xf32, #tpu.memory_space<hbm>>
      %dma_wait3A_1337 = arith.constant 0 : i32
      %dma_wait3A_1338 = tpu.memref_slice %arg15[%dma_wait3A_1330, %dma_wait3A_1337] : memref<16x128xf32, #tpu.memory_space<vmem>> -> memref<1x64xf32, #tpu.memory_space<vmem>>
      %dma_wait3A_1339 = tpu.memref_squeeze %dma_wait3A_1338 : memref<1x64xf32, #tpu.memory_space<vmem>> -> memref<64xf32, #tpu.memory_space<vmem>>
      %dma_wait3A_1340 = arith.constant 0 : i32
      %dma_wait3A_1341 = tpu.memref_slice %arg6[%squeeze3A_704, %dma_wait3A_1340] : memref<1000000x64xf32, #tpu.memory_space<hbm>> -> memref<1x64xf32, #tpu.memory_space<hbm>>
      %dma_wait3A_1342 = tpu.memref_squeeze %dma_wait3A_1341 : memref<1x64xf32, #tpu.memory_space<hbm>> -> memref<64xf32, #tpu.memory_space<hbm>>
      tpu.wait_dma2 semaphore(%arg21 : memref<!tpu.dma_semaphore, #tpu.memory_space<semaphore_mem>>) src(%dma_wait3A_1342 : memref<64xf32, #tpu.memory_space<hbm>>) dst(%dma_wait3A_1339 : memref<64xf32, #tpu.memory_space<vmem>>)
      %dma_wait3A_1343 = arith.constant 15 : i32
      %dma_wait3A_1344 = arith.constant 0 : i32
      %dma_wait3A_1345 = tpu.memref_slice %arg16[%dma_wait3A_1343, %dma_wait3A_1344] : memref<16x128xf32, #tpu.memory_space<vmem>> -> memref<1x64xf32, #tpu.memory_space<vmem>>
      %dma_wait3A_1346 = tpu.memref_squeeze %dma_wait3A_1345 : memref<1x64xf32, #tpu.memory_space<vmem>> -> memref<64xf32, #tpu.memory_space<vmem>>
      %dma_wait3A_1347 = arith.constant 0 : i32
      %dma_wait3A_1348 = tpu.memref_slice %arg6[%squeeze3A_719, %dma_wait3A_1347] : memref<1000000x64xf32, #tpu.memory_space<hbm>> -> memref<1x64xf32, #tpu.memory_space<hbm>>
      %dma_wait3A_1349 = tpu.memref_squeeze %dma_wait3A_1348 : memref<1x64xf32, #tpu.memory_space<hbm>> -> memref<64xf32, #tpu.memory_space<hbm>>
      %dma_wait3A_1350 = arith.constant 0 : i32
      %dma_wait3A_1351 = tpu.memref_slice %arg16[%dma_wait3A_1343, %dma_wait3A_1350] : memref<16x128xf32, #tpu.memory_space<vmem>> -> memref<1x64xf32, #tpu.memory_space<vmem>>
      %dma_wait3A_1352 = tpu.memref_squeeze %dma_wait3A_1351 : memref<1x64xf32, #tpu.memory_space<vmem>> -> memref<64xf32, #tpu.memory_space<vmem>>
      %dma_wait3A_1353 = arith.constant 0 : i32
      %dma_wait3A_1354 = tpu.memref_slice %arg6[%squeeze3A_719, %dma_wait3A_1353] : memref<1000000x64xf32, #tpu.memory_space<hbm>> -> memref<1x64xf32, #tpu.memory_space<hbm>>
      %dma_wait3A_1355 = tpu.memref_squeeze %dma_wait3A_1354 : memref<1x64xf32, #tpu.memory_space<hbm>> -> memref<64xf32, #tpu.memory_space<hbm>>
      tpu.wait_dma2 semaphore(%arg21 : memref<!tpu.dma_semaphore, #tpu.memory_space<semaphore_mem>>) src(%dma_wait3A_1355 : memref<64xf32, #tpu.memory_space<hbm>>) dst(%dma_wait3A_1352 : memref<64xf32, #tpu.memory_space<vmem>>)
      %broadcast_in_dim3A = arith.constant 0.000000e+00 : f32
      %broadcast_in_dim3A_1356 = vector.broadcast %broadcast_in_dim3A : f32 to vector<16xf32>
      %scan3A_1357 = arith.constant 0 : i32
      %scan3A_1358 = arith.constant 64 : i32
      %scan3A_1359 = arith.addi %scan3A_1357, %scan3A_1358 : i32
      %scan3A_1360 = arith.constant 1 : i32
      %scan3A_1361:5 = scf.for %scan3A_1370 = %scan3A_1357 to %scan3A_1359 step %scan3A_1360 iter_args(%scan3A_1371 = %broadcast_in_dim3A_1356, %scan3A_1372 = %broadcast_in_dim3A_1356, %scan3A_1373 = %broadcast_in_dim3A_1356, %scan3A_1374 = %broadcast_in_dim3A_1356, %scan3A_1375 = %broadcast_in_dim3A_1356) -> (vector<16xf32>, vector<16xf32>, vector<16xf32>, vector<16xf32>, vector<16xf32>)  : i32 {
        %broadcast_in_dim3A_1376 = vector.broadcast %scan3A_1370 : i32 to vector<16xi32>
        %gather3A = tpu.vector_load_idx %arg14[%iota3A, %broadcast_in_dim3A_1376] : memref<16x128xf32, #tpu.memory_space<vmem>>[vector<16xi32>, vector<16xi32>], vector<16xf32>,
        %gather3A_1377 = tpu.vector_load_idx %arg15[%iota3A, %broadcast_in_dim3A_1376] : memref<16x128xf32, #tpu.memory_space<vmem>>[vector<16xi32>, vector<16xi32>], vector<16xf32>,
        %gather3A_1378 = tpu.vector_load_idx %arg16[%iota3A, %broadcast_in_dim3A_1376] : memref<16x128xf32, #tpu.memory_space<vmem>>[vector<16xi32>, vector<16xi32>], vector<16xf32>,
        %mul3A_1379 = arith.mulf %gather3A, %gather3A_1377 : vector<16xf32>
        %add3A_1380 = arith.addf %scan3A_1371, %mul3A_1379 : vector<16xf32>
        %mul3A_1381 = arith.mulf %gather3A, %gather3A_1378 : vector<16xf32>
        %add3A_1382 = arith.addf %scan3A_1372, %mul3A_1381 : vector<16xf32>
        %mul3A_1383 = arith.mulf %gather3A, %gather3A : vector<16xf32>
        %add3A_1384 = arith.addf %scan3A_1373, %mul3A_1383 : vector<16xf32>
        %mul3A_1385 = arith.mulf %gather3A_1377, %gather3A_1377 : vector<16xf32>
        %add3A_1386 = arith.addf %scan3A_1374, %mul3A_1385 : vector<16xf32>
        %mul3A_1387 = arith.mulf %gather3A_1378, %gather3A_1378 : vector<16xf32>
        %add3A_1388 = arith.addf %scan3A_1375, %mul3A_1387 : vector<16xf32>
        scf.yield %add3A_1380, %add3A_1382, %add3A_1384, %add3A_1386, %add3A_1388 : vector<16xf32>, vector<16xf32>, vector<16xf32>, vector<16xf32>, vector<16xf32>
      }
      %scan3A_1362 = arith.constant 64 : i32
      %sub3A = arith.subf %scan3A_1361#0, %scan3A_1361#1 : vector<16xf32>
      %swap3A = arith.index_cast %mul3A_10 : i32 to index
      %swap3A_1363 = tpu.vector_load %arg17[%swap3A] {strides = array<i32>} : memref<512xf32, #tpu.memory_space<vmem>>, vector<16xf32>,
      tpu.vector_store %arg17[%swap3A], %sub3A {strides = array<i32>} : memref<512xf32, #tpu.memory_space<vmem>>, vector<16xf32>,
      %swap3A_1364 = arith.index_cast %mul3A_10 : i32 to index
      %swap3A_1365 = tpu.vector_load %arg18[%swap3A_1364] {strides = array<i32>} : memref<512xf32, #tpu.memory_space<vmem>>, vector<16xf32>,
      tpu.vector_store %arg18[%swap3A_1364], %scan3A_1361#2 {strides = array<i32>} : memref<512xf32, #tpu.memory_space<vmem>>, vector<16xf32>,
      %swap3A_1366 = arith.index_cast %mul3A_10 : i32 to index
      %swap3A_1367 = tpu.vector_load %arg19[%swap3A_1366] {strides = array<i32>} : memref<512xf32, #tpu.memory_space<vmem>>, vector<16xf32>,
      tpu.vector_store %arg19[%swap3A_1366], %scan3A_1361#3 {strides = array<i32>} : memref<512xf32, #tpu.memory_space<vmem>>, vector<16xf32>,
      %swap3A_1368 = arith.index_cast %mul3A_10 : i32 to index
      %swap3A_1369 = tpu.vector_load %arg20[%swap3A_1368] {strides = array<i32>} : memref<512xf32, #tpu.memory_space<vmem>>, vector<16xf32>,
      tpu.vector_store %arg20[%swap3A_1368], %scan3A_1361#4 {strides = array<i32>} : memref<512xf32, #tpu.memory_space<vmem>>, vector<16xf32>,
    }
    %scan3A_7 = arith.constant 32 : i32
    "tpu.region"() ({
      %run_scoped3A = tpu.sem_alloc : memref<!tpu.dma_semaphore, #tpu.memory_space<semaphore_mem>>
      %dma_start3A = tpu.memref_slice %arg7[%mul3A_2] : memref<16384xf32, #tpu.memory_space<hbm>> -> memref<512xf32, #tpu.memory_space<hbm>>
      %dma_start3A_8 = tpu.memref_slice %arg7[%mul3A_2] : memref<16384xf32, #tpu.memory_space<hbm>> -> memref<512xf32, #tpu.memory_space<hbm>>
      tpu.enqueue_dma source(%arg17 : memref<512xf32, #tpu.memory_space<vmem>>) target(%dma_start3A_8 : memref<512xf32, #tpu.memory_space<hbm>>) target_semaphore(%run_scoped3A : memref<!tpu.dma_semaphore, #tpu.memory_space<semaphore_mem>>)
      %dma_wait3A = tpu.memref_slice %arg7[%mul3A_2] : memref<16384xf32, #tpu.memory_space<hbm>> -> memref<512xf32, #tpu.memory_space<hbm>>
      %dma_wait3A_9 = tpu.memref_slice %arg7[%mul3A_2] : memref<16384xf32, #tpu.memory_space<hbm>> -> memref<512xf32, #tpu.memory_space<hbm>>
      tpu.wait_dma2 semaphore(%run_scoped3A : memref<!tpu.dma_semaphore, #tpu.memory_space<semaphore_mem>>) src(%arg17 : memref<512xf32, #tpu.memory_space<vmem>>) dst(%dma_wait3A_9 : memref<512xf32, #tpu.memory_space<hbm>>)
      tpu.yield
    }) : () -> ()
    "tpu.region"() ({
      %run_scoped3A = tpu.sem_alloc : memref<!tpu.dma_semaphore, #tpu.memory_space<semaphore_mem>>
      %dma_start3A = tpu.memref_slice %arg8[%mul3A_2] : memref<16384xf32, #tpu.memory_space<hbm>> -> memref<512xf32, #tpu.memory_space<hbm>>
      %dma_start3A_8 = tpu.memref_slice %arg8[%mul3A_2] : memref<16384xf32, #tpu.memory_space<hbm>> -> memref<512xf32, #tpu.memory_space<hbm>>
      tpu.enqueue_dma source(%arg18 : memref<512xf32, #tpu.memory_space<vmem>>) target(%dma_start3A_8 : memref<512xf32, #tpu.memory_space<hbm>>) target_semaphore(%run_scoped3A : memref<!tpu.dma_semaphore, #tpu.memory_space<semaphore_mem>>)
      %dma_wait3A = tpu.memref_slice %arg8[%mul3A_2] : memref<16384xf32, #tpu.memory_space<hbm>> -> memref<512xf32, #tpu.memory_space<hbm>>
      %dma_wait3A_9 = tpu.memref_slice %arg8[%mul3A_2] : memref<16384xf32, #tpu.memory_space<hbm>> -> memref<512xf32, #tpu.memory_space<hbm>>
      tpu.wait_dma2 semaphore(%run_scoped3A : memref<!tpu.dma_semaphore, #tpu.memory_space<semaphore_mem>>) src(%arg18 : memref<512xf32, #tpu.memory_space<vmem>>) dst(%dma_wait3A_9 : memref<512xf32, #tpu.memory_space<hbm>>)
      tpu.yield
    }) : () -> ()
    "tpu.region"() ({
      %run_scoped3A = tpu.sem_alloc : memref<!tpu.dma_semaphore, #tpu.memory_space<semaphore_mem>>
      %dma_start3A = tpu.memref_slice %arg9[%mul3A_2] : memref<16384xf32, #tpu.memory_space<hbm>> -> memref<512xf32, #tpu.memory_space<hbm>>
      %dma_start3A_8 = tpu.memref_slice %arg9[%mul3A_2] : memref<16384xf32, #tpu.memory_space<hbm>> -> memref<512xf32, #tpu.memory_space<hbm>>
      tpu.enqueue_dma source(%arg19 : memref<512xf32, #tpu.memory_space<vmem>>) target(%dma_start3A_8 : memref<512xf32, #tpu.memory_space<hbm>>) target_semaphore(%run_scoped3A : memref<!tpu.dma_semaphore, #tpu.memory_space<semaphore_mem>>)
      %dma_wait3A = tpu.memref_slice %arg9[%mul3A_2] : memref<16384xf32, #tpu.memory_space<hbm>> -> memref<512xf32, #tpu.memory_space<hbm>>
      %dma_wait3A_9 = tpu.memref_slice %arg9[%mul3A_2] : memref<16384xf32, #tpu.memory_space<hbm>> -> memref<512xf32, #tpu.memory_space<hbm>>
      tpu.wait_dma2 semaphore(%run_scoped3A : memref<!tpu.dma_semaphore, #tpu.memory_space<semaphore_mem>>) src(%arg19 : memref<512xf32, #tpu.memory_space<vmem>>) dst(%dma_wait3A_9 : memref<512xf32, #tpu.memory_space<hbm>>)
      tpu.yield
    }) : () -> ()
    "tpu.region"() ({
      %run_scoped3A = tpu.sem_alloc : memref<!tpu.dma_semaphore, #tpu.memory_space<semaphore_mem>>
      %dma_start3A = tpu.memref_slice %arg10[%mul3A_2] : memref<16384xf32, #tpu.memory_space<hbm>> -> memref<512xf32, #tpu.memory_space<hbm>>
      %dma_start3A_8 = tpu.memref_slice %arg10[%mul3A_2] : memref<16384xf32, #tpu.memory_space<hbm>> -> memref<512xf32, #tpu.memory_space<hbm>>
      tpu.enqueue_dma source(%arg20 : memref<512xf32, #tpu.memory_space<vmem>>) target(%dma_start3A_8 : memref<512xf32, #tpu.memory_space<hbm>>) target_semaphore(%run_scoped3A : memref<!tpu.dma_semaphore, #tpu.memory_space<semaphore_mem>>)
      %dma_wait3A = tpu.memref_slice %arg10[%mul3A_2] : memref<16384xf32, #tpu.memory_space<hbm>> -> memref<512xf32, #tpu.memory_space<hbm>>
      %dma_wait3A_9 = tpu.memref_slice %arg10[%mul3A_2] : memref<16384xf32, #tpu.memory_space<hbm>> -> memref<512xf32, #tpu.memory_space<hbm>>
      tpu.wait_dma2 semaphore(%run_scoped3A : memref<!tpu.dma_semaphore, #tpu.memory_space<semaphore_mem>>) src(%arg20 : memref<512xf32, #tpu.memory_space<vmem>>) dst(%dma_wait3A_9 : memref<512xf32, #tpu.memory_space<hbm>>)
      tpu.yield
    }) : () -> ()
    return
  }
}

module attributes {stable_mosaic.version = 14 : i64} {
  func.func @_tc_body(%arg0: memref<128x128xf32, #tpu.memory_space<vmem>>, %arg1: memref<128x128xf32, #tpu.memory_space<vmem>>, %arg2: memref<128x128xf32, #tpu.memory_space<vmem>>, %arg3: memref<128x128xf32, #tpu.memory_space<vmem>>, %arg4: memref<1x1xf32, #tpu.memory_space<smem>>, %arg5: memref<1x1xf32, #tpu.memory_space<smem>>) attributes {dimension_semantics = [], scalar_prefetch = 0 : i64, scratch_operands = 0 : i64, tpu.core_type = #tpu.core_type<tc>} {
    %get3A = arith.constant 0 : index
    %get3A_0 = arith.constant 0 : index
    %get3A_1 = vector.load %arg0[%get3A, %get3A_0] : memref<128x128xf32, #tpu.memory_space<vmem>>, vector<128x128xf32>
    %neg3A = arith.constant 0.000000e+00 : f32
    %neg3A_2 = vector.broadcast %neg3A : f32 to vector<128x128xf32>
    %neg3A_3 = arith.subf %neg3A_2, %get3A_1 : vector<128x128xf32>
    %max3A = arith.constant 0.000000e+00 : f32
    %max3A_4 = vector.broadcast %max3A : f32 to vector<128x128xf32>
    %max3A_5 = arith.maximumf %neg3A_3, %max3A_4 : vector<128x128xf32>
    %abs3A = math.absf %get3A_1 : vector<128x128xf32>
    %neg3A_6 = arith.constant 0.000000e+00 : f32
    %neg3A_7 = vector.broadcast %neg3A_6 : f32 to vector<128x128xf32>
    %neg3A_8 = arith.subf %neg3A_7, %abs3A : vector<128x128xf32>
    %exp3A = math.exp %neg3A_8 : vector<128x128xf32>
    %log1p3A = math.log1p %exp3A : vector<128x128xf32>
    %add3A = arith.addf %max3A_5, %log1p3A : vector<128x128xf32>
    %reduce_sum3A = vector.shape_cast %add3A : vector<128x128xf32> to vector<1x128x128xf32>
    %reduce_sum3A_9 = arith.constant dense<0.000000e+00> : vector<1xf32>
    %reduce_sum3A_10 = vector.multi_reduction <add>, %reduce_sum3A, %reduce_sum3A_9 [1, 2] : vector<1x128x128xf32> to vector<1xf32>
    %reduce_sum3A_11 = vector.shape_cast %reduce_sum3A_10 : vector<1xf32> to vector<1x1x1xf32>
    %reduce_sum3A_12 = vector.extract %reduce_sum3A_11[0, 0, 0] : f32 from vector<1x1x1xf32>
    %swap3A = arith.constant 0 : index
    %swap3A_13 = arith.constant 0 : index
    %swap3A_14 = memref.load %arg4[%swap3A, %swap3A_13] : memref<1x1xf32, #tpu.memory_space<smem>>
    memref.store %reduce_sum3A_12, %arg4[%swap3A, %swap3A_13] : memref<1x1xf32, #tpu.memory_space<smem>>
    %get3A_15 = arith.constant 0 : index
    %get3A_16 = arith.constant 0 : index
    %get3A_17 = vector.load %arg1[%get3A_15, %get3A_16] : memref<128x128xf32, #tpu.memory_space<vmem>>, vector<128x128xf32>
    %sqrt3A = math.sqrt %get3A_17 : vector<128x128xf32>
    %reduce_sum3A_18 = vector.shape_cast %sqrt3A : vector<128x128xf32> to vector<1x128x128xf32>
    %reduce_sum3A_19 = arith.constant dense<0.000000e+00> : vector<1xf32>
    %reduce_sum3A_20 = vector.multi_reduction <add>, %reduce_sum3A_18, %reduce_sum3A_19 [1, 2] : vector<1x128x128xf32> to vector<1xf32>
    %reduce_sum3A_21 = vector.shape_cast %reduce_sum3A_20 : vector<1xf32> to vector<1x1x1xf32>
    %reduce_sum3A_22 = vector.extract %reduce_sum3A_21[0, 0, 0] : f32 from vector<1x1x1xf32>
    %get3A_23 = arith.constant 0 : index
    %get3A_24 = arith.constant 0 : index
    %get3A_25 = vector.load %arg2[%get3A_23, %get3A_24] : memref<128x128xf32, #tpu.memory_space<vmem>>, vector<128x128xf32>
    %sqrt3A_26 = math.sqrt %get3A_25 : vector<128x128xf32>
    %reduce_sum3A_27 = vector.shape_cast %sqrt3A_26 : vector<128x128xf32> to vector<1x128x128xf32>
    %reduce_sum3A_28 = arith.constant dense<0.000000e+00> : vector<1xf32>
    %reduce_sum3A_29 = vector.multi_reduction <add>, %reduce_sum3A_27, %reduce_sum3A_28 [1, 2] : vector<1x128x128xf32> to vector<1xf32>
    %reduce_sum3A_30 = vector.shape_cast %reduce_sum3A_29 : vector<1xf32> to vector<1x1x1xf32>
    %reduce_sum3A_31 = vector.extract %reduce_sum3A_30[0, 0, 0] : f32 from vector<1x1x1xf32>
    %add3A_32 = arith.addf %reduce_sum3A_22, %reduce_sum3A_31 : f32
    %get3A_33 = arith.constant 0 : index
    %get3A_34 = arith.constant 0 : index
    %get3A_35 = vector.load %arg3[%get3A_33, %get3A_34] : memref<128x128xf32, #tpu.memory_space<vmem>>, vector<128x128xf32>
    %sqrt3A_36 = math.sqrt %get3A_35 : vector<128x128xf32>
    %reduce_sum3A_37 = vector.shape_cast %sqrt3A_36 : vector<128x128xf32> to vector<1x128x128xf32>
    %reduce_sum3A_38 = arith.constant dense<0.000000e+00> : vector<1xf32>
    %reduce_sum3A_39 = vector.multi_reduction <add>, %reduce_sum3A_37, %reduce_sum3A_38 [1, 2] : vector<1x128x128xf32> to vector<1xf32>
    %reduce_sum3A_40 = vector.shape_cast %reduce_sum3A_39 : vector<1xf32> to vector<1x1x1xf32>
    %reduce_sum3A_41 = vector.extract %reduce_sum3A_40[0, 0, 0] : f32 from vector<1x1x1xf32>
    %add3A_42 = arith.addf %add3A_32, %reduce_sum3A_41 : f32
    %mul3A = arith.constant 1.000000e-03 : f32
    %mul3A_43 = arith.mulf %add3A_42, %mul3A : f32
    %swap3A_44 = arith.constant 0 : index
    %swap3A_45 = arith.constant 0 : index
    %swap3A_46 = memref.load %arg5[%swap3A_44, %swap3A_45] : memref<1x1xf32, #tpu.memory_space<smem>>
    memref.store %mul3A_43, %arg5[%swap3A_44, %swap3A_45] : memref<1x1xf32, #tpu.memory_space<smem>>
    return
  }
}

</mosaic_0001>

<sc_bundles>
// kernel: kernel.4.cloned.1.call-start
scs
__scs_entry_jumppad:
0x0: {  	(pc) =	sbr.rel $0x88, $3  }
0x1: {  	(tag) =	ssettag $0x0;
	lr =	simm.s32 $0x1  }
0x2: {  	[smem:$0x3F9C] =	sst lr;
	_ =	strace $0xD0000000  }
0x3: {  	_ = 	snop  }
0x4: {  	_ = 	snop  }
0x5: {  	_ = 	snop  }
0x6: {  	_ = 	snop  }
0x7: {  	_ = 	snop  }
__scs_overlays_trampoline_lowered:
0x8: {  	[smem:$0x3FAB] =	sst s0  }
0x9: {  	[smem:$0x3FAC] =	sst s1  }
0xa: {  	[smem:$0x3FAD] =	sst s2  }
0xb: {  	[smem:$0x3FAE] =	sst s3  }
0xc: {  	[smem:$0x3FAF] =	sst s4  }
0xd: {  	[smem:$0x3FB0] =	sst s5  }
0xe: {  	[smem:$0x3FB1] =	sst s6  }
0xf: {  	[smem:$0x3FB2] =	sst s7  }
0x10: {  	[smem:$0x3FB3] =	sst s8  }
0x11: {  	[smem:$0x3FB4] =	sst s9;
	s0 =	simm.s32 @!p0 $0x0  }
0x12: {  	s1 =	sld [smem:$0x3F9A];
	s0 =	simm.s32 @p0 $0x1  }
0x13: {  	[smem:$0x3FB5] =	sst s0;
	s0 =	simm.s32 @!p1 $0x0  }
0x14: {  	s2 =	sld [smem:$0x3F99];
	s0 =	simm.s32 @p1 $0x1  }
0x15: {  	[smem:$0x3FB6] =	sst s0;
	s0 =	simm.s32 @!p2 $0x0  }
0x16: {  	s3 =	sld [smem:$0x3FDB];
	s0 =	simm.s32 @p2 $0x1  }
0x17: {  	s4 =	simm.s32 $0x1BF5;
	[smem:$0x3FB8] =	sst s0  }
0x18: {  	s0 =	sld [smem:$0x3F9B];
	_ =	swait.ge [sflag:s4], $0x0  }
0x19: {  	s7 =	sld [smem:$0x3F9C]  }
0x1a: {  	s8 =	sadd.s32 $0xFFFFE003, lr  }
0x1b: {  	s9 =	sadd.s32 $0xFFFFFEF7, lr;
	s5 =	simm.s32 $0xFFFFFFFF;
	p2 =	slt.u32 s8, $0xFFFFF086  }
0x1c: {  	p1 =	slt.u32 s9, $0xF7A;
	s5 =	simm.s32 @!p2 $0x0  }
0x1d: {  	s5 =	simm.s32 @p1 $0x1;
	p0 =	seq.s32 s7, s2  }
0x1e: {  	s7 =	smul.u32 @!p0 $0xF7A, s2;
	p2 =	seq.s32 @!p0 s5, $0x0  }
0x1f: {  	s9 =	smul.u32 $0xF7A, s1;
	s8 =	simm.s32 @!p0 $0x1BF5;
	p2 =	por !p2, p0  }
0x20: {  	[sflag:s8] =	ssyncset.s32 @!p0 $0xFFFFF086;
	s6 =	sadd.s32 @!p0 s3, s7;
	s7 =	simm.s32 @!p0 $0x108  }
0x21: {  	s3 =	sadd.s32 s3, s9;
	s6 =	sadd.s32 @!p0 $0x88, s6;
	s7 =	simm.s32 @p2 $0x1082  }
0x22: {  	[simem:s7], [sflag:s8] =	dma.local @!p0 [hbm:s6], $0xF7A  }
0x23: {  	s9 =	sor.u32 $0xD0000000, s2;
	s6 =	simm.s32 $0x108;
	_ =	swait.ge @!p0 [sflag:s8], $0x0  }
0x24: {  	s3 =	sadd.s32 $0x88, s3;
	s6 =	simm.s32 @!p1 $0x1082;
	[sflag:s4] =	ssyncset.s32 $0xFFFFF086  }
0x25: {  	[simem:s6], [sflag:s4] =	dma.local [hbm:s3], $0xF7A  }
0x26: {  	[smem:$0x3F9C] =	sst s1;
	(tag) =	ssettag s2;
	_ =	strace s9  }
0x27: {  	s1 =	sld [smem:$0x3FAC]  }
0x28: {  	s2 =	sld [smem:$0x3FAD]  }
0x29: {  	s4 =	sld [smem:$0x3FAF]  }
0x2a: {  	p0 =	seq.s32 s5, $0x0;
	s5 =	sld [smem:$0x3FB0]  }
0x2b: {  	s6 =	sld [smem:$0x3FB1]  }
0x2c: {  	s7 =	sld [smem:$0x3FB2]  }
0x2d: {  	s3 =	simm.s32 $0x108;
	s8 =	sld [smem:$0x3FB3]  }
0x2e: {  	s3 =	simm.s32 @!p0 $0x1082;
	s9 =	sld [smem:$0x3FB4]  }
0x2f: {  	lr =	sadd.s32 s0, s3;
	s0 =	sld [smem:$0x3FAB]  }
0x30: {  	s3 =	sld [smem:$0x3FAE]  }
0x31: {  	[smem:$0x3FB7] =	sst s10  }
0x32: {  	s10 =	sld [smem:$0x3FB5];
	_ =	sdelay $0x3  }
0x33: {  	p0 =	seq.s32 s10, $0x1;
	s10 =	sld [smem:$0x3FB7];
	_ =	sdelay $0x3  }
0x34: {  	[smem:$0x3FB7] =	sst s10  }
0x35: {  	s10 =	sld [smem:$0x3FB6];
	_ =	sdelay $0x3  }
0x36: {  	p1 =	seq.s32 s10, $0x1;
	s10 =	sld [smem:$0x3FB7];
	_ =	sdelay $0x3  }
0x37: {  	[smem:$0x3FB7] =	sst s10  }
0x38: {  	s10 =	sld [smem:$0x3FB8]  }
0x39: {  	_ = 	snop;
	(pc) =	sbr.ind lr, $3  }
0x3a: {  	_ = 	snop  }
0x3b: {  	_ = 	snop  }
0x3c: {  	p2 =	seq.s32 s10, $0x1;
	s10 =	sld [smem:$0x3FB7]  }
0x3d: {  	_ =	shalt  }
0x3e: {  	_ =	shalt  }
0x3f: {  	_ =	shalt  }
0x40: {  	_ =	shalt  }
0x41: {  	_ =	shalt  }
0x42: {  	_ =	shalt  }
0x43: {  	_ =	shalt  }
0x44: {  	_ =	shalt  }
0x45: {  	_ =	shalt  }
0x46: {  	_ =	shalt  }
0x47: {  	_ =	shalt  }
0x48: {  	_ =	shalt  }
0x49: {  	_ =	shalt  }
0x4a: {  	_ =	shalt  }
0x4b: {  	_ =	shalt  }
0x4c: {  	_ =	shalt  }
0x4d: {  	_ =	shalt  }
0x4e: {  	_ =	shalt  }
0x4f: {  	_ =	shalt  }
0x50: {  	_ =	shalt  }
0x51: {  	_ =	shalt  }
0x52: {  	_ =	shalt  }
0x53: {  	_ =	shalt  }
0x54: {  	_ =	shalt  }
0x55: {  	_ =	shalt  }
0x56: {  	_ =	shalt  }
0x57: {  	_ =	shalt  }
0x58: {  	_ =	shalt  }
0x59: {  	_ =	shalt  }
0x5a: {  	_ =	shalt  }
0x5b: {  	_ =	shalt  }
0x5c: {  	_ =	shalt  }
0x5d: {  	_ =	shalt  }
0x5e: {  	_ =	shalt  }
0x5f: {  	_ =	shalt  }
0x60: {  	_ =	shalt  }
0x61: {  	_ =	shalt  }
0x62: {  	_ =	shalt  }
0x63: {  	_ =	shalt  }
0x64: {  	_ =	shalt  }
0x65: {  	_ =	shalt  }
0x66: {  	_ =	shalt  }
0x67: {  	_ =	shalt  }
0x68: {  	_ =	shalt  }
0x69: {  	_ =	shalt  }
0x6a: {  	_ =	shalt  }
0x6b: {  	_ =	shalt  }
0x6c: {  	_ =	shalt  }
0x6d: {  	_ =	shalt  }
0x6e: {  	_ =	shalt  }
0x6f: {  	_ =	shalt  }
0x70: {  	_ =	shalt  }
0x71: {  	_ =	shalt  }
0x72: {  	_ =	shalt  }
0x73: {  	_ =	shalt  }
0x74: {  	_ =	shalt  }
0x75: {  	_ =	shalt  }
0x76: {  	_ =	shalt  }
0x77: {  	_ =	shalt  }
0x78: {  	_ =	shalt  }
0x79: {  	_ =	shalt  }
0x7a: {  	_ =	shalt  }
0x7b: {  	_ =	shalt  }
0x7c: {  	_ =	shalt  }
0x7d: {  	_ =	shalt  }
0x7e: {  	_ =	shalt  }
0x7f: {  	_ =	shalt  }
0x80: {  	_ =	shalt  }
0x81: {  	_ =	shalt  }
0x82: {  	_ =	shalt  }
0x83: {  	_ =	shalt  }
0x84: {  	_ =	shalt  }
0x85: {  	_ =	shalt  }
0x86: {  	_ =	shalt  }
0x87: {  	_ =	shalt  }
.Lfunc_end0:
.L_simem_size_0:
called_computation_lowered:
.L_overlay_start_0:
0x88: {  	s2 =	sld [smem:$0x3FD9]  }
0x89: {  	s3 =	sld [smem:$0x3FFE];
	_ =	sdelay $0x1  }
0x8a: {  	s1 =	srdreg.scid  }
0x8b: {  	s0 =	sand.u32 $0x1, s1  }
0x8c: {  	s17 =	sshll.u32 s0, $0xA;
	s2 =	sadd.s32 s3, s2  }
0x8d: {  	s2 =	sadd.s32 s2, s17  }
0x8e: {  	[smem:$0x3FC3] =	sst s2  }
0x8f: {  	_ = 	snop  }
0x90: {  	s2 =	sld [smem:$0x3FC9]  }
0x91: {  	s18 =	sld [smem:$0x3FC8]  }
0x92: {  	s4 =	sld [smem:$0x3FC7];
	(tm) =	ssettm $0x1  }
0x93: {  	s5 =	sld [smem:$0x3FFB];
	_ =	sdelay $0x3  }
0x94: {  	_ =	strace s5  }
0x95: {  	s5 =	sld [smem:$0x3FFC];
	_ =	sdelay $0x3  }
0x96: {  	_ =	strace s5  }
0x97: {  	s5 =	sld [smem:$0x3FFD];
	_ =	sdelay $0x3  }
0x98: {  	_ =	strace s5  }
0x99: {  	_ =	strace $0x8FFFFFFF  }
0x9a: {  	s19 =	sld [smem:$0x3FDB];
	_ =	sdelay $0x1  }
0x9b: {  	s6 =	simm.s32 $_scs_section_size  }
0x9c: {  	s7 =	simm.s32 $_size__tile_overlayer_lowered;
	s8 =	simm.s32 $_tile_overlayer_lowered  }
0x9d: {  	s22 =	simm.s32 $0x1BFF;
	s21 =	sshll.u32 s8, $0x1;
	s5 =	sadd.s32 s6, s19  }
0x9e: {  	s9 =	simm.s32 $0x0;
	s20 =	sshll.u32 s7, $0x1;
	s7 =	sadd.s32 s21, s5  }
0x9f: {  	[timem:s9], [sflag:s22] =	dma.local [hbm:s7], s20  }
0xa0: {  	_ =	swait.ge [sflag:s22], s20  }
0xa1: {  	s6 =	ssub.s32 $0x0, s20;
	[sflag:s22] =	ssyncset.done $0x0  }
0xa2: {  	[sflag:s22] =	ssyncadd.s32 s6;
	_ =	sdelay $0x1  }
0xa3: {  	s23 =	simm.s32 $0x1B8B  }
0xa4: {  	_ =	swait.ge [sflag:s23], $0x1  }
0xa5: {  	[sflag:s23] =	ssyncset.done $0x0  }
0xa6: {  	s25 =	simm.s32 $0x1B8E;
	s24 =	sld [smem:$0x3FFE];
	[sflag:s23] =	ssyncadd.s32 $0xFFFFFFFF  }
0xa7: {  	s26 =	simm.s32 $execute0_lowered;
	[smem:$0x3FD2] =	sst s25  }
0xa8: {  	s7 =	sshll.u32 s26, $0x1;
	_ =	strace $0x80000046;
	[dreg:$0x1] =	wrdreg $0xFFFFFFFF  }
0xa9: {  	s28 =	simm.s32 $_size_execute0_lowered;
	s5 =	sadd.s32 s5, s7;
	[dreg:$0x0] =	wrdreg $0x0  }
0xaa: {  	s7 =	sshll.u32 s28, $0x1;
	[dreg:$0x2] =	wrdreg s5  }
0xab: {  	[dreg:$0x3] =	wrdreg s7  }
0xac: {  	[dreg:$0x4] =	wrdreg $0xC0  }
0xad: {  	_ =	task [dreg:s9], $0x5FFFF  }
0xae: {  	[dreg:$0x1] =	wrdreg $0xFFFFFFFF  }
0xaf: {  	[dreg:$0x0] =	wrdreg $0x60  }
0xb0: {  	[dreg:$0x2] =	wrdreg s2  }
0xb1: {  	[dreg:$0x3] =	wrdreg s18  }
0xb2: {  	[dreg:$0x4] =	wrdreg s4  }
0xb3: {  	[dreg:$0x5] =	wrdreg s24  }
0xb4: {  	[dreg:$0x6] =	wrdreg $0x9  }
0xb5: {  	_ =	task.clear_ibuf [dreg:s9], $0x7FFFF;
	_ =	strace $0x90000046  }
0xb6: {  	s29 =	simm.s32 $0x9;
	_ =	strace $0x80000048  }
0xb7: {  	_ =	swait.ge [sflag:s29], $0x1  }
0xb8: {  	[sflag:s29] =	ssyncadd.s32 $0xFFFFFFFF  }
0xb9: {  	_ =	strace $0x90000048  }
0xba: {  	_ =	sfence  }
0xbb: {  	s30 =	sld [smem:$0x0];
	_ =	sdelay $0x2  }
0xbc: {  	s31 =	sshll.u32 s1, $0xD;
	s1 =	sshrl.u32 s1, $0x2  }
0xbd: {  	s3 =	sand.u32 $0x4000, s31;
	s1 =	sadd.s32 s1, s30  }
0xbe: {  	s0 =	sor.u32 s3, s0;
	s1 =	sshll.u32 s1, $0x11  }
0xbf: {  	s0 =	sor.u32 s1, s0  }
0xc0: {  	s0 =	sadd.s32 $0x8F2B, s0  }
0xc1: {  	[sflag:s0] =	ssyncadd.remote.s32 $0x1  }
0xc2: {  	_ =	sfence.sel $0xFFFF  }
0xc3: {  	[dreg:$0x0] =	wrdreg $0xFFFFFFFF;
	(pc) =	sbr.abs _section_cstart, $3  }
0xc4: {  	[dreg:$0x1] =	wrdreg $0xFFFFFFFF  }
0xc5: {  	_ =	task.clear_ibuf [dreg:s9], $0x2FFFF;
	_ =	strace $0x9FFFFFFF  }
0xc6: {  	(tm) =	ssettm $0x7FFFFFFF  }
0xc7: {  	_ =	shalt  }
tec
execute0_lowered:
.L_overlay_start_1:
0x0: {  	(tag) =	ssettag $0x1  }
0x1: {  	s0 =	rddreg [dreg:$0x0]  }
0x2: {  	s1 =	rddreg [dreg:$0x1]  }
0x3: {  	s2 =	rddreg [dreg:$0x2]  }
0x4: {  	s5 =	rddreg [dreg:$0x3]  }
0x5: {  	s13 =	simm.s32 $0x0;
	s3 =	srdreg.scid;
	s4 =	stileid.u32  }
0x6: {  	s15 =	simm.s32 $0x400;
	s16 =	simm.s32 $0x80;
	s17 =	simm.s32 $0x600  }
0x7: {  	s18 =	simm.s32 $0xE00;
	s19 =	simm.s32 $0x1600;
	s28 =	simm.s32 $0x1380  }
0x8: {  	s29 =	simm.s32 $0x1B80;
	s30 =	simm.s32 $0xC00;
	s31 =	simm.s32 $0x1400  }
0x9: {  	s14 =	simm.s32 $0x1480;
	s9 =	simm.s32 $0xD80;
	s10 =	simm.s32 $0x1580  }
0xa: {  	s11 =	simm.s32 $0x1D80;
	s12 =	simm.s32 $0x1;
	[smem:$0x7FF] =	sst s13  }
0xb: {  	s3 =	sand.u32 $0x1, s3;
	s4 =	sshll.u32 s4, $0x7;
	_ =	strace $0x80000047  }
0xc: {  	s6 =	sshll.u32 s3, $0x6;
	s7 =	ssub.s32 $0x2, s3;
	s3 =	sadd.s32 $0x1200, s5  }
0xd: {  	s6 =	sor.u32 s6, s4;
	s8 =	sshrl.u32 s7, $0x1;
	s4 =	sadd.s32 $0xF43600, s5  }
0xe: {  	s5 =	sadd.s32 s6, s5;
	s7 =	ssub.s32 s7, s8;
	s0 =	sadd.s32 s0, s6  }
0xf: {  	s20 =	sadd.s32 s1, s6;
	s22 =	sadd.s32 s2, s6;
	[dreg:$0x5] =	wrdreg s0  }
0x10: {  	s1 =	simm.s32 $0xC80;
	s6 =	simm.s32 $0xD00;
	[dreg:$0x6] =	wrdreg s20  }
0x11: {  	s8 =	simm.s32 $0x1D00;
	s21 =	sadd.s32 $0x1E85A00, s5;
	[dreg:$0x8] =	wrdreg s22  }
0x12: {  	s23 =	sadd.s32 $0x1E86200, s5;
	s24 =	sadd.s32 $0x1E86A00, s5;
	[dreg:$0x7] =	wrdreg s21  }
0x13: {  	s25 =	sadd.s32 $0x1E87200, s5;
	s26 =	smax.u32 s7, $0x1;
	[dreg:$0x9] =	wrdreg s23  }
0x14: {  	s20 =	simm.s32 $0x2;
	s0 =	simm.s32 $0x1C00;
	[dreg:$0xa] =	wrdreg s24  }
0x15: {  	s5 =	simm.s32 $0x1C80;
	s7 =	simm.s32 $0x1500;
	[dreg:$0xb] =	wrdreg s25  }
0x16: {  	v0 =	vlaneseq.u32;
	[dreg:$0xc] =	wrdreg s26;
	s23 =	simm.s32 $0xB00;
	s24 =	simm.s32 $0x1300  }
0x17: {  	v0 =	vmul.u32 $0x80, v0;
	s25 =	simm.s32 $0x1B00;
	s26 =	simm.s32 $0xB80;
	s21 =	simm.s32 $0x0  }
.LBB2_1:
0x18: {  	[dreg:$0xd] =	wrdreg s21  }
0x19: {  	s2 =	rddreg [dreg:$0x5]  }
0x1a: {  	[tilespmem:s13], [sflag:$0x2] =	stream.linear.gather [hbm4b:s2+s13], $0x200, $0x38;
	[tilespmem:$0x2600] =	vst v63  }
0x1b: {  	_ =	swait.ge [sflag:s20], $0x200  }
0x1c: {  	[sflag:s20] =	ssyncset.done $0x0  }
0x1d: {  	s22 =	simm.s32 $0x200;
	s21 =	rddreg [dreg:$0x6];
	[sflag:s20] =	ssyncadd.s32 $0xFFFFFE00  }
0x1e: {  	[tilespmem:s22], [sflag:$0x2] =	stream.linear.gather [hbm4b:s21+s13], $0x200, $0x38;
	[tilespmem:$0x2600] =	vst v63  }
0x1f: {  	_ =	swait.ge [sflag:s20], $0x200  }
0x20: {  	[sflag:s20] =	ssyncset.done $0x0  }
0x21: {  	s22 =	rddreg [dreg:$0x8];
	[sflag:s20] =	ssyncadd.s32 $0xFFFFFE00  }
0x22: {  	[tilespmem:s15], [sflag:$0x2] =	stream.linear.gather [hbm4b:s22+s13], $0x200, $0x38;
	[tilespmem:$0x2600] =	vst v63  }
0x23: {  	_ =	swait.ge [sflag:s20], $0x200  }
0x24: {  	[sflag:s20] =	ssyncset.done $0x0  }
0x25: {  	s2 =	simm.s32 $0x0;
	[sflag:s20] =	ssyncadd.s32 $0xFFFFFE00  }
.LBB2_2:
0x26: {  	s13 =	sshll.u32 s2, $0x4  }
0x27: {  	v1 =	vld [tilespmem:s13+$0x0];
	_ =	sdelay $0x4  }
0x28: {  	v3 =	vshll.u32 v1, $0x4  }
0x29: {  	v1 =	vld [tilespmem:s13+$0x200];
	(v2sf) =	vpush v3, $0x0;
	_ =	sdelay $0x4  }
0x2a: {  	v2 =	vshll.u32 v1, $0x4  }
0x2b: {  	v1 =	vld [tilespmem:s13+$0x400];
	(v2sf) =	vpush v2, $0x0;
	_ =	sdelay $0x4  }
0x2c: {  	v1 =	vshll.u32 v1, $0x4  }
0x2d: {  	(v2sf) =	vpush v1, $0x0;
	_ =	sdelay $0x2  }
0x2e: {  	s20 =	spop (v2sf)  }
0x2f: {  	s20 =	sand.u32 $0x1FFFFFF0, s20  }
0x30: {  	s21 =	sadd.s32 s3, s20  }
0x31: {  	(v2sf) =	vpush v3, $0x1;
	[tilespmem:s17], [sflag:$0x1] =	stream.strided.gather [hbm4b:s21+s16], $0x0, s15, s16, $0x38;
	[tilespmem:$0x2600] =	vst v63  }
0x32: {  	s20 =	simm.s32 $0x0  }
0x33: {  	[tilespmem:s17], [sflag:$0x1] =	stream.linear.gather [hbm4b:s21+s20], $0x40, $0x38;
	[tilespmem:$0x2600] =	vst v63  }
0x34: {  	s22 =	spop (v2sf)  }
0x35: {  	s21 =	sand.u32 $0x1FFFFFF0, s22  }
0x36: {  	s21 =	sadd.s32 s4, s21  }
0x37: {  	(v2sf) =	vpush v2, $0x1;
	[tilespmem:s18], [sflag:$0x1] =	stream.strided.gather [hbm4b:s21+s16], $0x0, s15, s16, $0x38;
	[tilespmem:$0x2600] =	vst v63  }
0x38: {  	_ = 	snop  }
0x39: {  	[tilespmem:s18], [sflag:$0x1] =	stream.linear.gather [hbm4b:s21+s20], $0x40, $0x38;
	[tilespmem:$0x2600] =	vst v63  }
0x3a: {  	s22 =	spop (v2sf)  }
0x3b: {  	s21 =	sand.u32 $0x1FFFFFF0, s22  }
0x3c: {  	s21 =	sadd.s32 s4, s21  }
0x3d: {  	(v2sf) =	vpush v1, $0x1;
	[tilespmem:s19], [sflag:$0x1] =	stream.strided.gather [hbm4b:s21+s16], $0x0, s15, s16, $0x38;
	[tilespmem:$0x2600] =	vst v63  }
0x3e: {  	_ = 	snop  }
0x3f: {  	[tilespmem:s19], [sflag:$0x1] =	stream.linear.gather [hbm4b:s21+s20], $0x40, $0x38;
	[tilespmem:$0x2600] =	vst v63  }
0x40: {  	s22 =	spop (v2sf)  }
0x41: {  	s21 =	sand.u32 $0x1FFFFFF0, s22  }
0x42: {  	s22 =	simm.s32 $0x680;
	s21 =	sadd.s32 s3, s21  }
0x43: {  	(v2sf) =	vpush v3, $0x2;
	[tilespmem:s22], [sflag:$0x1] =	stream.strided.gather [hbm4b:s21+s16], $0x0, s15, s16, $0x38;
	[tilespmem:$0x2600] =	vst v63  }
0x44: {  	_ = 	snop  }
0x45: {  	[tilespmem:s22], [sflag:$0x1] =	stream.linear.gather [hbm4b:s21+s20], $0x40, $0x38;
	[tilespmem:$0x2600] =	vst v63  }
0x46: {  	s22 =	spop (v2sf)  }
0x47: {  	s21 =	sand.u32 $0x1FFFFFF0, s22  }
0x48: {  	s22 =	simm.s32 $0xE80;
	s21 =	sadd.s32 s4, s21  }
0x49: {  	(v2sf) =	vpush v2, $0x2;
	[tilespmem:s22], [sflag:$0x1] =	stream.strided.gather [hbm4b:s21+s16], $0x0, s15, s16, $0x38;
	[tilespmem:$0x2600] =	vst v63  }
0x4a: {  	_ = 	snop  }
0x4b: {  	[tilespmem:s22], [sflag:$0x1] =	stream.linear.gather [hbm4b:s21+s20], $0x40, $0x38;
	[tilespmem:$0x2600] =	vst v63  }
0x4c: {  	s22 =	spop (v2sf)  }
0x4d: {  	s21 =	sand.u32 $0x1FFFFFF0, s22  }
0x4e: {  	s22 =	simm.s32 $0x1680;
	s21 =	sadd.s32 s4, s21  }
0x4f: {  	(v2sf) =	vpush v1, $0x2;
	[tilespmem:s22], [sflag:$0x1] =	stream.strided.gather [hbm4b:s21+s16], $0x0, s15, s16, $0x38;
	[tilespmem:$0x2600] =	vst v63  }
0x50: {  	_ = 	snop  }
0x51: {  	[tilespmem:s22], [sflag:$0x1] =	stream.linear.gather [hbm4b:s21+s20], $0x40, $0x38;
	[tilespmem:$0x2600] =	vst v63  }
0x52: {  	s22 =	spop (v2sf)  }
0x53: {  	s21 =	sand.u32 $0x1FFFFFF0, s22  }
0x54: {  	s22 =	simm.s32 $0x700;
	s21 =	sadd.s32 s3, s21  }
0x55: {  	(v2sf) =	vpush v3, $0x3;
	[tilespmem:s22], [sflag:$0x1] =	stream.strided.gather [hbm4b:s21+s16], $0x0, s15, s16, $0x38;
	[tilespmem:$0x2600] =	vst v63  }
0x56: {  	_ = 	snop  }
0x57: {  	[tilespmem:s22], [sflag:$0x1] =	stream.linear.gather [hbm4b:s21+s20], $0x40, $0x38;
	[tilespmem:$0x2600] =	vst v63  }
0x58: {  	s22 =	spop (v2sf)  }
0x59: {  	s21 =	sand.u32 $0x1FFFFFF0, s22  }
0x5a: {  	s22 =	simm.s32 $0xF00;
	s21 =	sadd.s32 s4, s21  }
0x5b: {  	(v2sf) =	vpush v2, $0x3;
	[tilespmem:s22], [sflag:$0x1] =	stream.strided.gather [hbm4b:s21+s16], $0x0, s15, s16, $0x38;
	[tilespmem:$0x2600] =	vst v63  }
0x5c: {  	_ = 	snop  }
0x5d: {  	[tilespmem:s22], [sflag:$0x1] =	stream.linear.gather [hbm4b:s21+s20], $0x40, $0x38;
	[tilespmem:$0x2600] =	vst v63  }
0x5e: {  	s22 =	spop (v2sf)  }
0x5f: {  	s21 =	sand.u32 $0x1FFFFFF0, s22  }
0x60: {  	s22 =	simm.s32 $0x1700;
	s21 =	sadd.s32 s4, s21  }
0x61: {  	(v2sf) =	vpush v1, $0x3;
	[tilespmem:s22], [sflag:$0x1] =	stream.strided.gather [hbm4b:s21+s16], $0x0, s15, s16, $0x38;
	[tilespmem:$0x2600] =	vst v63  }
0x62: {  	_ = 	snop  }
0x63: {  	[tilespmem:s22], [sflag:$0x1] =	stream.linear.gather [hbm4b:s21+s20], $0x40, $0x38;
	[tilespmem:$0x2600] =	vst v63  }
0x64: {  	s22 =	spop (v2sf)  }
0x65: {  	s21 =	sand.u32 $0x1FFFFFF0, s22  }
0x66: {  	s22 =	simm.s32 $0x780;
	s21 =	sadd.s32 s3, s21  }
0x67: {  	(v2sf) =	vpush v3, $0x4;
	[tilespmem:s22], [sflag:$0x1] =	stream.strided.gather [hbm4b:s21+s16], $0x0, s15, s16, $0x38;
	[tilespmem:$0x2600] =	vst v63  }
0x68: {  	_ = 	snop  }
0x69: {  	[tilespmem:s22], [sflag:$0x1] =	stream.linear.gather [hbm4b:s21+s20], $0x40, $0x38;
	[tilespmem:$0x2600] =	vst v63  }
0x6a: {  	s22 =	spop (v2sf)  }
0x6b: {  	s21 =	sand.u32 $0x1FFFFFF0, s22  }
0x6c: {  	s22 =	simm.s32 $0xF80;
	s21 =	sadd.s32 s4, s21  }
0x6d: {  	(v2sf) =	vpush v2, $0x4;
	[tilespmem:s22], [sflag:$0x1] =	stream.strided.gather [hbm4b:s21+s16], $0x0, s15, s16, $0x38;
	[tilespmem:$0x2600] =	vst v63  }
0x6e: {  	_ = 	snop  }
0x6f: {  	[tilespmem:s22], [sflag:$0x1] =	stream.linear.gather [hbm4b:s21+s20], $0x40, $0x38;
	[tilespmem:$0x2600] =	vst v63  }
0x70: {  	s22 =	spop (v2sf)  }
0x71: {  	s21 =	sand.u32 $0x1FFFFFF0, s22  }
0x72: {  	s22 =	simm.s32 $0x1780;
	s21 =	sadd.s32 s4, s21  }
0x73: {  	(v2sf) =	vpush v1, $0x4;
	[tilespmem:s22], [sflag:$0x1] =	stream.strided.gather [hbm4b:s21+s16], $0x0, s15, s16, $0x38;
	[tilespmem:$0x2600] =	vst v63  }
0x74: {  	_ = 	snop  }
0x75: {  	[tilespmem:s22], [sflag:$0x1] =	stream.linear.gather [hbm4b:s21+s20], $0x40, $0x38;
	[tilespmem:$0x2600] =	vst v63  }
0x76: {  	s22 =	spop (v2sf)  }
0x77: {  	s21 =	sand.u32 $0x1FFFFFF0, s22  }
0x78: {  	s22 =	simm.s32 $0x800;
	s21 =	sadd.s32 s3, s21  }
0x79: {  	(v2sf) =	vpush v3, $0x5;
	[tilespmem:s22], [sflag:$0x1] =	stream.strided.gather [hbm4b:s21+s16], $0x0, s15, s16, $0x38;
	[tilespmem:$0x2600] =	vst v63  }
0x7a: {  	_ = 	snop  }
0x7b: {  	[tilespmem:s22], [sflag:$0x1] =	stream.linear.gather [hbm4b:s21+s20], $0x40, $0x38;
	[tilespmem:$0x2600] =	vst v63  }
0x7c: {  	s22 =	spop (v2sf)  }
0x7d: {  	s21 =	sand.u32 $0x1FFFFFF0, s22  }
0x7e: {  	s22 =	simm.s32 $0x1000;
	s21 =	sadd.s32 s4, s21  }
0x7f: {  	(v2sf) =	vpush v2, $0x5;
	[tilespmem:s22], [sflag:$0x1] =	stream.strided.gather [hbm4b:s21+s16], $0x0, s15, s16, $0x38;
	[tilespmem:$0x2600] =	vst v63  }
0x80: {  	_ = 	snop  }
0x81: {  	[tilespmem:s22], [sflag:$0x1] =	stream.linear.gather [hbm4b:s21+s20], $0x40, $0x38;
	[tilespmem:$0x2600] =	vst v63  }
0x82: {  	s22 =	spop (v2sf)  }
0x83: {  	s21 =	sand.u32 $0x1FFFFFF0, s22  }
0x84: {  	s22 =	simm.s32 $0x1800;
	s21 =	sadd.s32 s4, s21  }
0x85: {  	(v2sf) =	vpush v1, $0x5;
	[tilespmem:s22], [sflag:$0x1] =	stream.strided.gather [hbm4b:s21+s16], $0x0, s15, s16, $0x38;
	[tilespmem:$0x2600] =	vst v63  }
0x86: {  	_ = 	snop  }
0x87: {  	[tilespmem:s22], [sflag:$0x1] =	stream.linear.gather [hbm4b:s21+s20], $0x40, $0x38;
	[tilespmem:$0x2600] =	vst v63  }
0x88: {  	s22 =	spop (v2sf)  }
0x89: {  	s21 =	sand.u32 $0x1FFFFFF0, s22  }
0x8a: {  	s22 =	simm.s32 $0x880;
	s21 =	sadd.s32 s3, s21  }
0x8b: {  	(v2sf) =	vpush v3, $0x6;
	[tilespmem:s22], [sflag:$0x1] =	stream.strided.gather [hbm4b:s21+s16], $0x0, s15, s16, $0x38;
	[tilespmem:$0x2600] =	vst v63  }
0x8c: {  	_ = 	snop  }
0x8d: {  	[tilespmem:s22], [sflag:$0x1] =	stream.linear.gather [hbm4b:s21+s20], $0x40, $0x38;
	[tilespmem:$0x2600] =	vst v63  }
0x8e: {  	s22 =	spop (v2sf)  }
0x8f: {  	s21 =	sand.u32 $0x1FFFFFF0, s22  }
0x90: {  	s22 =	simm.s32 $0x1080;
	s21 =	sadd.s32 s4, s21  }
0x91: {  	(v2sf) =	vpush v2, $0x6;
	[tilespmem:s22], [sflag:$0x1] =	stream.strided.gather [hbm4b:s21+s16], $0x0, s15, s16, $0x38;
	[tilespmem:$0x2600] =	vst v63  }
0x92: {  	_ = 	snop  }
0x93: {  	[tilespmem:s22], [sflag:$0x1] =	stream.linear.gather [hbm4b:s21+s20], $0x40, $0x38;
	[tilespmem:$0x2600] =	vst v63  }
0x94: {  	s22 =	spop (v2sf)  }
0x95: {  	s21 =	sand.u32 $0x1FFFFFF0, s22  }
0x96: {  	s22 =	simm.s32 $0x1880;
	s21 =	sadd.s32 s4, s21  }
0x97: {  	(v2sf) =	vpush v1, $0x6;
	[tilespmem:s22], [sflag:$0x1] =	stream.strided.gather [hbm4b:s21+s16], $0x0, s15, s16, $0x38;
	[tilespmem:$0x2600] =	vst v63  }
0x98: {  	_ = 	snop  }
0x99: {  	[tilespmem:s22], [sflag:$0x1] =	stream.linear.gather [hbm4b:s21+s20], $0x40, $0x38;
	[tilespmem:$0x2600] =	vst v63  }
0x9a: {  	s22 =	spop (v2sf)  }
0x9b: {  	s21 =	sand.u32 $0x1FFFFFF0, s22  }
0x9c: {  	s22 =	simm.s32 $0x900;
	s21 =	sadd.s32 s3, s21  }
0x9d: {  	(v2sf) =	vpush v3, $0x7;
	[tilespmem:s22], [sflag:$0x1] =	stream.strided.gather [hbm4b:s21+s16], $0x0, s15, s16, $0x38;
	[tilespmem:$0x2600] =	vst v63  }
0x9e: {  	_ = 	snop  }
0x9f: {  	[tilespmem:s22], [sflag:$0x1] =	stream.linear.gather [hbm4b:s21+s20], $0x40, $0x38;
	[tilespmem:$0x2600] =	vst v63  }
0xa0: {  	s22 =	spop (v2sf)  }
0xa1: {  	s21 =	sand.u32 $0x1FFFFFF0, s22  }
0xa2: {  	s22 =	simm.s32 $0x1100;
	s21 =	sadd.s32 s4, s21  }
0xa3: {  	(v2sf) =	vpush v2, $0x7;
	[tilespmem:s22], [sflag:$0x1] =	stream.strided.gather [hbm4b:s21+s16], $0x0, s15, s16, $0x38;
	[tilespmem:$0x2600] =	vst v63  }
0xa4: {  	_ = 	snop  }
0xa5: {  	[tilespmem:s22], [sflag:$0x1] =	stream.linear.gather [hbm4b:s21+s20], $0x40, $0x38;
	[tilespmem:$0x2600] =	vst v63  }
0xa6: {  	s22 =	spop (v2sf)  }
0xa7: {  	s21 =	sand.u32 $0x1FFFFFF0, s22  }
0xa8: {  	s22 =	simm.s32 $0x1900;
	s21 =	sadd.s32 s4, s21  }
0xa9: {  	(v2sf) =	vpush v1, $0x7;
	[tilespmem:s22], [sflag:$0x1] =	stream.strided.gather [hbm4b:s21+s16], $0x0, s15, s16, $0x38;
	[tilespmem:$0x2600] =	vst v63  }
0xaa: {  	_ = 	snop  }
0xab: {  	[tilespmem:s22], [sflag:$0x1] =	stream.linear.gather [hbm4b:s21+s20], $0x40, $0x38;
	[tilespmem:$0x2600] =	vst v63  }
0xac: {  	s22 =	spop (v2sf)  }
0xad: {  	s21 =	sand.u32 $0x1FFFFFF0, s22  }
0xae: {  	s22 =	simm.s32 $0x980;
	s21 =	sadd.s32 s3, s21  }
0xaf: {  	(v2sf) =	vpush v3, $0x8;
	[tilespmem:s22], [sflag:$0x1] =	stream.strided.gather [hbm4b:s21+s16], $0x0, s15, s16, $0x38;
	[tilespmem:$0x2600] =	vst v63  }
0xb0: {  	_ = 	snop  }
0xb1: {  	[tilespmem:s22], [sflag:$0x1] =	stream.linear.gather [hbm4b:s21+s20], $0x40, $0x38;
	[tilespmem:$0x2600] =	vst v63  }
0xb2: {  	s22 =	spop (v2sf)  }
0xb3: {  	s21 =	sand.u32 $0x1FFFFFF0, s22  }
0xb4: {  	s22 =	simm.s32 $0x1180;
	s21 =	sadd.s32 s4, s21  }
0xb5: {  	(v2sf) =	vpush v2, $0x8;
	[tilespmem:s22], [sflag:$0x1] =	stream.strided.gather [hbm4b:s21+s16], $0x0, s15, s16, $0x38;
	[tilespmem:$0x2600] =	vst v63  }
0xb6: {  	_ = 	snop  }
0xb7: {  	[tilespmem:s22], [sflag:$0x1] =	stream.linear.gather [hbm4b:s21+s20], $0x40, $0x38;
	[tilespmem:$0x2600] =	vst v63  }
0xb8: {  	s22 =	spop (v2sf)  }
0xb9: {  	s21 =	sand.u32 $0x1FFFFFF0, s22  }
0xba: {  	s22 =	simm.s32 $0x1980;
	s21 =	sadd.s32 s4, s21  }
0xbb: {  	(v2sf) =	vpush v1, $0x8;
	[tilespmem:s22], [sflag:$0x1] =	stream.strided.gather [hbm4b:s21+s16], $0x0, s15, s16, $0x38;
	[tilespmem:$0x2600] =	vst v63  }
0xbc: {  	_ = 	snop  }
0xbd: {  	[tilespmem:s22], [sflag:$0x1] =	stream.linear.gather [hbm4b:s21+s20], $0x40, $0x38;
	[tilespmem:$0x2600] =	vst v63  }
0xbe: {  	s22 =	spop (v2sf)  }
0xbf: {  	s21 =	sand.u32 $0x1FFFFFF0, s22  }
0xc0: {  	s22 =	simm.s32 $0xA00;
	s21 =	sadd.s32 s3, s21  }
0xc1: {  	(v2sf) =	vpush v3, $0x9;
	[tilespmem:s22], [sflag:$0x1] =	stream.strided.gather [hbm4b:s21+s16], $0x0, s15, s16, $0x38;
	[tilespmem:$0x2600] =	vst v63  }
0xc2: {  	_ = 	snop  }
0xc3: {  	[tilespmem:s22], [sflag:$0x1] =	stream.linear.gather [hbm4b:s21+s20], $0x40, $0x38;
	[tilespmem:$0x2600] =	vst v63  }
0xc4: {  	s22 =	spop (v2sf)  }
0xc5: {  	s21 =	sand.u32 $0x1FFFFFF0, s22  }
0xc6: {  	s22 =	simm.s32 $0x1200;
	s21 =	sadd.s32 s4, s21  }
0xc7: {  	(v2sf) =	vpush v2, $0x9;
	[tilespmem:s22], [sflag:$0x1] =	stream.strided.gather [hbm4b:s21+s16], $0x0, s15, s16, $0x38;
	[tilespmem:$0x2600] =	vst v63  }
0xc8: {  	_ = 	snop  }
0xc9: {  	[tilespmem:s22], [sflag:$0x1] =	stream.linear.gather [hbm4b:s21+s20], $0x40, $0x38;
	[tilespmem:$0x2600] =	vst v63  }
0xca: {  	s22 =	spop (v2sf)  }
0xcb: {  	s21 =	sand.u32 $0x1FFFFFF0, s22  }
0xcc: {  	s22 =	simm.s32 $0x1A00;
	s21 =	sadd.s32 s4, s21  }
0xcd: {  	(v2sf) =	vpush v1, $0x9;
	[tilespmem:s22], [sflag:$0x1] =	stream.strided.gather [hbm4b:s21+s16], $0x0, s15, s16, $0x38;
	[tilespmem:$0x2600] =	vst v63  }
0xce: {  	_ = 	snop  }
0xcf: {  	[tilespmem:s22], [sflag:$0x1] =	stream.linear.gather [hbm4b:s21+s20], $0x40, $0x38;
	[tilespmem:$0x2600] =	vst v63  }
0xd0: {  	s22 =	spop (v2sf)  }
0xd1: {  	s21 =	sand.u32 $0x1FFFFFF0, s22  }
0xd2: {  	s22 =	simm.s32 $0xA80;
	s21 =	sadd.s32 s3, s21  }
0xd3: {  	(v2sf) =	vpush v3, $0xA;
	[tilespmem:s22], [sflag:$0x1] =	stream.strided.gather [hbm4b:s21+s16], $0x0, s15, s16, $0x38;
	[tilespmem:$0x2600] =	vst v63  }
0xd4: {  	_ = 	snop  }
0xd5: {  	[tilespmem:s22], [sflag:$0x1] =	stream.linear.gather [hbm4b:s21+s20], $0x40, $0x38;
	[tilespmem:$0x2600] =	vst v63  }
0xd6: {  	s22 =	spop (v2sf)  }
0xd7: {  	s21 =	sand.u32 $0x1FFFFFF0, s22  }
0xd8: {  	s22 =	simm.s32 $0x1280;
	s21 =	sadd.s32 s4, s21  }
0xd9: {  	(v2sf) =	vpush v2, $0xA;
	[tilespmem:s22], [sflag:$0x1] =	stream.strided.gather [hbm4b:s21+s16], $0x0, s15, s16, $0x38;
	[tilespmem:$0x2600] =	vst v63  }
0xda: {  	_ = 	snop  }
0xdb: {  	[tilespmem:s22], [sflag:$0x1] =	stream.linear.gather [hbm4b:s21+s20], $0x40, $0x38;
	[tilespmem:$0x2600] =	vst v63  }
0xdc: {  	s22 =	spop (v2sf)  }
0xdd: {  	s21 =	sand.u32 $0x1FFFFFF0, s22  }
0xde: {  	s22 =	simm.s32 $0x1A80;
	s21 =	sadd.s32 s4, s21  }
0xdf: {  	(v2sf) =	vpush v1, $0xA;
	[tilespmem:s22], [sflag:$0x1] =	stream.strided.gather [hbm4b:s21+s16], $0x0, s15, s16, $0x38;
	[tilespmem:$0x2600] =	vst v63  }
0xe0: {  	_ = 	snop  }
0xe1: {  	[tilespmem:s22], [sflag:$0x1] =	stream.linear.gather [hbm4b:s21+s20], $0x40, $0x38;
	[tilespmem:$0x2600] =	vst v63  }
0xe2: {  	s22 =	spop (v2sf)  }
0xe3: {  	s21 =	sand.u32 $0x1FFFFFF0, s22  }
0xe4: {  	s21 =	sadd.s32 s3, s21  }
0xe5: {  	(v2sf) =	vpush v3, $0xB;
	[tilespmem:s23], [sflag:$0x1] =	stream.strided.gather [hbm4b:s21+s16], $0x0, s15, s16, $0x38;
	[tilespmem:$0x2600] =	vst v63  }
0xe6: {  	_ = 	snop  }
0xe7: {  	[tilespmem:s23], [sflag:$0x1] =	stream.linear.gather [hbm4b:s21+s20], $0x40, $0x38;
	[tilespmem:$0x2600] =	vst v63  }
0xe8: {  	s22 =	spop (v2sf)  }
0xe9: {  	s21 =	sand.u32 $0x1FFFFFF0, s22  }
0xea: {  	s21 =	sadd.s32 s4, s21  }
0xeb: {  	(v2sf) =	vpush v2, $0xB;
	[tilespmem:s24], [sflag:$0x1] =	stream.strided.gather [hbm4b:s21+s16], $0x0, s15, s16, $0x38;
	[tilespmem:$0x2600] =	vst v63  }
0xec: {  	_ = 	snop  }
0xed: {  	[tilespmem:s24], [sflag:$0x1] =	stream.linear.gather [hbm4b:s21+s20], $0x40, $0x38;
	[tilespmem:$0x2600] =	vst v63  }
0xee: {  	s22 =	spop (v2sf)  }
0xef: {  	s21 =	sand.u32 $0x1FFFFFF0, s22  }
0xf0: {  	s21 =	sadd.s32 s4, s21  }
0xf1: {  	(v2sf) =	vpush v1, $0xB;
	[tilespmem:s25], [sflag:$0x1] =	stream.strided.gather [hbm4b:s21+s16], $0x0, s15, s16, $0x38;
	[tilespmem:$0x2600] =	vst v63  }
0xf2: {  	_ = 	snop  }
0xf3: {  	[tilespmem:s25], [sflag:$0x1] =	stream.linear.gather [hbm4b:s21+s20], $0x40, $0x38;
	[tilespmem:$0x2600] =	vst v63  }
0xf4: {  	s22 =	spop (v2sf)  }
0xf5: {  	s21 =	sand.u32 $0x1FFFFFF0, s22  }
0xf6: {  	s21 =	sadd.s32 s3, s21  }
0xf7: {  	(v2sf) =	vpush v3, $0xC;
	[tilespmem:s26], [sflag:$0x1] =	stream.strided.gather [hbm4b:s21+s16], $0x0, s15, s16, $0x38;
	[tilespmem:$0x2600] =	vst v63  }
0xf8: {  	_ = 	snop  }
0xf9: {  	[tilespmem:s26], [sflag:$0x1] =	stream.linear.gather [hbm4b:s21+s20], $0x40, $0x38;
	[tilespmem:$0x2600] =	vst v63  }
0xfa: {  	s22 =	spop (v2sf)  }
0xfb: {  	s21 =	sand.u32 $0x1FFFFFF0, s22  }
0xfc: {  	s21 =	sadd.s32 s4, s21  }
0xfd: {  	(v2sf) =	vpush v2, $0xC;
	[tilespmem:s28], [sflag:$0x1] =	stream.strided.gather [hbm4b:s21+s16], $0x0, s15, s16, $0x38;
	[tilespmem:$0x2600] =	vst v63  }
0xfe: {  	_ = 	snop  }
0xff: {  	[tilespmem:s28], [sflag:$0x1] =	stream.linear.gather [hbm4b:s21+s20], $0x40, $0x38;
	[tilespmem:$0x2600] =	vst v63  }
0x100: {  	s22 =	spop (v2sf)  }
0x101: {  	s21 =	sand.u32 $0x1FFFFFF0, s22  }
0x102: {  	s21 =	sadd.s32 s4, s21  }
0x103: {  	(v2sf) =	vpush v1, $0xC;
	[tilespmem:s29], [sflag:$0x1] =	stream.strided.gather [hbm4b:s21+s16], $0x0, s15, s16, $0x38;
	[tilespmem:$0x2600] =	vst v63  }
0x104: {  	_ = 	snop  }
0x105: {  	[tilespmem:s29], [sflag:$0x1] =	stream.linear.gather [hbm4b:s21+s20], $0x40, $0x38;
	[tilespmem:$0x2600] =	vst v63  }
0x106: {  	s22 =	spop (v2sf)  }
0x107: {  	s21 =	sand.u32 $0x1FFFFFF0, s22  }
0x108: {  	s21 =	sadd.s32 s3, s21  }
0x109: {  	(v2sf) =	vpush v3, $0xD;
	[tilespmem:s30], [sflag:$0x1] =	stream.strided.gather [hbm4b:s21+s16], $0x0, s15, s16, $0x38;
	[tilespmem:$0x2600] =	vst v63  }
0x10a: {  	_ = 	snop  }
0x10b: {  	[tilespmem:s30], [sflag:$0x1] =	stream.linear.gather [hbm4b:s21+s20], $0x40, $0x38;
	[tilespmem:$0x2600] =	vst v63  }
0x10c: {  	s22 =	spop (v2sf)  }
0x10d: {  	s21 =	sand.u32 $0x1FFFFFF0, s22  }
0x10e: {  	s21 =	sadd.s32 s4, s21  }
0x10f: {  	(v2sf) =	vpush v2, $0xD;
	[tilespmem:s31], [sflag:$0x1] =	stream.strided.gather [hbm4b:s21+s16], $0x0, s15, s16, $0x38;
	[tilespmem:$0x2600] =	vst v63  }
0x110: {  	_ = 	snop  }
0x111: {  	[tilespmem:s31], [sflag:$0x1] =	stream.linear.gather [hbm4b:s21+s20], $0x40, $0x38;
	[tilespmem:$0x2600] =	vst v63  }
0x112: {  	s22 =	spop (v2sf)  }
0x113: {  	s21 =	sand.u32 $0x1FFFFFF0, s22  }
0x114: {  	s21 =	sadd.s32 s4, s21  }
0x115: {  	(v2sf) =	vpush v1, $0xD;
	[tilespmem:s0], [sflag:$0x1] =	stream.strided.gather [hbm4b:s21+s16], $0x0, s15, s16, $0x38;
	[tilespmem:$0x2600] =	vst v63  }
0x116: {  	_ = 	snop  }
0x117: {  	[tilespmem:s0], [sflag:$0x1] =	stream.linear.gather [hbm4b:s21+s20], $0x40, $0x38;
	[tilespmem:$0x2600] =	vst v63  }
0x118: {  	s22 =	spop (v2sf)  }
0x119: {  	s21 =	sand.u32 $0x1FFFFFF0, s22  }
0x11a: {  	s21 =	sadd.s32 s3, s21  }
0x11b: {  	(v2sf) =	vpush v3, $0xE;
	[tilespmem:s1], [sflag:$0x1] =	stream.strided.gather [hbm4b:s21+s16], $0x0, s15, s16, $0x38;
	[tilespmem:$0x2600] =	vst v63  }
0x11c: {  	_ = 	snop  }
0x11d: {  	[tilespmem:s1], [sflag:$0x1] =	stream.linear.gather [hbm4b:s21+s20], $0x40, $0x38;
	[tilespmem:$0x2600] =	vst v63  }
0x11e: {  	s22 =	spop (v2sf)  }
0x11f: {  	s21 =	sand.u32 $0x1FFFFFF0, s22  }
0x120: {  	s21 =	sadd.s32 s4, s21  }
0x121: {  	(v2sf) =	vpush v2, $0xE;
	[tilespmem:s14], [sflag:$0x1] =	stream.strided.gather [hbm4b:s21+s16], $0x0, s15, s16, $0x38;
	[tilespmem:$0x2600] =	vst v63  }
0x122: {  	_ = 	snop  }
0x123: {  	[tilespmem:s14], [sflag:$0x1] =	stream.linear.gather [hbm4b:s21+s20], $0x40, $0x38;
	[tilespmem:$0x2600] =	vst v63  }
0x124: {  	s22 =	spop (v2sf)  }
0x125: {  	s21 =	sand.u32 $0x1FFFFFF0, s22  }
0x126: {  	s21 =	sadd.s32 s4, s21  }
0x127: {  	(v2sf) =	vpush v1, $0xE;
	[tilespmem:s5], [sflag:$0x1] =	stream.strided.gather [hbm4b:s21+s16], $0x0, s15, s16, $0x38;
	[tilespmem:$0x2600] =	vst v63  }
0x128: {  	_ = 	snop  }
0x129: {  	[tilespmem:s5], [sflag:$0x1] =	stream.linear.gather [hbm4b:s21+s20], $0x40, $0x38;
	[tilespmem:$0x2600] =	vst v63  }
0x12a: {  	s22 =	spop (v2sf)  }
0x12b: {  	s21 =	sand.u32 $0x1FFFFFF0, s22  }
0x12c: {  	s21 =	sadd.s32 s3, s21  }
0x12d: {  	(v2sf) =	vpush v3, $0xF;
	[tilespmem:s6], [sflag:$0x1] =	stream.strided.gather [hbm4b:s21+s16], $0x0, s15, s16, $0x38;
	[tilespmem:$0x2600] =	vst v63  }
0x12e: {  	_ = 	snop  }
0x12f: {  	[tilespmem:s6], [sflag:$0x1] =	stream.linear.gather [hbm4b:s21+s20], $0x40, $0x38;
	[tilespmem:$0x2600] =	vst v63  }
0x130: {  	s22 =	spop (v2sf)  }
0x131: {  	s21 =	sand.u32 $0x1FFFFFF0, s22  }
0x132: {  	s21 =	sadd.s32 s4, s21  }
0x133: {  	(v2sf) =	vpush v2, $0xF;
	[tilespmem:s7], [sflag:$0x1] =	stream.strided.gather [hbm4b:s21+s16], $0x0, s15, s16, $0x38;
	[tilespmem:$0x2600] =	vst v63  }
0x134: {  	_ = 	snop  }
0x135: {  	[tilespmem:s7], [sflag:$0x1] =	stream.linear.gather [hbm4b:s21+s20], $0x40, $0x38;
	[tilespmem:$0x2600] =	vst v63  }
0x136: {  	s22 =	spop (v2sf)  }
0x137: {  	s21 =	sand.u32 $0x1FFFFFF0, s22  }
0x138: {  	s21 =	sadd.s32 s4, s21  }
0x139: {  	(v2sf) =	vpush v1, $0xF;
	[tilespmem:s8], [sflag:$0x1] =	stream.strided.gather [hbm4b:s21+s16], $0x0, s15, s16, $0x38;
	[tilespmem:$0x2600] =	vst v63  }
0x13a: {  	_ = 	snop  }
0x13b: {  	[tilespmem:s8], [sflag:$0x1] =	stream.linear.gather [hbm4b:s21+s20], $0x40, $0x38;
	[tilespmem:$0x2600] =	vst v63  }
0x13c: {  	s22 =	spop (v2sf)  }
0x13d: {  	s21 =	sand.u32 $0x1FFFFFF0, s22  }
0x13e: {  	s21 =	sadd.s32 s3, s21  }
0x13f: {  	[tilespmem:s9], [sflag:$0x1] =	stream.strided.gather [hbm4b:s21+s16], $0x0, s15, s16, $0x38;
	[tilespmem:$0x2600] =	vst v63  }
0x140: {  	_ = 	snop  }
0x141: {  	[tilespmem:s9], [sflag:$0x1] =	stream.linear.gather [hbm4b:s21+s20], $0x40, $0x38;
	[tilespmem:$0x2600] =	vst v63  }
0x142: {  	s22 =	spop (v2sf)  }
0x143: {  	s21 =	sand.u32 $0x1FFFFFF0, s22  }
0x144: {  	s21 =	sadd.s32 s4, s21  }
0x145: {  	[tilespmem:s10], [sflag:$0x1] =	stream.strided.gather [hbm4b:s21+s16], $0x0, s15, s16, $0x38;
	[tilespmem:$0x2600] =	vst v63  }
0x146: {  	_ = 	snop  }
0x147: {  	[tilespmem:s10], [sflag:$0x1] =	stream.linear.gather [hbm4b:s21+s20], $0x40, $0x38;
	[tilespmem:$0x2600] =	vst v63  }
0x148: {  	s22 =	spop (v2sf)  }
0x149: {  	s21 =	sand.u32 $0x1FFFFFF0, s22  }
0x14a: {  	s21 =	sadd.s32 s4, s21  }
0x14b: {  	[tilespmem:s11], [sflag:$0x1] =	stream.strided.gather [hbm4b:s21+s16], $0x0, s15, s16, $0x38;
	[tilespmem:$0x2600] =	vst v63  }
0x14c: {  	_ = 	snop  }
0x14d: {  	[tilespmem:s11], [sflag:$0x1] =	stream.linear.gather [hbm4b:s21+s20], $0x40, $0x38;
	[tilespmem:$0x2600] =	vst v63  }
0x14e: {  	_ =	swait.ge [sflag:s12], $0x40  }
0x14f: {  	[sflag:s12] =	ssyncset.done $0x0  }
0x150: {  	[sflag:s12] =	ssyncadd.s32 $0xFFFFFFC0  }
0x151: {  	_ =	swait.ge [sflag:s12], $0x40  }
0x152: {  	[sflag:s12] =	ssyncset.done $0x0  }
0x153: {  	[sflag:s12] =	ssyncadd.s32 $0xFFFFFFC0  }
0x154: {  	_ =	swait.ge [sflag:s12], $0x40  }
0x155: {  	[sflag:s12] =	ssyncset.done $0x0  }
0x156: {  	[sflag:s12] =	ssyncadd.s32 $0xFFFFFFC0  }
0x157: {  	_ =	swait.ge [sflag:s12], $0x40  }
0x158: {  	[sflag:s12] =	ssyncset.done $0x0  }
0x159: {  	[sflag:s12] =	ssyncadd.s32 $0xFFFFFFC0  }
0x15a: {  	_ =	swait.ge [sflag:s12], $0x40  }
0x15b: {  	[sflag:s12] =	ssyncset.done $0x0  }
0x15c: {  	[sflag:s12] =	ssyncadd.s32 $0xFFFFFFC0  }
0x15d: {  	_ =	swait.ge [sflag:s12], $0x40  }
0x15e: {  	[sflag:s12] =	ssyncset.done $0x0  }
0x15f: {  	[sflag:s12] =	ssyncadd.s32 $0xFFFFFFC0  }
0x160: {  	_ =	swait.ge [sflag:s12], $0x40  }
0x161: {  	[sflag:s12] =	ssyncset.done $0x0  }
0x162: {  	[sflag:s12] =	ssyncadd.s32 $0xFFFFFFC0  }
0x163: {  	_ =	swait.ge [sflag:s12], $0x40  }
0x164: {  	[sflag:s12] =	ssyncset.done $0x0  }
0x165: {  	[sflag:s12] =	ssyncadd.s32 $0xFFFFFFC0  }
0x166: {  	_ =	swait.ge [sflag:s12], $0x40  }
0x167: {  	[sflag:s12] =	ssyncset.done $0x0  }
0x168: {  	[sflag:s12] =	ssyncadd.s32 $0xFFFFFFC0  }
0x169: {  	_ =	swait.ge [sflag:s12], $0x40  }
0x16a: {  	[sflag:s12] =	ssyncset.done $0x0  }
0x16b: {  	[sflag:s12] =	ssyncadd.s32 $0xFFFFFFC0  }
0x16c: {  	_ =	swait.ge [sflag:s12], $0x40  }
0x16d: {  	[sflag:s12] =	ssyncset.done $0x0  }
0x16e: {  	[sflag:s12] =	ssyncadd.s32 $0xFFFFFFC0  }
0x16f: {  	_ =	swait.ge [sflag:s12], $0x40  }
0x170: {  	[sflag:s12] =	ssyncset.done $0x0  }
0x171: {  	[sflag:s12] =	ssyncadd.s32 $0xFFFFFFC0  }
0x172: {  	_ =	swait.ge [sflag:s12], $0x40  }
0x173: {  	[sflag:s12] =	ssyncset.done $0x0  }
0x174: {  	[sflag:s12] =	ssyncadd.s32 $0xFFFFFFC0  }
0x175: {  	_ =	swait.ge [sflag:s12], $0x40  }
0x176: {  	[sflag:s12] =	ssyncset.done $0x0  }
0x177: {  	[sflag:s12] =	ssyncadd.s32 $0xFFFFFFC0  }
0x178: {  	_ =	swait.ge [sflag:s12], $0x40  }
0x179: {  	[sflag:s12] =	ssyncset.done $0x0  }
0x17a: {  	[sflag:s12] =	ssyncadd.s32 $0xFFFFFFC0  }
0x17b: {  	_ =	swait.ge [sflag:s12], $0x40  }
0x17c: {  	[sflag:s12] =	ssyncset.done $0x0  }
0x17d: {  	[sflag:s12] =	ssyncadd.s32 $0xFFFFFFC0  }
0x17e: {  	_ =	swait.ge [sflag:s12], $0x40  }
0x17f: {  	[sflag:s12] =	ssyncset.done $0x0  }
0x180: {  	[sflag:s12] =	ssyncadd.s32 $0xFFFFFFC0  }
0x181: {  	_ =	swait.ge [sflag:s12], $0x40  }
0x182: {  	[sflag:s12] =	ssyncset.done $0x0  }
0x183: {  	[sflag:s12] =	ssyncadd.s32 $0xFFFFFFC0  }
0x184: {  	_ =	swait.ge [sflag:s12], $0x40  }
0x185: {  	[sflag:s12] =	ssyncset.done $0x0  }
0x186: {  	[sflag:s12] =	ssyncadd.s32 $0xFFFFFFC0  }
0x187: {  	_ =	swait.ge [sflag:s12], $0x40  }
0x188: {  	[sflag:s12] =	ssyncset.done $0x0  }
0x189: {  	[sflag:s12] =	ssyncadd.s32 $0xFFFFFFC0  }
0x18a: {  	_ =	swait.ge [sflag:s12], $0x40  }
0x18b: {  	[sflag:s12] =	ssyncset.done $0x0  }
0x18c: {  	[sflag:s12] =	ssyncadd.s32 $0xFFFFFFC0  }
0x18d: {  	_ =	swait.ge [sflag:s12], $0x40  }
0x18e: {  	[sflag:s12] =	ssyncset.done $0x0  }
0x18f: {  	[sflag:s12] =	ssyncadd.s32 $0xFFFFFFC0  }
0x190: {  	_ =	swait.ge [sflag:s12], $0x40  }
0x191: {  	[sflag:s12] =	ssyncset.done $0x0  }
0x192: {  	[sflag:s12] =	ssyncadd.s32 $0xFFFFFFC0  }
0x193: {  	_ =	swait.ge [sflag:s12], $0x40  }
0x194: {  	[sflag:s12] =	ssyncset.done $0x0  }
0x195: {  	[sflag:s12] =	ssyncadd.s32 $0xFFFFFFC0  }
0x196: {  	_ =	swait.ge [sflag:s12], $0x40  }
0x197: {  	[sflag:s12] =	ssyncset.done $0x0  }
0x198: {  	[sflag:s12] =	ssyncadd.s32 $0xFFFFFFC0  }
0x199: {  	_ =	swait.ge [sflag:s12], $0x40  }
0x19a: {  	[sflag:s12] =	ssyncset.done $0x0  }
0x19b: {  	[sflag:s12] =	ssyncadd.s32 $0xFFFFFFC0  }
0x19c: {  	_ =	swait.ge [sflag:s12], $0x40  }
0x19d: {  	[sflag:s12] =	ssyncset.done $0x0  }
0x19e: {  	[sflag:s12] =	ssyncadd.s32 $0xFFFFFFC0  }
0x19f: {  	_ =	swait.ge [sflag:s12], $0x40  }
0x1a0: {  	[sflag:s12] =	ssyncset.done $0x0  }
0x1a1: {  	[sflag:s12] =	ssyncadd.s32 $0xFFFFFFC0  }
0x1a2: {  	_ =	swait.ge [sflag:s12], $0x40  }
0x1a3: {  	[sflag:s12] =	ssyncset.done $0x0  }
0x1a4: {  	[sflag:s12] =	ssyncadd.s32 $0xFFFFFFC0  }
0x1a5: {  	_ =	swait.ge [sflag:s12], $0x40  }
0x1a6: {  	[sflag:s12] =	ssyncset.done $0x0  }
0x1a7: {  	[sflag:s12] =	ssyncadd.s32 $0xFFFFFFC0  }
0x1a8: {  	_ =	swait.ge [sflag:s12], $0x40  }
0x1a9: {  	[sflag:s12] =	ssyncset.done $0x0  }
0x1aa: {  	[sflag:s12] =	ssyncadd.s32 $0xFFFFFFC0  }
0x1ab: {  	_ =	swait.ge [sflag:s12], $0x40  }
0x1ac: {  	[sflag:s12] =	ssyncset.done $0x0  }
0x1ad: {  	[sflag:s12] =	ssyncadd.s32 $0xFFFFFFC0  }
0x1ae: {  	_ =	swait.ge [sflag:s12], $0x40  }
0x1af: {  	[sflag:s12] =	ssyncset.done $0x0  }
0x1b0: {  	[sflag:s12] =	ssyncadd.s32 $0xFFFFFFC0  }
0x1b1: {  	_ =	swait.ge [sflag:s12], $0x40  }
0x1b2: {  	[sflag:s12] =	ssyncset.done $0x0  }
0x1b3: {  	[sflag:s12] =	ssyncadd.s32 $0xFFFFFFC0  }
0x1b4: {  	_ =	swait.ge [sflag:s12], $0x40  }
0x1b5: {  	[sflag:s12] =	ssyncset.done $0x0  }
0x1b6: {  	[sflag:s12] =	ssyncadd.s32 $0xFFFFFFC0  }
0x1b7: {  	_ =	swait.ge [sflag:s12], $0x40  }
0x1b8: {  	[sflag:s12] =	ssyncset.done $0x0  }
0x1b9: {  	[sflag:s12] =	ssyncadd.s32 $0xFFFFFFC0  }
0x1ba: {  	_ =	swait.ge [sflag:s12], $0x40  }
0x1bb: {  	[sflag:s12] =	ssyncset.done $0x0  }
0x1bc: {  	[sflag:s12] =	ssyncadd.s32 $0xFFFFFFC0  }
0x1bd: {  	_ =	swait.ge [sflag:s12], $0x40  }
0x1be: {  	[sflag:s12] =	ssyncset.done $0x0  }
0x1bf: {  	[sflag:s12] =	ssyncadd.s32 $0xFFFFFFC0  }
0x1c0: {  	_ =	swait.ge [sflag:s12], $0x40  }
0x1c1: {  	[sflag:s12] =	ssyncset.done $0x0  }
0x1c2: {  	[sflag:s12] =	ssyncadd.s32 $0xFFFFFFC0  }
0x1c3: {  	_ =	swait.ge [sflag:s12], $0x40  }
0x1c4: {  	[sflag:s12] =	ssyncset.done $0x0  }
0x1c5: {  	[sflag:s12] =	ssyncadd.s32 $0xFFFFFFC0  }
0x1c6: {  	_ =	swait.ge [sflag:s12], $0x40  }
0x1c7: {  	[sflag:s12] =	ssyncset.done $0x0  }
0x1c8: {  	[sflag:s12] =	ssyncadd.s32 $0xFFFFFFC0  }
0x1c9: {  	_ =	swait.ge [sflag:s12], $0x40  }
0x1ca: {  	[sflag:s12] =	ssyncset.done $0x0  }
0x1cb: {  	[sflag:s12] =	ssyncadd.s32 $0xFFFFFFC0  }
0x1cc: {  	_ =	swait.ge [sflag:s12], $0x40  }
0x1cd: {  	[sflag:s12] =	ssyncset.done $0x0  }
0x1ce: {  	[sflag:s12] =	ssyncadd.s32 $0xFFFFFFC0  }
0x1cf: {  	_ =	swait.ge [sflag:s12], $0x40  }
0x1d0: {  	[sflag:s12] =	ssyncset.done $0x0  }
0x1d1: {  	[sflag:s12] =	ssyncadd.s32 $0xFFFFFFC0  }
0x1d2: {  	_ =	swait.ge [sflag:s12], $0x40  }
0x1d3: {  	[sflag:s12] =	ssyncset.done $0x0  }
0x1d4: {  	[sflag:s12] =	ssyncadd.s32 $0xFFFFFFC0  }
0x1d5: {  	v1 =	vmov s20;
	_ =	swait.ge [sflag:s12], $0x40  }
0x1d6: {  	v1 =	vand.u32 $0x7F, v1;
	[sflag:s12] =	ssyncset.done $0x0  }
0x1d7: {  	v1 =	vbroadcast v1, $0x0;
	[sflag:s12] =	ssyncadd.s32 $0xFFFFFFC0  }
0x1d8: {  	_ =	swait.ge [sflag:s12], $0x40  }
0x1d9: {  	v1 =	vor.u32 v0, v1;
	s21 =	simm.s32 $0x1;
	[sflag:s12] =	ssyncset.done $0x0  }
0x1da: {  	v2 =	vmov s21;
	[sflag:s12] =	ssyncadd.s32 $0xFFFFFFC0  }
0x1db: {  	v2 =	vand.u32 $0x7F, v2;
	_ =	swait.ge [sflag:s12], $0x40  }
0x1dc: {  	v2 =	vbroadcast v2, $0x0;
	[sflag:s12] =	ssyncset.done $0x0  }
0x1dd: {  	s22 =	simm.s32 $0x2;
	[sflag:s12] =	ssyncadd.s32 $0xFFFFFFC0  }
0x1de: {  	v7 =	vor.u32 v0, v2;
	v2 =	vmov s22;
	v3 =	vld.idx.msk [tilespmem:v1+s19+$0x0], $0xffff  }
0x1df: {  	v2 =	vand.u32 $0x7F, v2;
	v11 =	vld.idx.msk [tilespmem:v1+s17+$0x0], $0xffff  }
0x1e0: {  	v5 =	vbroadcast v2, $0x0;
	v2 =	vld.idx.msk [tilespmem:v1+s18+$0x0], $0xffff;
	_ =	sdelay $0x1  }
0x1e1: {  	v4 =	vimm.f32 $0.0e+00;
	v8 =	vimm.f32 $0.0e+00  }
0x1e2: {  	v9 =	vimm.f32 $0.0e+00;
	v6 =	vimm.f32 $0.0e+00;
	v10 =	vor.u32 v0, v5;
	v1 =	vld.idx.msk [tilespmem:v7+s19+$0x0], $0xffff  }
0x1e3: {  	s20 =	simm.s32 $0x3;
	v5 =	vimm.f32 $0.0e+00;
	v12 =	vmul.f32 v3, v3;
	v13 =	vmul.f32 v3, v11;
	v3 =	vld.idx.msk [tilespmem:v7+s17+$0x0], $0xffff  }
.LBB2_3:
0x1e4: {  	v14 =	vmul.f32 v2, v11  }
0x1e5: {  	p0 =	sne.s32 s20, $0x3F;
	v11 =	vmul.f32 v11, v11;
	v4 =	vadd.f32 v12, v4;
	v12 =	vmovc v2;
	v2 =	vld.idx.msk [tilespmem:v7+s18+$0x0], $0xffff;
	v7 =	vmov v10;
	s21 =	smov.u32 s20;
	s20 =	sadd.s32 $0x1, s20  }
.Ltmp0:
0x1e6: {  	v15 =	vmov s21;
	v8 =	vadd.f32 v13, v8;
	v12 =	vmul.f32 v12, v12;
	(pc) =	sbr.rel @p0 .LBB2_3-.Ltmp0, $4  }
0x1e7: {  	v15 =	vand.u32 $0x7F, v15;
	v9 =	vadd.f32 v14, v9;
	v5 =	vadd.f32 v11, v5  }
0x1e8: {  	v14 =	vbroadcast v15, $0x0;
	v6 =	vadd.f32 v12, v6  }
0x1e9: {  	v12 =	vmul.f32 v1, v1;
	v13 =	vmov v1;
	v1 =	vld.idx.msk [tilespmem:v10+s19+$0x0], $0xffff  }
0x1ea: {  	v13 =	vmul.f32 v13, v3;
	v11 =	vmov v3;
	v10 =	vor.u32 v0, v14;
	v3 =	vld.idx.msk [tilespmem:v7+s17+$0x0], $0xffff  }
0x1eb: {  	_ =	sdelay $0x3  }
0x1ec: {  	v7 =	vld.idx.msk [tilespmem:v7+s18+$0x0], $0xffff  }
0x1ed: {  	v14 =	vld.idx.msk [tilespmem:v10+s19+$0x0], $0xffff  }
0x1ee: {  	v15 =	vld.idx.msk [tilespmem:v10+s17+$0x0], $0xffff  }
0x1ef: {  	v52 =	vld.idx.msk [tilespmem:v10+s18+$0x0], $0xffff  }
0x1f0: {  	v16 =	vmul.f32 v2, v11  }
0x1f1: {  	v4 =	vadd.f32 v12, v4;
	v55 =	vmul.f32 v11, v11;
	v2 =	vmul.f32 v2, v2  }
0x1f2: {  	v8 =	vadd.f32 v13, v8;
	v9 =	vadd.f32 v16, v9;
	v53 =	vmul.f32 v1, v3  }
0x1f3: {  	v5 =	vadd.f32 v55, v5;
	v1 =	vmul.f32 v1, v1;
	v54 =	vmul.f32 v7, v3  }
0x1f4: {  	v2 =	vadd.f32 v2, v6;
	v56 =	vmul.f32 v14, v15;
	v57 =	vmul.f32 v52, v15  }
0x1f5: {  	v3 =	vmul.f32 v3, v3;
	v58 =	vmul.f32 v7, v7;
	v8 =	vadd.f32 v53, v8  }
0x1f6: {  	v63 =	vmul.f32 v14, v14;
	v1 =	vadd.f32 v1, v4;
	v9 =	vadd.f32 v54, v9  }
0x1f7: {  	s2 =	sadd.s32 $0x1, s2;
	v61 =	vmul.f32 v15, v15;
	v3 =	vadd.f32 v3, v5;
	v2 =	vadd.f32 v58, v2  }
0x1f8: {  	p0 =	sne.s32 s2, $0x20;
	v62 =	vmul.f32 v52, v52;
	v59 =	vadd.f32 v56, v8;
	v1 =	vadd.f32 v63, v1  }
.Ltmp1:
0x1f9: {  	v60 =	vadd.f32 v57, v9;
	v3 =	vadd.f32 v61, v3;
	(pc) =	sbr.rel @p0 .LBB2_2-.Ltmp1, $4  }
0x1fa: {  	v2 =	vadd.f32 v62, v2;
	[tilespmem:s13+$0x2400] =	vst v1  }
0x1fb: {  	v7 =	vsub.f32 v60, v59;
	[tilespmem:s13+$0x2000] =	vst v3  }
0x1fc: {  	[tilespmem:s13+$0x2200] =	vst v2  }
0x1fd: {  	[tilespmem:s13+$0x1E00] =	vst v7  }
0x1fe: {  	s13 =	simm.s32 $0x0;
	s2 =	rddreg [dreg:$0x7];
	s20 =	simm.s32 $0x1E00  }
0x1ff: {  	[hbm4b:s2+s13] =	stream.linear.scatter [tilespmem:s20], [sflag:$0x2], $0x200, $0x38;
	[tilespmem:$0x2600] =	vst v63  }
0x200: {  	s20 =	simm.s32 $0x2  }
0x201: {  	_ =	swait.ge [sflag:s20], $0x200  }
0x202: {  	[sflag:s20] =	ssyncset.done $0x0  }
0x203: {  	s21 =	simm.s32 $0x2000;
	s22 =	rddreg [dreg:$0x9];
	[sflag:s20] =	ssyncadd.s32 $0xFFFFFE00  }
0x204: {  	[hbm4b:s22+s13] =	stream.linear.scatter [tilespmem:s21], [sflag:$0x2], $0x200, $0x38;
	[tilespmem:$0x2600] =	vst v63  }
0x205: {  	_ =	swait.ge [sflag:s20], $0x200  }
0x206: {  	[sflag:s20] =	ssyncset.done $0x0  }
0x207: {  	s22 =	simm.s32 $0x2200;
	s21 =	rddreg [dreg:$0xa];
	[sflag:s20] =	ssyncadd.s32 $0xFFFFFE00  }
0x208: {  	[hbm4b:s21+s13] =	stream.linear.scatter [tilespmem:s22], [sflag:$0x2], $0x200, $0x38;
	[tilespmem:$0x2600] =	vst v63  }
0x209: {  	_ =	swait.ge [sflag:s20], $0x200  }
0x20a: {  	[sflag:s20] =	ssyncset.done $0x0  }
0x20b: {  	s22 =	simm.s32 $0x2400;
	s21 =	rddreg [dreg:$0xb];
	[sflag:s20] =	ssyncadd.s32 $0xFFFFFE00  }
0x20c: {  	[hbm4b:s21+s13] =	stream.linear.scatter [tilespmem:s22], [sflag:$0x2], $0x200, $0x38;
	[tilespmem:$0x2600] =	vst v63  }
0x20d: {  	_ =	swait.ge [sflag:s20], $0x200  }
0x20e: {  	s2 =	rddreg [dreg:$0xd]  }
0x20f: {  	s22 =	rddreg [dreg:$0xc];
	s21 =	sadd.s32 $0x1, s2  }
0x210: {  	p0 =	sne.s32 s21, s22  }
.Ltmp2:
0x211: {  	_ = 	snop;
	(pc) =	sbr.rel @p0 .LBB2_1-.Ltmp2, $3  }
0x212: {  	_ =	sdelay $0x1  }
0x213: {  	[sflag:s20] =	ssyncset.done $0x0  }
0x214: {  	[sflag:s20] =	ssyncadd.s32 $0xFFFFFE00  }
0x215: {  	_ =	sfence.sel $0x180000  }
0x216: {  	[bflag:$0x0] =	sbarrier.arrive $0xFFFF  }
0x217: {  	_ =	strace $0x90000047  }
0x218: {  	s0 =	stileid.u32;
	[bflag:$0x2] =	sbarrier.arrive $0xFFFF  }
0x219: {  	p0 =	sne.s32 s0, $0x0;
	s0 =	rddreg [dreg:$0x4]  }
0x21a: {  	s0 =	sadd.s32 @!p0 $0x100000, s0  }
0x21b: {  	[sflag:s0] =	ssyncadd.tile.s32 @!p0 $0x1;
	_ =	shalt  }
.Lfunc_end2:
_tile_overlayer_lowered:
.L_overlay_start_2:
0x21c: {  	(tag) =	ssettag $0x2  }
0x21d: {  	s0 =	rddreg [dreg:$0x0];
	s2 =	stileid.u32  }
0x21e: {  	s1 =	rddreg [dreg:$0x1];
	p0 =	sne.s32 s2, $0x0  }
0x21f: {  	s3 =	rddreg [dreg:$0x2];
	[bflag:$0x3] =	sbarrier.arrive $0xFFFF;
	s2 =	simm.s32 @!p0 $0x1C02  }
0x220: {  	[timem:s3], [sflag:s2] =	dma.local @!p0 [hbm:s0], s1  }
0x221: {  	s0 =	simm.s32 @!p0 $0x2  }
0x222: {  	_ =	swait.ge @!p0 [sflag:s0], s1  }
0x223: {  	s1 =	ssub.s32 @!p0 $0x0, s1;
	[sflag:s0] =	ssyncset.done @!p0 $0x0  }
0x224: {  	[sflag:s0] =	ssyncadd.s32 @!p0 s1  }
0x225: {  	[bflag:$0x3] =	sbarrier.arrive $0xFFFF  }
0x226: {  	_ =	shalt  }

</sc_bundles>
